<compile_context>
chip_gen: v7x
topology: tpu7x:2x2x1
jax: 0.10.2.dev20260603
libtpu: 0.0.44.dev20260713+nightly
codegen_flags: <defaults>
</compile_context>

<pallas_src>
import functools

import jax
import jax.numpy as jnp
from jax import lax
from jax.experimental import pallas as pl
from jax.experimental.pallas import tpu as pltpu
from jax.experimental.pallas import tpu_sc as plsc

N_NODES = 10000
N_EDGES = 320000
DIM = 128
CLIP = 511

NC, NS, L = 2, 16, 16
HIST = 10240
SPAN = HIST // NS
ECOLS = 128
EROWS = 2512
ROWS_PER_TILE = EROWS // NS
PAD_IDX = N_NODES

_mesh = plsc.VectorSubcoreMesh(
    core_axis_name="c", subcore_axis_name="s", num_cores=NC, num_subcores=NS
)


_params = pltpu.CompilerParams(use_tc_tiling_on_sc=False)


@functools.partial(
    pl.kernel,
    out_type=jax.ShapeDtypeStruct((2, HIST), jnp.int32),
    mesh=_mesh,
    compiler_params=_params,
    scratch_types=[
        pltpu.VMEM((ROWS_PER_TILE, ECOLS), jnp.int32),
        pltpu.VMEM((ECOLS,), jnp.int32),
        pltpu.VMEM((SPAN,), jnp.int32),
        pltpu.VMEM_SHARED((HIST,), jnp.int32),
    ],
)
def _degrees(ei_hbm, deg_hbm, idx_all, ones_v, deg_v, hist_sp):
    c = lax.axis_index("c")
    s = lax.axis_index("s")

    one16 = jnp.full((L,), 1, jnp.int32)
    zero16 = jnp.zeros((L,), jnp.int32)
    for k in range(ECOLS // L):
        ones_v[pl.ds(k * L, L)] = one16
    for k in range(SPAN // L):
        deg_v[pl.ds(k * L, L)] = zero16

    off = pl.multiple_of(s * SPAN, 8)
    pltpu.sync_copy(deg_v, hist_sp.at[pl.ds(off, SPAN)])
    plsc.subcore_barrier()

    pltpu.sync_copy(ei_hbm.at[c, pl.ds(s * ROWS_PER_TILE, ROWS_PER_TILE), :],
                    idx_all)

    @pl.loop(0, ROWS_PER_TILE)
    def _(r):
        pltpu.sync_copy(ones_v, hist_sp.at[idx_all.at[r]], add=True)

    plsc.subcore_barrier()

    pltpu.sync_copy(hist_sp.at[pl.ds(off, SPAN)], deg_v)
    for k in range(SPAN // L):
        sl = pl.ds(k * L, L)
        deg_v[sl] = jnp.minimum(deg_v[sl], CLIP)
    pltpu.sync_copy(deg_v, deg_hbm.at[c, pl.ds(off, SPAN)])


CHUNK = 64
PER_TILE = 320


@functools.partial(
    pl.kernel,
    out_type=jax.ShapeDtypeStruct((N_NODES, DIM), jnp.float32),
    mesh=_mesh,
    compiler_params=_params,
    scratch_types=[
        pltpu.VMEM((CHUNK,), jnp.int32),
        pltpu.VMEM((CHUNK,), jnp.int32),
        pltpu.VMEM((CHUNK, DIM), jnp.float32),
        pltpu.VMEM((CHUNK, DIM), jnp.float32),
        pltpu.VMEM((CHUNK, DIM), jnp.float32),
        pltpu.SemaphoreType.DMA,
    ],
)
def _encode(x_hbm, deg_hbm, zin_hbm, zout_hbm, out_hbm,
            din_v, dout_v, xb, zib, zob, sem):
    c = lax.axis_index("c")
    s = lax.axis_index("s")
    w = s * NC + c

    zero16 = jnp.zeros((L,), jnp.int32)
    for k in range(CHUNK // L):
        din_v[pl.ds(k * L, L)] = zero16
        dout_v[pl.ds(k * L, L)] = zero16

    def do_chunk(n0, cn):
        n0 = pl.multiple_of(n0, 8)
        pltpu.sync_copy(deg_hbm.at[1, pl.ds(n0, cn)], din_v.at[pl.ds(0, cn)])
        pltpu.sync_copy(deg_hbm.at[0, pl.ds(n0, cn)], dout_v.at[pl.ds(0, cn)])
        pltpu.sync_copy(x_hbm.at[pl.ds(n0, cn), :], xb.at[pl.ds(0, cn), :])
        cp1 = pltpu.async_copy(zin_hbm.at[din_v], zib, sem)
        cp2 = pltpu.async_copy(zout_hbm.at[dout_v], zob, sem)
        cp1.wait()
        cp2.wait()

        @pl.loop(0, cn)
        def _(i):
            for k in range(DIM // L):
                sl = pl.ds(k * L, L)
                xb[i, sl] = xb[i, sl] + zib[i, sl] + zob[i, sl]

        pltpu.sync_copy(xb.at[pl.ds(0, cn), :], out_hbm.at[pl.ds(n0, cn), :])

    nfull = jnp.where(w < 31, PER_TILE // CHUNK, 1)

    @pl.loop(0, nfull)
    def _(j):
        do_chunk(w * PER_TILE + j * CHUNK, CHUNK)

    @pl.when(w == 31)
    def _():
        do_chunk(jnp.int32(N_NODES - 16), 16)


def kernel(x, edge_index, z_in, z_out):
    pad = EROWS * ECOLS - N_EDGES
    ei = jnp.concatenate(
        [edge_index, jnp.full((2, pad), PAD_IDX, jnp.int32)], axis=1
    ).reshape(2, EROWS, ECOLS)
    deg = _degrees(ei)
    return _encode(x, deg, z_in, z_out)

# --- scband reference (transcript-rebuilt; emitter-appended) ---
"""Pipeline reference for scband-centrality-encoding-57655640982213 (READ-ONLY COPY).

The authoritative reference and input builder live on the scoring server;
editing this copy changes nothing except your own understanding.
"""

import jax, jax.numpy as jnp
import numpy as np

NUM_NODES = 10000
NUM_EDGES = 320000
NODE_DIM = 128
MAX_IN_DEGREE = 512
MAX_OUT_DEGREE = 512


def setup_inputs(seed: int = 0) -> dict:
    key = jax.random.key(seed)
    k1, k2, k3, k4 = jax.random.split(key, 4)
    x = jax.random.normal(k1, (NUM_NODES, NODE_DIM), dtype=jnp.float32)
    edge_index = jax.random.randint(k2, (2, NUM_EDGES), 0, NUM_NODES, dtype=jnp.int32)
    z_in = jax.random.normal(k3, (MAX_IN_DEGREE, NODE_DIM), dtype=jnp.float32)
    z_out = jax.random.normal(k4, (MAX_OUT_DEGREE, NODE_DIM), dtype=jnp.float32)
    return {"x": x, "edge_index": edge_index, "z_in": z_in, "z_out": z_out}


def reference(x, edge_index, z_in, z_out):
    num_nodes = x.shape[0]
    in_degree = jnp.clip(jnp.bincount(edge_index[1], length=num_nodes), 0, z_in.shape[0] - 1)
    out_degree = jnp.clip(jnp.bincount(edge_index[0], length=num_nodes), 0, z_out.shape[0] - 1)
    return x + jnp.take(z_in, in_degree, axis=0) + jnp.take(z_out, out_degree, axis=0)

if __name__ == "__main__":
    import jax
    _d = setup_inputs()
    print(jax.jit(kernel)(*tuple(_d.values())))

</pallas_src>

<mosaic_0001>
#map = affine_map<(d0, d1) -> (0, 0, 0)>
#map1 = affine_map<(d0, d1) -> (0, 0)>
module attributes {stable_mosaic.version = 14 : i64} {
  func.func @_degrees(%arg0: i32, %arg1: i32, %arg2: memref<2x2512x128xi32, #tpu.memory_space<hbm>>, %arg3: memref<2x10240xi32, #tpu.memory_space<hbm>>, %arg4: memref<157x128xi32, #tpu.memory_space<vmem>>, %arg5: memref<128xi32, #tpu.memory_space<vmem>>, %arg6: memref<640xi32, #tpu.memory_space<vmem>>, %arg7: memref<10240xi32, #tpu.memory_space<vmem_shared>>) attributes {dimension_semantics = [#tpu.dimension_semantics<core_parallel>, #tpu.dimension_semantics<subcore_parallel>], iteration_bounds = array<i64: 2, 16>, scalar_prefetch = 0 : i64, scratch_operands = 4 : i64, tpu.core_type = #tpu.core_type<sc_vector_subcore>, window_params = [{transform_indices = #map}, {transform_indices = #map1}]} {
    %broadcast_in_dim3A = arith.constant 1 : i32
    %broadcast_in_dim3A_0 = vector.broadcast %broadcast_in_dim3A : i32 to vector<16xi32>
    %broadcast_in_dim3A_1 = arith.constant 0 : i32
    %broadcast_in_dim3A_2 = vector.broadcast %broadcast_in_dim3A_1 : i32 to vector<16xi32>
    %swap3A = arith.constant 0 : index
    %swap3A_3 = tpu.vector_load %arg5[%swap3A] {strides = array<i32>} : memref<128xi32, #tpu.memory_space<vmem>>, vector<16xi32>,
    %swap3A_4 = vector.shape_cast %swap3A_3 : vector<16xi32> to vector<16xi32>
    %swap3A_5 = vector.shape_cast %broadcast_in_dim3A_0 : vector<16xi32> to vector<16xi32>
    tpu.vector_store %arg5[%swap3A], %swap3A_5 {strides = array<i32>} : memref<128xi32, #tpu.memory_space<vmem>>, vector<16xi32>,
    %swap3A_6 = arith.constant 16 : index
    %swap3A_7 = tpu.vector_load %arg5[%swap3A_6] {strides = array<i32>} : memref<128xi32, #tpu.memory_space<vmem>>, vector<16xi32>,
    %swap3A_8 = vector.shape_cast %swap3A_7 : vector<16xi32> to vector<16xi32>
    %swap3A_9 = vector.shape_cast %broadcast_in_dim3A_0 : vector<16xi32> to vector<16xi32>
    tpu.vector_store %arg5[%swap3A_6], %swap3A_9 {strides = array<i32>} : memref<128xi32, #tpu.memory_space<vmem>>, vector<16xi32>,
    %swap3A_10 = arith.constant 32 : index
    %swap3A_11 = tpu.vector_load %arg5[%swap3A_10] {strides = array<i32>} : memref<128xi32, #tpu.memory_space<vmem>>, vector<16xi32>,
    %swap3A_12 = vector.shape_cast %swap3A_11 : vector<16xi32> to vector<16xi32>
    %swap3A_13 = vector.shape_cast %broadcast_in_dim3A_0 : vector<16xi32> to vector<16xi32>
    tpu.vector_store %arg5[%swap3A_10], %swap3A_13 {strides = array<i32>} : memref<128xi32, #tpu.memory_space<vmem>>, vector<16xi32>,
    %swap3A_14 = arith.constant 48 : index
    %swap3A_15 = tpu.vector_load %arg5[%swap3A_14] {strides = array<i32>} : memref<128xi32, #tpu.memory_space<vmem>>, vector<16xi32>,
    %swap3A_16 = vector.shape_cast %swap3A_15 : vector<16xi32> to vector<16xi32>
    %swap3A_17 = vector.shape_cast %broadcast_in_dim3A_0 : vector<16xi32> to vector<16xi32>
    tpu.vector_store %arg5[%swap3A_14], %swap3A_17 {strides = array<i32>} : memref<128xi32, #tpu.memory_space<vmem>>, vector<16xi32>,
    %swap3A_18 = arith.constant 64 : index
    %swap3A_19 = tpu.vector_load %arg5[%swap3A_18] {strides = array<i32>} : memref<128xi32, #tpu.memory_space<vmem>>, vector<16xi32>,
    %swap3A_20 = vector.shape_cast %swap3A_19 : vector<16xi32> to vector<16xi32>
    %swap3A_21 = vector.shape_cast %broadcast_in_dim3A_0 : vector<16xi32> to vector<16xi32>
    tpu.vector_store %arg5[%swap3A_18], %swap3A_21 {strides = array<i32>} : memref<128xi32, #tpu.memory_space<vmem>>, vector<16xi32>,
    %swap3A_22 = arith.constant 80 : index
    %swap3A_23 = tpu.vector_load %arg5[%swap3A_22] {strides = array<i32>} : memref<128xi32, #tpu.memory_space<vmem>>, vector<16xi32>,
    %swap3A_24 = vector.shape_cast %swap3A_23 : vector<16xi32> to vector<16xi32>
    %swap3A_25 = vector.shape_cast %broadcast_in_dim3A_0 : vector<16xi32> to vector<16xi32>
    tpu.vector_store %arg5[%swap3A_22], %swap3A_25 {strides = array<i32>} : memref<128xi32, #tpu.memory_space<vmem>>, vector<16xi32>,
    %swap3A_26 = arith.constant 96 : index
    %swap3A_27 = tpu.vector_load %arg5[%swap3A_26] {strides = array<i32>} : memref<128xi32, #tpu.memory_space<vmem>>, vector<16xi32>,
    %swap3A_28 = vector.shape_cast %swap3A_27 : vector<16xi32> to vector<16xi32>
    %swap3A_29 = vector.shape_cast %broadcast_in_dim3A_0 : vector<16xi32> to vector<16xi32>
    tpu.vector_store %arg5[%swap3A_26], %swap3A_29 {strides = array<i32>} : memref<128xi32, #tpu.memory_space<vmem>>, vector<16xi32>,
    %swap3A_30 = arith.constant 112 : index
    %swap3A_31 = tpu.vector_load %arg5[%swap3A_30] {strides = array<i32>} : memref<128xi32, #tpu.memory_space<vmem>>, vector<16xi32>,
    %swap3A_32 = vector.shape_cast %swap3A_31 : vector<16xi32> to vector<16xi32>
    %swap3A_33 = vector.shape_cast %broadcast_in_dim3A_0 : vector<16xi32> to vector<16xi32>
    tpu.vector_store %arg5[%swap3A_30], %swap3A_33 {strides = array<i32>} : memref<128xi32, #tpu.memory_space<vmem>>, vector<16xi32>,
    %swap3A_34 = arith.constant 0 : index
    %swap3A_35 = tpu.vector_load %arg6[%swap3A_34] {strides = array<i32>} : memref<640xi32, #tpu.memory_space<vmem>>, vector<16xi32>,
    %swap3A_36 = vector.shape_cast %swap3A_35 : vector<16xi32> to vector<16xi32>
    %swap3A_37 = vector.shape_cast %broadcast_in_dim3A_2 : vector<16xi32> to vector<16xi32>
    tpu.vector_store %arg6[%swap3A_34], %swap3A_37 {strides = array<i32>} : memref<640xi32, #tpu.memory_space<vmem>>, vector<16xi32>,
    %swap3A_38 = arith.constant 16 : index
    %swap3A_39 = tpu.vector_load %arg6[%swap3A_38] {strides = array<i32>} : memref<640xi32, #tpu.memory_space<vmem>>, vector<16xi32>,
    %swap3A_40 = vector.shape_cast %swap3A_39 : vector<16xi32> to vector<16xi32>
    %swap3A_41 = vector.shape_cast %broadcast_in_dim3A_2 : vector<16xi32> to vector<16xi32>
    tpu.vector_store %arg6[%swap3A_38], %swap3A_41 {strides = array<i32>} : memref<640xi32, #tpu.memory_space<vmem>>, vector<16xi32>,
    %swap3A_42 = arith.constant 32 : index
    %swap3A_43 = tpu.vector_load %arg6[%swap3A_42] {strides = array<i32>} : memref<640xi32, #tpu.memory_space<vmem>>, vector<16xi32>,
    %swap3A_44 = vector.shape_cast %swap3A_43 : vector<16xi32> to vector<16xi32>
    %swap3A_45 = vector.shape_cast %broadcast_in_dim3A_2 : vector<16xi32> to vector<16xi32>
    tpu.vector_store %arg6[%swap3A_42], %swap3A_45 {strides = array<i32>} : memref<640xi32, #tpu.memory_space<vmem>>, vector<16xi32>,
    %swap3A_46 = arith.constant 48 : index
    %swap3A_47 = tpu.vector_load %arg6[%swap3A_46] {strides = array<i32>} : memref<640xi32, #tpu.memory_space<vmem>>, vector<16xi32>,
    %swap3A_48 = vector.shape_cast %swap3A_47 : vector<16xi32> to vector<16xi32>
    %swap3A_49 = vector.shape_cast %broadcast_in_dim3A_2 : vector<16xi32> to vector<16xi32>
    tpu.vector_store %arg6[%swap3A_46], %swap3A_49 {strides = array<i32>} : memref<640xi32, #tpu.memory_space<vmem>>, vector<16xi32>,
    %swap3A_50 = arith.constant 64 : index
    %swap3A_51 = tpu.vector_load %arg6[%swap3A_50] {strides = array<i32>} : memref<640xi32, #tpu.memory_space<vmem>>, vector<16xi32>,
    %swap3A_52 = vector.shape_cast %swap3A_51 : vector<16xi32> to vector<16xi32>
    %swap3A_53 = vector.shape_cast %broadcast_in_dim3A_2 : vector<16xi32> to vector<16xi32>
    tpu.vector_store %arg6[%swap3A_50], %swap3A_53 {strides = array<i32>} : memref<640xi32, #tpu.memory_space<vmem>>, vector<16xi32>,
    %swap3A_54 = arith.constant 80 : index
    %swap3A_55 = tpu.vector_load %arg6[%swap3A_54] {strides = array<i32>} : memref<640xi32, #tpu.memory_space<vmem>>, vector<16xi32>,
    %swap3A_56 = vector.shape_cast %swap3A_55 : vector<16xi32> to vector<16xi32>
    %swap3A_57 = vector.shape_cast %broadcast_in_dim3A_2 : vector<16xi32> to vector<16xi32>
    tpu.vector_store %arg6[%swap3A_54], %swap3A_57 {strides = array<i32>} : memref<640xi32, #tpu.memory_space<vmem>>, vector<16xi32>,
    %swap3A_58 = arith.constant 96 : index
    %swap3A_59 = tpu.vector_load %arg6[%swap3A_58] {strides = array<i32>} : memref<640xi32, #tpu.memory_space<vmem>>, vector<16xi32>,
    %swap3A_60 = vector.shape_cast %swap3A_59 : vector<16xi32> to vector<16xi32>
    %swap3A_61 = vector.shape_cast %broadcast_in_dim3A_2 : vector<16xi32> to vector<16xi32>
    tpu.vector_store %arg6[%swap3A_58], %swap3A_61 {strides = array<i32>} : memref<640xi32, #tpu.memory_space<vmem>>, vector<16xi32>,
    %swap3A_62 = arith.constant 112 : index
    %swap3A_63 = tpu.vector_load %arg6[%swap3A_62] {strides = array<i32>} : memref<640xi32, #tpu.memory_space<vmem>>, vector<16xi32>,
    %swap3A_64 = vector.shape_cast %swap3A_63 : vector<16xi32> to vector<16xi32>
    %swap3A_65 = vector.shape_cast %broadcast_in_dim3A_2 : vector<16xi32> to vector<16xi32>
    tpu.vector_store %arg6[%swap3A_62], %swap3A_65 {strides = array<i32>} : memref<640xi32, #tpu.memory_space<vmem>>, vector<16xi32>,
    %swap3A_66 = arith.constant 128 : index
    %swap3A_67 = tpu.vector_load %arg6[%swap3A_66] {strides = array<i32>} : memref<640xi32, #tpu.memory_space<vmem>>, vector<16xi32>,
    %swap3A_68 = vector.shape_cast %swap3A_67 : vector<16xi32> to vector<16xi32>
    %swap3A_69 = vector.shape_cast %broadcast_in_dim3A_2 : vector<16xi32> to vector<16xi32>
    tpu.vector_store %arg6[%swap3A_66], %swap3A_69 {strides = array<i32>} : memref<640xi32, #tpu.memory_space<vmem>>, vector<16xi32>,
    %swap3A_70 = arith.constant 144 : index
    %swap3A_71 = tpu.vector_load %arg6[%swap3A_70] {strides = array<i32>} : memref<640xi32, #tpu.memory_space<vmem>>, vector<16xi32>,
    %swap3A_72 = vector.shape_cast %swap3A_71 : vector<16xi32> to vector<16xi32>
    %swap3A_73 = vector.shape_cast %broadcast_in_dim3A_2 : vector<16xi32> to vector<16xi32>
    tpu.vector_store %arg6[%swap3A_70], %swap3A_73 {strides = array<i32>} : memref<640xi32, #tpu.memory_space<vmem>>, vector<16xi32>,
    %swap3A_74 = arith.constant 160 : index
    %swap3A_75 = tpu.vector_load %arg6[%swap3A_74] {strides = array<i32>} : memref<640xi32, #tpu.memory_space<vmem>>, vector<16xi32>,
    %swap3A_76 = vector.shape_cast %swap3A_75 : vector<16xi32> to vector<16xi32>
    %swap3A_77 = vector.shape_cast %broadcast_in_dim3A_2 : vector<16xi32> to vector<16xi32>
    tpu.vector_store %arg6[%swap3A_74], %swap3A_77 {strides = array<i32>} : memref<640xi32, #tpu.memory_space<vmem>>, vector<16xi32>,
    %swap3A_78 = arith.constant 176 : index
    %swap3A_79 = tpu.vector_load %arg6[%swap3A_78] {strides = array<i32>} : memref<640xi32, #tpu.memory_space<vmem>>, vector<16xi32>,
    %swap3A_80 = vector.shape_cast %swap3A_79 : vector<16xi32> to vector<16xi32>
    %swap3A_81 = vector.shape_cast %broadcast_in_dim3A_2 : vector<16xi32> to vector<16xi32>
    tpu.vector_store %arg6[%swap3A_78], %swap3A_81 {strides = array<i32>} : memref<640xi32, #tpu.memory_space<vmem>>, vector<16xi32>,
    %swap3A_82 = arith.constant 192 : index
    %swap3A_83 = tpu.vector_load %arg6[%swap3A_82] {strides = array<i32>} : memref<640xi32, #tpu.memory_space<vmem>>, vector<16xi32>,
    %swap3A_84 = vector.shape_cast %swap3A_83 : vector<16xi32> to vector<16xi32>
    %swap3A_85 = vector.shape_cast %broadcast_in_dim3A_2 : vector<16xi32> to vector<16xi32>
    tpu.vector_store %arg6[%swap3A_82], %swap3A_85 {strides = array<i32>} : memref<640xi32, #tpu.memory_space<vmem>>, vector<16xi32>,
    %swap3A_86 = arith.constant 208 : index
    %swap3A_87 = tpu.vector_load %arg6[%swap3A_86] {strides = array<i32>} : memref<640xi32, #tpu.memory_space<vmem>>, vector<16xi32>,
    %swap3A_88 = vector.shape_cast %swap3A_87 : vector<16xi32> to vector<16xi32>
    %swap3A_89 = vector.shape_cast %broadcast_in_dim3A_2 : vector<16xi32> to vector<16xi32>
    tpu.vector_store %arg6[%swap3A_86], %swap3A_89 {strides = array<i32>} : memref<640xi32, #tpu.memory_space<vmem>>, vector<16xi32>,
    %swap3A_90 = arith.constant 224 : index
    %swap3A_91 = tpu.vector_load %arg6[%swap3A_90] {strides = array<i32>} : memref<640xi32, #tpu.memory_space<vmem>>, vector<16xi32>,
    %swap3A_92 = vector.shape_cast %swap3A_91 : vector<16xi32> to vector<16xi32>
    %swap3A_93 = vector.shape_cast %broadcast_in_dim3A_2 : vector<16xi32> to vector<16xi32>
    tpu.vector_store %arg6[%swap3A_90], %swap3A_93 {strides = array<i32>} : memref<640xi32, #tpu.memory_space<vmem>>, vector<16xi32>,
    %swap3A_94 = arith.constant 240 : index
    %swap3A_95 = tpu.vector_load %arg6[%swap3A_94] {strides = array<i32>} : memref<640xi32, #tpu.memory_space<vmem>>, vector<16xi32>,
    %swap3A_96 = vector.shape_cast %swap3A_95 : vector<16xi32> to vector<16xi32>
    %swap3A_97 = vector.shape_cast %broadcast_in_dim3A_2 : vector<16xi32> to vector<16xi32>
    tpu.vector_store %arg6[%swap3A_94], %swap3A_97 {strides = array<i32>} : memref<640xi32, #tpu.memory_space<vmem>>, vector<16xi32>,
    %swap3A_98 = arith.constant 256 : index
    %swap3A_99 = tpu.vector_load %arg6[%swap3A_98] {strides = array<i32>} : memref<640xi32, #tpu.memory_space<vmem>>, vector<16xi32>,
    %swap3A_100 = vector.shape_cast %swap3A_99 : vector<16xi32> to vector<16xi32>
    %swap3A_101 = vector.shape_cast %broadcast_in_dim3A_2 : vector<16xi32> to vector<16xi32>
    tpu.vector_store %arg6[%swap3A_98], %swap3A_101 {strides = array<i32>} : memref<640xi32, #tpu.memory_space<vmem>>, vector<16xi32>,
    %swap3A_102 = arith.constant 272 : index
    %swap3A_103 = tpu.vector_load %arg6[%swap3A_102] {strides = array<i32>} : memref<640xi32, #tpu.memory_space<vmem>>, vector<16xi32>,
    %swap3A_104 = vector.shape_cast %swap3A_103 : vector<16xi32> to vector<16xi32>
    %swap3A_105 = vector.shape_cast %broadcast_in_dim3A_2 : vector<16xi32> to vector<16xi32>
    tpu.vector_store %arg6[%swap3A_102], %swap3A_105 {strides = array<i32>} : memref<640xi32, #tpu.memory_space<vmem>>, vector<16xi32>,
    %swap3A_106 = arith.constant 288 : index
    %swap3A_107 = tpu.vector_load %arg6[%swap3A_106] {strides = array<i32>} : memref<640xi32, #tpu.memory_space<vmem>>, vector<16xi32>,
    %swap3A_108 = vector.shape_cast %swap3A_107 : vector<16xi32> to vector<16xi32>
    %swap3A_109 = vector.shape_cast %broadcast_in_dim3A_2 : vector<16xi32> to vector<16xi32>
    tpu.vector_store %arg6[%swap3A_106], %swap3A_109 {strides = array<i32>} : memref<640xi32, #tpu.memory_space<vmem>>, vector<16xi32>,
    %swap3A_110 = arith.constant 304 : index
    %swap3A_111 = tpu.vector_load %arg6[%swap3A_110] {strides = array<i32>} : memref<640xi32, #tpu.memory_space<vmem>>, vector<16xi32>,
    %swap3A_112 = vector.shape_cast %swap3A_111 : vector<16xi32> to vector<16xi32>
    %swap3A_113 = vector.shape_cast %broadcast_in_dim3A_2 : vector<16xi32> to vector<16xi32>
    tpu.vector_store %arg6[%swap3A_110], %swap3A_113 {strides = array<i32>} : memref<640xi32, #tpu.memory_space<vmem>>, vector<16xi32>,
    %swap3A_114 = arith.constant 320 : index
    %swap3A_115 = tpu.vector_load %arg6[%swap3A_114] {strides = array<i32>} : memref<640xi32, #tpu.memory_space<vmem>>, vector<16xi32>,
    %swap3A_116 = vector.shape_cast %swap3A_115 : vector<16xi32> to vector<16xi32>
    %swap3A_117 = vector.shape_cast %broadcast_in_dim3A_2 : vector<16xi32> to vector<16xi32>
    tpu.vector_store %arg6[%swap3A_114], %swap3A_117 {strides = array<i32>} : memref<640xi32, #tpu.memory_space<vmem>>, vector<16xi32>,
    %swap3A_118 = arith.constant 336 : index
    %swap3A_119 = tpu.vector_load %arg6[%swap3A_118] {strides = array<i32>} : memref<640xi32, #tpu.memory_space<vmem>>, vector<16xi32>,
    %swap3A_120 = vector.shape_cast %swap3A_119 : vector<16xi32> to vector<16xi32>
    %swap3A_121 = vector.shape_cast %broadcast_in_dim3A_2 : vector<16xi32> to vector<16xi32>
    tpu.vector_store %arg6[%swap3A_118], %swap3A_121 {strides = array<i32>} : memref<640xi32, #tpu.memory_space<vmem>>, vector<16xi32>,
    %swap3A_122 = arith.constant 352 : index
    %swap3A_123 = tpu.vector_load %arg6[%swap3A_122] {strides = array<i32>} : memref<640xi32, #tpu.memory_space<vmem>>, vector<16xi32>,
    %swap3A_124 = vector.shape_cast %swap3A_123 : vector<16xi32> to vector<16xi32>
    %swap3A_125 = vector.shape_cast %broadcast_in_dim3A_2 : vector<16xi32> to vector<16xi32>
    tpu.vector_store %arg6[%swap3A_122], %swap3A_125 {strides = array<i32>} : memref<640xi32, #tpu.memory_space<vmem>>, vector<16xi32>,
    %swap3A_126 = arith.constant 368 : index
    %swap3A_127 = tpu.vector_load %arg6[%swap3A_126] {strides = array<i32>} : memref<640xi32, #tpu.memory_space<vmem>>, vector<16xi32>,
    %swap3A_128 = vector.shape_cast %swap3A_127 : vector<16xi32> to vector<16xi32>
    %swap3A_129 = vector.shape_cast %broadcast_in_dim3A_2 : vector<16xi32> to vector<16xi32>
    tpu.vector_store %arg6[%swap3A_126], %swap3A_129 {strides = array<i32>} : memref<640xi32, #tpu.memory_space<vmem>>, vector<16xi32>,
    %swap3A_130 = arith.constant 384 : index
    %swap3A_131 = tpu.vector_load %arg6[%swap3A_130] {strides = array<i32>} : memref<640xi32, #tpu.memory_space<vmem>>, vector<16xi32>,
    %swap3A_132 = vector.shape_cast %swap3A_131 : vector<16xi32> to vector<16xi32>
    %swap3A_133 = vector.shape_cast %broadcast_in_dim3A_2 : vector<16xi32> to vector<16xi32>
    tpu.vector_store %arg6[%swap3A_130], %swap3A_133 {strides = array<i32>} : memref<640xi32, #tpu.memory_space<vmem>>, vector<16xi32>,
    %swap3A_134 = arith.constant 400 : index
    %swap3A_135 = tpu.vector_load %arg6[%swap3A_134] {strides = array<i32>} : memref<640xi32, #tpu.memory_space<vmem>>, vector<16xi32>,
    %swap3A_136 = vector.shape_cast %swap3A_135 : vector<16xi32> to vector<16xi32>
    %swap3A_137 = vector.shape_cast %broadcast_in_dim3A_2 : vector<16xi32> to vector<16xi32>
    tpu.vector_store %arg6[%swap3A_134], %swap3A_137 {strides = array<i32>} : memref<640xi32, #tpu.memory_space<vmem>>, vector<16xi32>,
    %swap3A_138 = arith.constant 416 : index
    %swap3A_139 = tpu.vector_load %arg6[%swap3A_138] {strides = array<i32>} : memref<640xi32, #tpu.memory_space<vmem>>, vector<16xi32>,
    %swap3A_140 = vector.shape_cast %swap3A_139 : vector<16xi32> to vector<16xi32>
    %swap3A_141 = vector.shape_cast %broadcast_in_dim3A_2 : vector<16xi32> to vector<16xi32>
    tpu.vector_store %arg6[%swap3A_138], %swap3A_141 {strides = array<i32>} : memref<640xi32, #tpu.memory_space<vmem>>, vector<16xi32>,
    %swap3A_142 = arith.constant 432 : index
    %swap3A_143 = tpu.vector_load %arg6[%swap3A_142] {strides = array<i32>} : memref<640xi32, #tpu.memory_space<vmem>>, vector<16xi32>,
    %swap3A_144 = vector.shape_cast %swap3A_143 : vector<16xi32> to vector<16xi32>
    %swap3A_145 = vector.shape_cast %broadcast_in_dim3A_2 : vector<16xi32> to vector<16xi32>
    tpu.vector_store %arg6[%swap3A_142], %swap3A_145 {strides = array<i32>} : memref<640xi32, #tpu.memory_space<vmem>>, vector<16xi32>,
    %swap3A_146 = arith.constant 448 : index
    %swap3A_147 = tpu.vector_load %arg6[%swap3A_146] {strides = array<i32>} : memref<640xi32, #tpu.memory_space<vmem>>, vector<16xi32>,
    %swap3A_148 = vector.shape_cast %swap3A_147 : vector<16xi32> to vector<16xi32>
    %swap3A_149 = vector.shape_cast %broadcast_in_dim3A_2 : vector<16xi32> to vector<16xi32>
    tpu.vector_store %arg6[%swap3A_146], %swap3A_149 {strides = array<i32>} : memref<640xi32, #tpu.memory_space<vmem>>, vector<16xi32>,
    %swap3A_150 = arith.constant 464 : index
    %swap3A_151 = tpu.vector_load %arg6[%swap3A_150] {strides = array<i32>} : memref<640xi32, #tpu.memory_space<vmem>>, vector<16xi32>,
    %swap3A_152 = vector.shape_cast %swap3A_151 : vector<16xi32> to vector<16xi32>
    %swap3A_153 = vector.shape_cast %broadcast_in_dim3A_2 : vector<16xi32> to vector<16xi32>
    tpu.vector_store %arg6[%swap3A_150], %swap3A_153 {strides = array<i32>} : memref<640xi32, #tpu.memory_space<vmem>>, vector<16xi32>,
    %swap3A_154 = arith.constant 480 : index
    %swap3A_155 = tpu.vector_load %arg6[%swap3A_154] {strides = array<i32>} : memref<640xi32, #tpu.memory_space<vmem>>, vector<16xi32>,
    %swap3A_156 = vector.shape_cast %swap3A_155 : vector<16xi32> to vector<16xi32>
    %swap3A_157 = vector.shape_cast %broadcast_in_dim3A_2 : vector<16xi32> to vector<16xi32>
    tpu.vector_store %arg6[%swap3A_154], %swap3A_157 {strides = array<i32>} : memref<640xi32, #tpu.memory_space<vmem>>, vector<16xi32>,
    %swap3A_158 = arith.constant 496 : index
    %swap3A_159 = tpu.vector_load %arg6[%swap3A_158] {strides = array<i32>} : memref<640xi32, #tpu.memory_space<vmem>>, vector<16xi32>,
    %swap3A_160 = vector.shape_cast %swap3A_159 : vector<16xi32> to vector<16xi32>
    %swap3A_161 = vector.shape_cast %broadcast_in_dim3A_2 : vector<16xi32> to vector<16xi32>
    tpu.vector_store %arg6[%swap3A_158], %swap3A_161 {strides = array<i32>} : memref<640xi32, #tpu.memory_space<vmem>>, vector<16xi32>,
    %swap3A_162 = arith.constant 512 : index
    %swap3A_163 = tpu.vector_load %arg6[%swap3A_162] {strides = array<i32>} : memref<640xi32, #tpu.memory_space<vmem>>, vector<16xi32>,
    %swap3A_164 = vector.shape_cast %swap3A_163 : vector<16xi32> to vector<16xi32>
    %swap3A_165 = vector.shape_cast %broadcast_in_dim3A_2 : vector<16xi32> to vector<16xi32>
    tpu.vector_store %arg6[%swap3A_162], %swap3A_165 {strides = array<i32>} : memref<640xi32, #tpu.memory_space<vmem>>, vector<16xi32>,
    %swap3A_166 = arith.constant 528 : index
    %swap3A_167 = tpu.vector_load %arg6[%swap3A_166] {strides = array<i32>} : memref<640xi32, #tpu.memory_space<vmem>>, vector<16xi32>,
    %swap3A_168 = vector.shape_cast %swap3A_167 : vector<16xi32> to vector<16xi32>
    %swap3A_169 = vector.shape_cast %broadcast_in_dim3A_2 : vector<16xi32> to vector<16xi32>
    tpu.vector_store %arg6[%swap3A_166], %swap3A_169 {strides = array<i32>} : memref<640xi32, #tpu.memory_space<vmem>>, vector<16xi32>,
    %swap3A_170 = arith.constant 544 : index
    %swap3A_171 = tpu.vector_load %arg6[%swap3A_170] {strides = array<i32>} : memref<640xi32, #tpu.memory_space<vmem>>, vector<16xi32>,
    %swap3A_172 = vector.shape_cast %swap3A_171 : vector<16xi32> to vector<16xi32>
    %swap3A_173 = vector.shape_cast %broadcast_in_dim3A_2 : vector<16xi32> to vector<16xi32>
    tpu.vector_store %arg6[%swap3A_170], %swap3A_173 {strides = array<i32>} : memref<640xi32, #tpu.memory_space<vmem>>, vector<16xi32>,
    %swap3A_174 = arith.constant 560 : index
    %swap3A_175 = tpu.vector_load %arg6[%swap3A_174] {strides = array<i32>} : memref<640xi32, #tpu.memory_space<vmem>>, vector<16xi32>,
    %swap3A_176 = vector.shape_cast %swap3A_175 : vector<16xi32> to vector<16xi32>
    %swap3A_177 = vector.shape_cast %broadcast_in_dim3A_2 : vector<16xi32> to vector<16xi32>
    tpu.vector_store %arg6[%swap3A_174], %swap3A_177 {strides = array<i32>} : memref<640xi32, #tpu.memory_space<vmem>>, vector<16xi32>,
    %swap3A_178 = arith.constant 576 : index
    %swap3A_179 = tpu.vector_load %arg6[%swap3A_178] {strides = array<i32>} : memref<640xi32, #tpu.memory_space<vmem>>, vector<16xi32>,
    %swap3A_180 = vector.shape_cast %swap3A_179 : vector<16xi32> to vector<16xi32>
    %swap3A_181 = vector.shape_cast %broadcast_in_dim3A_2 : vector<16xi32> to vector<16xi32>
    tpu.vector_store %arg6[%swap3A_178], %swap3A_181 {strides = array<i32>} : memref<640xi32, #tpu.memory_space<vmem>>, vector<16xi32>,
    %swap3A_182 = arith.constant 592 : index
    %swap3A_183 = tpu.vector_load %arg6[%swap3A_182] {strides = array<i32>} : memref<640xi32, #tpu.memory_space<vmem>>, vector<16xi32>,
    %swap3A_184 = vector.shape_cast %swap3A_183 : vector<16xi32> to vector<16xi32>
    %swap3A_185 = vector.shape_cast %broadcast_in_dim3A_2 : vector<16xi32> to vector<16xi32>
    tpu.vector_store %arg6[%swap3A_182], %swap3A_185 {strides = array<i32>} : memref<640xi32, #tpu.memory_space<vmem>>, vector<16xi32>,
    %swap3A_186 = arith.constant 608 : index
    %swap3A_187 = tpu.vector_load %arg6[%swap3A_186] {strides = array<i32>} : memref<640xi32, #tpu.memory_space<vmem>>, vector<16xi32>,
    %swap3A_188 = vector.shape_cast %swap3A_187 : vector<16xi32> to vector<16xi32>
    %swap3A_189 = vector.shape_cast %broadcast_in_dim3A_2 : vector<16xi32> to vector<16xi32>
    tpu.vector_store %arg6[%swap3A_186], %swap3A_189 {strides = array<i32>} : memref<640xi32, #tpu.memory_space<vmem>>, vector<16xi32>,
    %swap3A_190 = arith.constant 624 : index
    %swap3A_191 = tpu.vector_load %arg6[%swap3A_190] {strides = array<i32>} : memref<640xi32, #tpu.memory_space<vmem>>, vector<16xi32>,
    %swap3A_192 = vector.shape_cast %swap3A_191 : vector<16xi32> to vector<16xi32>
    %swap3A_193 = vector.shape_cast %broadcast_in_dim3A_2 : vector<16xi32> to vector<16xi32>
    tpu.vector_store %arg6[%swap3A_190], %swap3A_193 {strides = array<i32>} : memref<640xi32, #tpu.memory_space<vmem>>, vector<16xi32>,
    %mul3A = arith.constant 640 : i32
    %mul3A_194 = arith.muli %arg1, %mul3A : i32
    %multiple_of3A = tpu.assume_multiple %mul3A_194, 8 : i32
    "tpu.region"() ({
      %run_scoped3A = tpu.sem_alloc : memref<!tpu.dma_semaphore, #tpu.memory_space<semaphore_mem>>
      %dma_start3A = tpu.memref_slice %arg7[%multiple_of3A] : memref<10240xi32, #tpu.memory_space<vmem_shared>> -> memref<640xi32, #tpu.memory_space<vmem_shared>>
      %dma_start3A_600 = tpu.memref_slice %arg7[%multiple_of3A] : memref<10240xi32, #tpu.memory_space<vmem_shared>> -> memref<640xi32, #tpu.memory_space<vmem_shared>>
      tpu.enqueue_dma source(%arg6 : memref<640xi32, #tpu.memory_space<vmem>>) target(%dma_start3A_600 : memref<640xi32, #tpu.memory_space<vmem_shared>>) target_semaphore(%run_scoped3A : memref<!tpu.dma_semaphore, #tpu.memory_space<semaphore_mem>>)
      %dma_wait3A = tpu.memref_slice %arg7[%multiple_of3A] : memref<10240xi32, #tpu.memory_space<vmem_shared>> -> memref<640xi32, #tpu.memory_space<vmem_shared>>
      %dma_wait3A_601 = tpu.memref_slice %arg7[%multiple_of3A] : memref<10240xi32, #tpu.memory_space<vmem_shared>> -> memref<640xi32, #tpu.memory_space<vmem_shared>>
      tpu.wait_dma2 semaphore(%run_scoped3A : memref<!tpu.dma_semaphore, #tpu.memory_space<semaphore_mem>>) src(%arg6 : memref<640xi32, #tpu.memory_space<vmem>>) dst(%dma_wait3A_601 : memref<640xi32, #tpu.memory_space<vmem_shared>>)
      tpu.yield
    }) : () -> ()
    %barrier3A = arith.constant 0 : index
    tpu.barrier barrier_id(%barrier3A)
    %mul3A_195 = arith.constant 157 : i32
    %mul3A_196 = arith.muli %arg1, %mul3A_195 : i32
    "tpu.region"() ({
      %run_scoped3A = tpu.sem_alloc : memref<!tpu.dma_semaphore, #tpu.memory_space<semaphore_mem>>
      %dma_start3A = arith.constant 0 : i32
      %dma_start3A_600 = tpu.memref_slice %arg2[%arg0, %mul3A_196, %dma_start3A] : memref<2x2512x128xi32, #tpu.memory_space<hbm>> -> memref<1x157x128xi32, #tpu.memory_space<hbm>>
      %dma_start3A_601 = tpu.memref_squeeze %dma_start3A_600 : memref<1x157x128xi32, #tpu.memory_space<hbm>> -> memref<157x128xi32, #tpu.memory_space<hbm>>
      %dma_start3A_602 = arith.constant 0 : i32
      %dma_start3A_603 = tpu.memref_slice %arg2[%arg0, %mul3A_196, %dma_start3A_602] : memref<2x2512x128xi32, #tpu.memory_space<hbm>> -> memref<1x157x128xi32, #tpu.memory_space<hbm>>
      %dma_start3A_604 = tpu.memref_squeeze %dma_start3A_603 : memref<1x157x128xi32, #tpu.memory_space<hbm>> -> memref<157x128xi32, #tpu.memory_space<hbm>>
      tpu.enqueue_dma source(%dma_start3A_604 : memref<157x128xi32, #tpu.memory_space<hbm>>) target(%arg4 : memref<157x128xi32, #tpu.memory_space<vmem>>) target_semaphore(%run_scoped3A : memref<!tpu.dma_semaphore, #tpu.memory_space<semaphore_mem>>)
      %dma_wait3A = arith.constant 0 : i32
      %dma_wait3A_605 = tpu.memref_slice %arg2[%arg0, %mul3A_196, %dma_wait3A] : memref<2x2512x128xi32, #tpu.memory_space<hbm>> -> memref<1x157x128xi32, #tpu.memory_space<hbm>>
      %dma_wait3A_606 = tpu.memref_squeeze %dma_wait3A_605 : memref<1x157x128xi32, #tpu.memory_space<hbm>> -> memref<157x128xi32, #tpu.memory_space<hbm>>
      %dma_wait3A_607 = arith.constant 0 : i32
      %dma_wait3A_608 = tpu.memref_slice %arg2[%arg0, %mul3A_196, %dma_wait3A_607] : memref<2x2512x128xi32, #tpu.memory_space<hbm>> -> memref<1x157x128xi32, #tpu.memory_space<hbm>>
      %dma_wait3A_609 = tpu.memref_squeeze %dma_wait3A_608 : memref<1x157x128xi32, #tpu.memory_space<hbm>> -> memref<157x128xi32, #tpu.memory_space<hbm>>
      tpu.wait_dma2 semaphore(%run_scoped3A : memref<!tpu.dma_semaphore, #tpu.memory_space<semaphore_mem>>) src(%dma_wait3A_609 : memref<157x128xi32, #tpu.memory_space<hbm>>) dst(%arg4 : memref<157x128xi32, #tpu.memory_space<vmem>>)
      tpu.yield
    }) : () -> ()
    %scan3A = arith.constant 0 : i32
    %scan3A_197 = arith.constant 157 : i32
    %scan3A_198 = arith.addi %scan3A, %scan3A_197 : i32
    %scan3A_199 = arith.constant 1 : i32
    scf.for %scan3A_600 = %scan3A to %scan3A_198 step %scan3A_199  : i32 {
      %mul3A_601 = arith.constant 1 : i32
      %mul3A_602 = arith.muli %scan3A_600, %mul3A_601 : i32
      %add3A = arith.constant 0 : i32
      %add3A_603 = arith.addi %add3A, %mul3A_602 : i32
      "tpu.region"() ({
        %run_scoped3A = tpu.sem_alloc : memref<!tpu.dma_semaphore, #tpu.memory_space<semaphore_mem>>
        %dma_start3A = arith.constant 0 : i32
        %dma_start3A_604 = tpu.memref_slice %arg4[%add3A_603, %dma_start3A] : memref<157x128xi32, #tpu.memory_space<vmem>> -> memref<1x128xi32, #tpu.memory_space<vmem>>
        %dma_start3A_605 = tpu.memref_squeeze %dma_start3A_604 : memref<1x128xi32, #tpu.memory_space<vmem>> -> memref<128xi32, #tpu.memory_space<vmem>>
        %dma_start3A_606 = arith.constant 0 : i32
        %dma_start3A_607 = tpu.memref_slice %arg7[%dma_start3A_606] : memref<10240xi32, #tpu.memory_space<vmem_shared>> -> memref<10240xi32, #tpu.memory_space<vmem_shared>>
        tpu.enqueue_indirect_dma source(%arg5 : memref<128xi32, #tpu.memory_space<vmem>>) target(%dma_start3A_607 : memref<10240xi32, #tpu.memory_space<vmem_shared>>) offsets(%dma_start3A_605 : memref<128xi32, #tpu.memory_space<vmem>>) semaphore(%run_scoped3A : memref<!tpu.dma_semaphore, #tpu.memory_space<semaphore_mem>>) {add = true}
        %dma_wait3A = arith.constant 0 : i32
        %dma_wait3A_608 = tpu.memref_slice %arg4[%add3A_603, %dma_wait3A] : memref<157x128xi32, #tpu.memory_space<vmem>> -> memref<1x128xi32, #tpu.memory_space<vmem>>
        %dma_wait3A_609 = tpu.memref_squeeze %dma_wait3A_608 : memref<1x128xi32, #tpu.memory_space<vmem>> -> memref<128xi32, #tpu.memory_space<vmem>>
        %dma_wait3A_610 = arith.constant 0 : i32
        %dma_wait3A_611 = tpu.memref_slice %arg7[%dma_wait3A_610] : memref<10240xi32, #tpu.memory_space<vmem_shared>> -> memref<10240xi32, #tpu.memory_space<vmem_shared>>
        tpu.wait_indirect_dma semaphore(%run_scoped3A : memref<!tpu.dma_semaphore, #tpu.memory_space<semaphore_mem>>) src(%arg5 : memref<128xi32, #tpu.memory_space<vmem>>) dst(%dma_wait3A_611 : memref<10240xi32, #tpu.memory_space<vmem_shared>>)
        tpu.yield
      }) : () -> ()
    }
    %scan3A_200 = arith.constant 157 : i32
    %barrier3A_201 = arith.constant 0 : index
    tpu.barrier barrier_id(%barrier3A_201)
    "tpu.region"() ({
      %run_scoped3A = tpu.sem_alloc : memref<!tpu.dma_semaphore, #tpu.memory_space<semaphore_mem>>
      %dma_start3A = tpu.memref_slice %arg7[%multiple_of3A] : memref<10240xi32, #tpu.memory_space<vmem_shared>> -> memref<640xi32, #tpu.memory_space<vmem_shared>>
      %dma_start3A_600 = tpu.memref_slice %arg7[%multiple_of3A] : memref<10240xi32, #tpu.memory_space<vmem_shared>> -> memref<640xi32, #tpu.memory_space<vmem_shared>>
      tpu.enqueue_dma source(%dma_start3A_600 : memref<640xi32, #tpu.memory_space<vmem_shared>>) target(%arg6 : memref<640xi32, #tpu.memory_space<vmem>>) target_semaphore(%run_scoped3A : memref<!tpu.dma_semaphore, #tpu.memory_space<semaphore_mem>>)
      %dma_wait3A = tpu.memref_slice %arg7[%multiple_of3A] : memref<10240xi32, #tpu.memory_space<vmem_shared>> -> memref<640xi32, #tpu.memory_space<vmem_shared>>
      %dma_wait3A_601 = tpu.memref_slice %arg7[%multiple_of3A] : memref<10240xi32, #tpu.memory_space<vmem_shared>> -> memref<640xi32, #tpu.memory_space<vmem_shared>>
      tpu.wait_dma2 semaphore(%run_scoped3A : memref<!tpu.dma_semaphore, #tpu.memory_space<semaphore_mem>>) src(%dma_wait3A_601 : memref<640xi32, #tpu.memory_space<vmem_shared>>) dst(%arg6 : memref<640xi32, #tpu.memory_space<vmem>>)
      tpu.yield
    }) : () -> ()
    %get3A = arith.constant 0 : index
    %get3A_202 = tpu.vector_load %arg6[%get3A] {strides = array<i32>} : memref<640xi32, #tpu.memory_space<vmem>>, vector<16xi32>,
    %get3A_203 = vector.shape_cast %get3A_202 : vector<16xi32> to vector<16xi32>
    %min3A = arith.constant 511 : i32
    %min3A_204 = vector.broadcast %min3A : i32 to vector<16xi32>
    %min3A_205 = arith.minsi %get3A_203, %min3A_204 : vector<16xi32>
    %swap3A_206 = arith.constant 0 : index
    %swap3A_207 = tpu.vector_load %arg6[%swap3A_206] {strides = array<i32>} : memref<640xi32, #tpu.memory_space<vmem>>, vector<16xi32>,
    %swap3A_208 = vector.shape_cast %swap3A_207 : vector<16xi32> to vector<16xi32>
    %swap3A_209 = vector.shape_cast %min3A_205 : vector<16xi32> to vector<16xi32>
    tpu.vector_store %arg6[%swap3A_206], %swap3A_209 {strides = array<i32>} : memref<640xi32, #tpu.memory_space<vmem>>, vector<16xi32>,
    %get3A_210 = arith.constant 16 : index
    %get3A_211 = tpu.vector_load %arg6[%get3A_210] {strides = array<i32>} : memref<640xi32, #tpu.memory_space<vmem>>, vector<16xi32>,
    %get3A_212 = vector.shape_cast %get3A_211 : vector<16xi32> to vector<16xi32>
    %min3A_213 = arith.constant 511 : i32
    %min3A_214 = vector.broadcast %min3A_213 : i32 to vector<16xi32>
    %min3A_215 = arith.minsi %get3A_212, %min3A_214 : vector<16xi32>
    %swap3A_216 = arith.constant 16 : index
    %swap3A_217 = tpu.vector_load %arg6[%swap3A_216] {strides = array<i32>} : memref<640xi32, #tpu.memory_space<vmem>>, vector<16xi32>,
    %swap3A_218 = vector.shape_cast %swap3A_217 : vector<16xi32> to vector<16xi32>
    %swap3A_219 = vector.shape_cast %min3A_215 : vector<16xi32> to vector<16xi32>
    tpu.vector_store %arg6[%swap3A_216], %swap3A_219 {strides = array<i32>} : memref<640xi32, #tpu.memory_space<vmem>>, vector<16xi32>,
    %get3A_220 = arith.constant 32 : index
    %get3A_221 = tpu.vector_load %arg6[%get3A_220] {strides = array<i32>} : memref<640xi32, #tpu.memory_space<vmem>>, vector<16xi32>,
    %get3A_222 = vector.shape_cast %get3A_221 : vector<16xi32> to vector<16xi32>
    %min3A_223 = arith.constant 511 : i32
    %min3A_224 = vector.broadcast %min3A_223 : i32 to vector<16xi32>
    %min3A_225 = arith.minsi %get3A_222, %min3A_224 : vector<16xi32>
    %swap3A_226 = arith.constant 32 : index
    %swap3A_227 = tpu.vector_load %arg6[%swap3A_226] {strides = array<i32>} : memref<640xi32, #tpu.memory_space<vmem>>, vector<16xi32>,
    %swap3A_228 = vector.shape_cast %swap3A_227 : vector<16xi32> to vector<16xi32>
    %swap3A_229 = vector.shape_cast %min3A_225 : vector<16xi32> to vector<16xi32>
    tpu.vector_store %arg6[%swap3A_226], %swap3A_229 {strides = array<i32>} : memref<640xi32, #tpu.memory_space<vmem>>, vector<16xi32>,
    %get3A_230 = arith.constant 48 : index
    %get3A_231 = tpu.vector_load %arg6[%get3A_230] {strides = array<i32>} : memref<640xi32, #tpu.memory_space<vmem>>, vector<16xi32>,
    %get3A_232 = vector.shape_cast %get3A_231 : vector<16xi32> to vector<16xi32>
    %min3A_233 = arith.constant 511 : i32
    %min3A_234 = vector.broadcast %min3A_233 : i32 to vector<16xi32>
    %min3A_235 = arith.minsi %get3A_232, %min3A_234 : vector<16xi32>
    %swap3A_236 = arith.constant 48 : index
    %swap3A_237 = tpu.vector_load %arg6[%swap3A_236] {strides = array<i32>} : memref<640xi32, #tpu.memory_space<vmem>>, vector<16xi32>,
    %swap3A_238 = vector.shape_cast %swap3A_237 : vector<16xi32> to vector<16xi32>
    %swap3A_239 = vector.shape_cast %min3A_235 : vector<16xi32> to vector<16xi32>
    tpu.vector_store %arg6[%swap3A_236], %swap3A_239 {strides = array<i32>} : memref<640xi32, #tpu.memory_space<vmem>>, vector<16xi32>,
    %get3A_240 = arith.constant 64 : index
    %get3A_241 = tpu.vector_load %arg6[%get3A_240] {strides = array<i32>} : memref<640xi32, #tpu.memory_space<vmem>>, vector<16xi32>,
    %get3A_242 = vector.shape_cast %get3A_241 : vector<16xi32> to vector<16xi32>
    %min3A_243 = arith.constant 511 : i32
    %min3A_244 = vector.broadcast %min3A_243 : i32 to vector<16xi32>
    %min3A_245 = arith.minsi %get3A_242, %min3A_244 : vector<16xi32>
    %swap3A_246 = arith.constant 64 : index
    %swap3A_247 = tpu.vector_load %arg6[%swap3A_246] {strides = array<i32>} : memref<640xi32, #tpu.memory_space<vmem>>, vector<16xi32>,
    %swap3A_248 = vector.shape_cast %swap3A_247 : vector<16xi32> to vector<16xi32>
    %swap3A_249 = vector.shape_cast %min3A_245 : vector<16xi32> to vector<16xi32>
    tpu.vector_store %arg6[%swap3A_246], %swap3A_249 {strides = array<i32>} : memref<640xi32, #tpu.memory_space<vmem>>, vector<16xi32>,
    %get3A_250 = arith.constant 80 : index
    %get3A_251 = tpu.vector_load %arg6[%get3A_250] {strides = array<i32>} : memref<640xi32, #tpu.memory_space<vmem>>, vector<16xi32>,
    %get3A_252 = vector.shape_cast %get3A_251 : vector<16xi32> to vector<16xi32>
    %min3A_253 = arith.constant 511 : i32
    %min3A_254 = vector.broadcast %min3A_253 : i32 to vector<16xi32>
    %min3A_255 = arith.minsi %get3A_252, %min3A_254 : vector<16xi32>
    %swap3A_256 = arith.constant 80 : index
    %swap3A_257 = tpu.vector_load %arg6[%swap3A_256] {strides = array<i32>} : memref<640xi32, #tpu.memory_space<vmem>>, vector<16xi32>,
    %swap3A_258 = vector.shape_cast %swap3A_257 : vector<16xi32> to vector<16xi32>
    %swap3A_259 = vector.shape_cast %min3A_255 : vector<16xi32> to vector<16xi32>
    tpu.vector_store %arg6[%swap3A_256], %swap3A_259 {strides = array<i32>} : memref<640xi32, #tpu.memory_space<vmem>>, vector<16xi32>,
    %get3A_260 = arith.constant 96 : index
    %get3A_261 = tpu.vector_load %arg6[%get3A_260] {strides = array<i32>} : memref<640xi32, #tpu.memory_space<vmem>>, vector<16xi32>,
    %get3A_262 = vector.shape_cast %get3A_261 : vector<16xi32> to vector<16xi32>
    %min3A_263 = arith.constant 511 : i32
    %min3A_264 = vector.broadcast %min3A_263 : i32 to vector<16xi32>
    %min3A_265 = arith.minsi %get3A_262, %min3A_264 : vector<16xi32>
    %swap3A_266 = arith.constant 96 : index
    %swap3A_267 = tpu.vector_load %arg6[%swap3A_266] {strides = array<i32>} : memref<640xi32, #tpu.memory_space<vmem>>, vector<16xi32>,
    %swap3A_268 = vector.shape_cast %swap3A_267 : vector<16xi32> to vector<16xi32>
    %swap3A_269 = vector.shape_cast %min3A_265 : vector<16xi32> to vector<16xi32>
    tpu.vector_store %arg6[%swap3A_266], %swap3A_269 {strides = array<i32>} : memref<640xi32, #tpu.memory_space<vmem>>, vector<16xi32>,
    %get3A_270 = arith.constant 112 : index
    %get3A_271 = tpu.vector_load %arg6[%get3A_270] {strides = array<i32>} : memref<640xi32, #tpu.memory_space<vmem>>, vector<16xi32>,
    %get3A_272 = vector.shape_cast %get3A_271 : vector<16xi32> to vector<16xi32>
    %min3A_273 = arith.constant 511 : i32
    %min3A_274 = vector.broadcast %min3A_273 : i32 to vector<16xi32>
    %min3A_275 = arith.minsi %get3A_272, %min3A_274 : vector<16xi32>
    %swap3A_276 = arith.constant 112 : index
    %swap3A_277 = tpu.vector_load %arg6[%swap3A_276] {strides = array<i32>} : memref<640xi32, #tpu.memory_space<vmem>>, vector<16xi32>,
    %swap3A_278 = vector.shape_cast %swap3A_277 : vector<16xi32> to vector<16xi32>
    %swap3A_279 = vector.shape_cast %min3A_275 : vector<16xi32> to vector<16xi32>
    tpu.vector_store %arg6[%swap3A_276], %swap3A_279 {strides = array<i32>} : memref<640xi32, #tpu.memory_space<vmem>>, vector<16xi32>,
    %get3A_280 = arith.constant 128 : index
    %get3A_281 = tpu.vector_load %arg6[%get3A_280] {strides = array<i32>} : memref<640xi32, #tpu.memory_space<vmem>>, vector<16xi32>,
    %get3A_282 = vector.shape_cast %get3A_281 : vector<16xi32> to vector<16xi32>
    %min3A_283 = arith.constant 511 : i32
    %min3A_284 = vector.broadcast %min3A_283 : i32 to vector<16xi32>
    %min3A_285 = arith.minsi %get3A_282, %min3A_284 : vector<16xi32>
    %swap3A_286 = arith.constant 128 : index
    %swap3A_287 = tpu.vector_load %arg6[%swap3A_286] {strides = array<i32>} : memref<640xi32, #tpu.memory_space<vmem>>, vector<16xi32>,
    %swap3A_288 = vector.shape_cast %swap3A_287 : vector<16xi32> to vector<16xi32>
    %swap3A_289 = vector.shape_cast %min3A_285 : vector<16xi32> to vector<16xi32>
    tpu.vector_store %arg6[%swap3A_286], %swap3A_289 {strides = array<i32>} : memref<640xi32, #tpu.memory_space<vmem>>, vector<16xi32>,
    %get3A_290 = arith.constant 144 : index
    %get3A_291 = tpu.vector_load %arg6[%get3A_290] {strides = array<i32>} : memref<640xi32, #tpu.memory_space<vmem>>, vector<16xi32>,
    %get3A_292 = vector.shape_cast %get3A_291 : vector<16xi32> to vector<16xi32>
    %min3A_293 = arith.constant 511 : i32
    %min3A_294 = vector.broadcast %min3A_293 : i32 to vector<16xi32>
    %min3A_295 = arith.minsi %get3A_292, %min3A_294 : vector<16xi32>
    %swap3A_296 = arith.constant 144 : index
    %swap3A_297 = tpu.vector_load %arg6[%swap3A_296] {strides = array<i32>} : memref<640xi32, #tpu.memory_space<vmem>>, vector<16xi32>,
    %swap3A_298 = vector.shape_cast %swap3A_297 : vector<16xi32> to vector<16xi32>
    %swap3A_299 = vector.shape_cast %min3A_295 : vector<16xi32> to vector<16xi32>
    tpu.vector_store %arg6[%swap3A_296], %swap3A_299 {strides = array<i32>} : memref<640xi32, #tpu.memory_space<vmem>>, vector<16xi32>,
    %get3A_300 = arith.constant 160 : index
    %get3A_301 = tpu.vector_load %arg6[%get3A_300] {strides = array<i32>} : memref<640xi32, #tpu.memory_space<vmem>>, vector<16xi32>,
    %get3A_302 = vector.shape_cast %get3A_301 : vector<16xi32> to vector<16xi32>
    %min3A_303 = arith.constant 511 : i32
    %min3A_304 = vector.broadcast %min3A_303 : i32 to vector<16xi32>
    %min3A_305 = arith.minsi %get3A_302, %min3A_304 : vector<16xi32>
    %swap3A_306 = arith.constant 160 : index
    %swap3A_307 = tpu.vector_load %arg6[%swap3A_306] {strides = array<i32>} : memref<640xi32, #tpu.memory_space<vmem>>, vector<16xi32>,
    %swap3A_308 = vector.shape_cast %swap3A_307 : vector<16xi32> to vector<16xi32>
    %swap3A_309 = vector.shape_cast %min3A_305 : vector<16xi32> to vector<16xi32>
    tpu.vector_store %arg6[%swap3A_306], %swap3A_309 {strides = array<i32>} : memref<640xi32, #tpu.memory_space<vmem>>, vector<16xi32>,
    %get3A_310 = arith.constant 176 : index
    %get3A_311 = tpu.vector_load %arg6[%get3A_310] {strides = array<i32>} : memref<640xi32, #tpu.memory_space<vmem>>, vector<16xi32>,
    %get3A_312 = vector.shape_cast %get3A_311 : vector<16xi32> to vector<16xi32>
    %min3A_313 = arith.constant 511 : i32
    %min3A_314 = vector.broadcast %min3A_313 : i32 to vector<16xi32>
    %min3A_315 = arith.minsi %get3A_312, %min3A_314 : vector<16xi32>
    %swap3A_316 = arith.constant 176 : index
    %swap3A_317 = tpu.vector_load %arg6[%swap3A_316] {strides = array<i32>} : memref<640xi32, #tpu.memory_space<vmem>>, vector<16xi32>,
    %swap3A_318 = vector.shape_cast %swap3A_317 : vector<16xi32> to vector<16xi32>
    %swap3A_319 = vector.shape_cast %min3A_315 : vector<16xi32> to vector<16xi32>
    tpu.vector_store %arg6[%swap3A_316], %swap3A_319 {strides = array<i32>} : memref<640xi32, #tpu.memory_space<vmem>>, vector<16xi32>,
    %get3A_320 = arith.constant 192 : index
    %get3A_321 = tpu.vector_load %arg6[%get3A_320] {strides = array<i32>} : memref<640xi32, #tpu.memory_space<vmem>>, vector<16xi32>,
    %get3A_322 = vector.shape_cast %get3A_321 : vector<16xi32> to vector<16xi32>
    %min3A_323 = arith.constant 511 : i32
    %min3A_324 = vector.broadcast %min3A_323 : i32 to vector<16xi32>
    %min3A_325 = arith.minsi %get3A_322, %min3A_324 : vector<16xi32>
    %swap3A_326 = arith.constant 192 : index
    %swap3A_327 = tpu.vector_load %arg6[%swap3A_326] {strides = array<i32>} : memref<640xi32, #tpu.memory_space<vmem>>, vector<16xi32>,
    %swap3A_328 = vector.shape_cast %swap3A_327 : vector<16xi32> to vector<16xi32>
    %swap3A_329 = vector.shape_cast %min3A_325 : vector<16xi32> to vector<16xi32>
    tpu.vector_store %arg6[%swap3A_326], %swap3A_329 {strides = array<i32>} : memref<640xi32, #tpu.memory_space<vmem>>, vector<16xi32>,
    %get3A_330 = arith.constant 208 : index
    %get3A_331 = tpu.vector_load %arg6[%get3A_330] {strides = array<i32>} : memref<640xi32, #tpu.memory_space<vmem>>, vector<16xi32>,
    %get3A_332 = vector.shape_cast %get3A_331 : vector<16xi32> to vector<16xi32>
    %min3A_333 = arith.constant 511 : i32
    %min3A_334 = vector.broadcast %min3A_333 : i32 to vector<16xi32>
    %min3A_335 = arith.minsi %get3A_332, %min3A_334 : vector<16xi32>
    %swap3A_336 = arith.constant 208 : index
    %swap3A_337 = tpu.vector_load %arg6[%swap3A_336] {strides = array<i32>} : memref<640xi32, #tpu.memory_space<vmem>>, vector<16xi32>,
    %swap3A_338 = vector.shape_cast %swap3A_337 : vector<16xi32> to vector<16xi32>
    %swap3A_339 = vector.shape_cast %min3A_335 : vector<16xi32> to vector<16xi32>
    tpu.vector_store %arg6[%swap3A_336], %swap3A_339 {strides = array<i32>} : memref<640xi32, #tpu.memory_space<vmem>>, vector<16xi32>,
    %get3A_340 = arith.constant 224 : index
    %get3A_341 = tpu.vector_load %arg6[%get3A_340] {strides = array<i32>} : memref<640xi32, #tpu.memory_space<vmem>>, vector<16xi32>,
    %get3A_342 = vector.shape_cast %get3A_341 : vector<16xi32> to vector<16xi32>
    %min3A_343 = arith.constant 511 : i32
    %min3A_344 = vector.broadcast %min3A_343 : i32 to vector<16xi32>
    %min3A_345 = arith.minsi %get3A_342, %min3A_344 : vector<16xi32>
    %swap3A_346 = arith.constant 224 : index
    %swap3A_347 = tpu.vector_load %arg6[%swap3A_346] {strides = array<i32>} : memref<640xi32, #tpu.memory_space<vmem>>, vector<16xi32>,
    %swap3A_348 = vector.shape_cast %swap3A_347 : vector<16xi32> to vector<16xi32>
    %swap3A_349 = vector.shape_cast %min3A_345 : vector<16xi32> to vector<16xi32>
    tpu.vector_store %arg6[%swap3A_346], %swap3A_349 {strides = array<i32>} : memref<640xi32, #tpu.memory_space<vmem>>, vector<16xi32>,
    %get3A_350 = arith.constant 240 : index
    %get3A_351 = tpu.vector_load %arg6[%get3A_350] {strides = array<i32>} : memref<640xi32, #tpu.memory_space<vmem>>, vector<16xi32>,
    %get3A_352 = vector.shape_cast %get3A_351 : vector<16xi32> to vector<16xi32>
    %min3A_353 = arith.constant 511 : i32
    %min3A_354 = vector.broadcast %min3A_353 : i32 to vector<16xi32>
    %min3A_355 = arith.minsi %get3A_352, %min3A_354 : vector<16xi32>
    %swap3A_356 = arith.constant 240 : index
    %swap3A_357 = tpu.vector_load %arg6[%swap3A_356] {strides = array<i32>} : memref<640xi32, #tpu.memory_space<vmem>>, vector<16xi32>,
    %swap3A_358 = vector.shape_cast %swap3A_357 : vector<16xi32> to vector<16xi32>
    %swap3A_359 = vector.shape_cast %min3A_355 : vector<16xi32> to vector<16xi32>
    tpu.vector_store %arg6[%swap3A_356], %swap3A_359 {strides = array<i32>} : memref<640xi32, #tpu.memory_space<vmem>>, vector<16xi32>,
    %get3A_360 = arith.constant 256 : index
    %get3A_361 = tpu.vector_load %arg6[%get3A_360] {strides = array<i32>} : memref<640xi32, #tpu.memory_space<vmem>>, vector<16xi32>,
    %get3A_362 = vector.shape_cast %get3A_361 : vector<16xi32> to vector<16xi32>
    %min3A_363 = arith.constant 511 : i32
    %min3A_364 = vector.broadcast %min3A_363 : i32 to vector<16xi32>
    %min3A_365 = arith.minsi %get3A_362, %min3A_364 : vector<16xi32>
    %swap3A_366 = arith.constant 256 : index
    %swap3A_367 = tpu.vector_load %arg6[%swap3A_366] {strides = array<i32>} : memref<640xi32, #tpu.memory_space<vmem>>, vector<16xi32>,
    %swap3A_368 = vector.shape_cast %swap3A_367 : vector<16xi32> to vector<16xi32>
    %swap3A_369 = vector.shape_cast %min3A_365 : vector<16xi32> to vector<16xi32>
    tpu.vector_store %arg6[%swap3A_366], %swap3A_369 {strides = array<i32>} : memref<640xi32, #tpu.memory_space<vmem>>, vector<16xi32>,
    %get3A_370 = arith.constant 272 : index
    %get3A_371 = tpu.vector_load %arg6[%get3A_370] {strides = array<i32>} : memref<640xi32, #tpu.memory_space<vmem>>, vector<16xi32>,
    %get3A_372 = vector.shape_cast %get3A_371 : vector<16xi32> to vector<16xi32>
    %min3A_373 = arith.constant 511 : i32
    %min3A_374 = vector.broadcast %min3A_373 : i32 to vector<16xi32>
    %min3A_375 = arith.minsi %get3A_372, %min3A_374 : vector<16xi32>
    %swap3A_376 = arith.constant 272 : index
    %swap3A_377 = tpu.vector_load %arg6[%swap3A_376] {strides = array<i32>} : memref<640xi32, #tpu.memory_space<vmem>>, vector<16xi32>,
    %swap3A_378 = vector.shape_cast %swap3A_377 : vector<16xi32> to vector<16xi32>
    %swap3A_379 = vector.shape_cast %min3A_375 : vector<16xi32> to vector<16xi32>
    tpu.vector_store %arg6[%swap3A_376], %swap3A_379 {strides = array<i32>} : memref<640xi32, #tpu.memory_space<vmem>>, vector<16xi32>,
    %get3A_380 = arith.constant 288 : index
    %get3A_381 = tpu.vector_load %arg6[%get3A_380] {strides = array<i32>} : memref<640xi32, #tpu.memory_space<vmem>>, vector<16xi32>,
    %get3A_382 = vector.shape_cast %get3A_381 : vector<16xi32> to vector<16xi32>
    %min3A_383 = arith.constant 511 : i32
    %min3A_384 = vector.broadcast %min3A_383 : i32 to vector<16xi32>
    %min3A_385 = arith.minsi %get3A_382, %min3A_384 : vector<16xi32>
    %swap3A_386 = arith.constant 288 : index
    %swap3A_387 = tpu.vector_load %arg6[%swap3A_386] {strides = array<i32>} : memref<640xi32, #tpu.memory_space<vmem>>, vector<16xi32>,
    %swap3A_388 = vector.shape_cast %swap3A_387 : vector<16xi32> to vector<16xi32>
    %swap3A_389 = vector.shape_cast %min3A_385 : vector<16xi32> to vector<16xi32>
    tpu.vector_store %arg6[%swap3A_386], %swap3A_389 {strides = array<i32>} : memref<640xi32, #tpu.memory_space<vmem>>, vector<16xi32>,
    %get3A_390 = arith.constant 304 : index
    %get3A_391 = tpu.vector_load %arg6[%get3A_390] {strides = array<i32>} : memref<640xi32, #tpu.memory_space<vmem>>, vector<16xi32>,
    %get3A_392 = vector.shape_cast %get3A_391 : vector<16xi32> to vector<16xi32>
    %min3A_393 = arith.constant 511 : i32
    %min3A_394 = vector.broadcast %min3A_393 : i32 to vector<16xi32>
    %min3A_395 = arith.minsi %get3A_392, %min3A_394 : vector<16xi32>
    %swap3A_396 = arith.constant 304 : index
    %swap3A_397 = tpu.vector_load %arg6[%swap3A_396] {strides = array<i32>} : memref<640xi32, #tpu.memory_space<vmem>>, vector<16xi32>,
    %swap3A_398 = vector.shape_cast %swap3A_397 : vector<16xi32> to vector<16xi32>
    %swap3A_399 = vector.shape_cast %min3A_395 : vector<16xi32> to vector<16xi32>
    tpu.vector_store %arg6[%swap3A_396], %swap3A_399 {strides = array<i32>} : memref<640xi32, #tpu.memory_space<vmem>>, vector<16xi32>,
    %get3A_400 = arith.constant 320 : index
    %get3A_401 = tpu.vector_load %arg6[%get3A_400] {strides = array<i32>} : memref<640xi32, #tpu.memory_space<vmem>>, vector<16xi32>,
    %get3A_402 = vector.shape_cast %get3A_401 : vector<16xi32> to vector<16xi32>
    %min3A_403 = arith.constant 511 : i32
    %min3A_404 = vector.broadcast %min3A_403 : i32 to vector<16xi32>
    %min3A_405 = arith.minsi %get3A_402, %min3A_404 : vector<16xi32>
    %swap3A_406 = arith.constant 320 : index
    %swap3A_407 = tpu.vector_load %arg6[%swap3A_406] {strides = array<i32>} : memref<640xi32, #tpu.memory_space<vmem>>, vector<16xi32>,
    %swap3A_408 = vector.shape_cast %swap3A_407 : vector<16xi32> to vector<16xi32>
    %swap3A_409 = vector.shape_cast %min3A_405 : vector<16xi32> to vector<16xi32>
    tpu.vector_store %arg6[%swap3A_406], %swap3A_409 {strides = array<i32>} : memref<640xi32, #tpu.memory_space<vmem>>, vector<16xi32>,
    %get3A_410 = arith.constant 336 : index
    %get3A_411 = tpu.vector_load %arg6[%get3A_410] {strides = array<i32>} : memref<640xi32, #tpu.memory_space<vmem>>, vector<16xi32>,
    %get3A_412 = vector.shape_cast %get3A_411 : vector<16xi32> to vector<16xi32>
    %min3A_413 = arith.constant 511 : i32
    %min3A_414 = vector.broadcast %min3A_413 : i32 to vector<16xi32>
    %min3A_415 = arith.minsi %get3A_412, %min3A_414 : vector<16xi32>
    %swap3A_416 = arith.constant 336 : index
    %swap3A_417 = tpu.vector_load %arg6[%swap3A_416] {strides = array<i32>} : memref<640xi32, #tpu.memory_space<vmem>>, vector<16xi32>,
    %swap3A_418 = vector.shape_cast %swap3A_417 : vector<16xi32> to vector<16xi32>
    %swap3A_419 = vector.shape_cast %min3A_415 : vector<16xi32> to vector<16xi32>
    tpu.vector_store %arg6[%swap3A_416], %swap3A_419 {strides = array<i32>} : memref<640xi32, #tpu.memory_space<vmem>>, vector<16xi32>,
    %get3A_420 = arith.constant 352 : index
    %get3A_421 = tpu.vector_load %arg6[%get3A_420] {strides = array<i32>} : memref<640xi32, #tpu.memory_space<vmem>>, vector<16xi32>,
    %get3A_422 = vector.shape_cast %get3A_421 : vector<16xi32> to vector<16xi32>
    %min3A_423 = arith.constant 511 : i32
    %min3A_424 = vector.broadcast %min3A_423 : i32 to vector<16xi32>
    %min3A_425 = arith.minsi %get3A_422, %min3A_424 : vector<16xi32>
    %swap3A_426 = arith.constant 352 : index
    %swap3A_427 = tpu.vector_load %arg6[%swap3A_426] {strides = array<i32>} : memref<640xi32, #tpu.memory_space<vmem>>, vector<16xi32>,
    %swap3A_428 = vector.shape_cast %swap3A_427 : vector<16xi32> to vector<16xi32>
    %swap3A_429 = vector.shape_cast %min3A_425 : vector<16xi32> to vector<16xi32>
    tpu.vector_store %arg6[%swap3A_426], %swap3A_429 {strides = array<i32>} : memref<640xi32, #tpu.memory_space<vmem>>, vector<16xi32>,
    %get3A_430 = arith.constant 368 : index
    %get3A_431 = tpu.vector_load %arg6[%get3A_430] {strides = array<i32>} : memref<640xi32, #tpu.memory_space<vmem>>, vector<16xi32>,
    %get3A_432 = vector.shape_cast %get3A_431 : vector<16xi32> to vector<16xi32>
    %min3A_433 = arith.constant 511 : i32
    %min3A_434 = vector.broadcast %min3A_433 : i32 to vector<16xi32>
    %min3A_435 = arith.minsi %get3A_432, %min3A_434 : vector<16xi32>
    %swap3A_436 = arith.constant 368 : index
    %swap3A_437 = tpu.vector_load %arg6[%swap3A_436] {strides = array<i32>} : memref<640xi32, #tpu.memory_space<vmem>>, vector<16xi32>,
    %swap3A_438 = vector.shape_cast %swap3A_437 : vector<16xi32> to vector<16xi32>
    %swap3A_439 = vector.shape_cast %min3A_435 : vector<16xi32> to vector<16xi32>
    tpu.vector_store %arg6[%swap3A_436], %swap3A_439 {strides = array<i32>} : memref<640xi32, #tpu.memory_space<vmem>>, vector<16xi32>,
    %get3A_440 = arith.constant 384 : index
    %get3A_441 = tpu.vector_load %arg6[%get3A_440] {strides = array<i32>} : memref<640xi32, #tpu.memory_space<vmem>>, vector<16xi32>,
    %get3A_442 = vector.shape_cast %get3A_441 : vector<16xi32> to vector<16xi32>
    %min3A_443 = arith.constant 511 : i32
    %min3A_444 = vector.broadcast %min3A_443 : i32 to vector<16xi32>
    %min3A_445 = arith.minsi %get3A_442, %min3A_444 : vector<16xi32>
    %swap3A_446 = arith.constant 384 : index
    %swap3A_447 = tpu.vector_load %arg6[%swap3A_446] {strides = array<i32>} : memref<640xi32, #tpu.memory_space<vmem>>, vector<16xi32>,
    %swap3A_448 = vector.shape_cast %swap3A_447 : vector<16xi32> to vector<16xi32>
    %swap3A_449 = vector.shape_cast %min3A_445 : vector<16xi32> to vector<16xi32>
    tpu.vector_store %arg6[%swap3A_446], %swap3A_449 {strides = array<i32>} : memref<640xi32, #tpu.memory_space<vmem>>, vector<16xi32>,
    %get3A_450 = arith.constant 400 : index
    %get3A_451 = tpu.vector_load %arg6[%get3A_450] {strides = array<i32>} : memref<640xi32, #tpu.memory_space<vmem>>, vector<16xi32>,
    %get3A_452 = vector.shape_cast %get3A_451 : vector<16xi32> to vector<16xi32>
    %min3A_453 = arith.constant 511 : i32
    %min3A_454 = vector.broadcast %min3A_453 : i32 to vector<16xi32>
    %min3A_455 = arith.minsi %get3A_452, %min3A_454 : vector<16xi32>
    %swap3A_456 = arith.constant 400 : index
    %swap3A_457 = tpu.vector_load %arg6[%swap3A_456] {strides = array<i32>} : memref<640xi32, #tpu.memory_space<vmem>>, vector<16xi32>,
    %swap3A_458 = vector.shape_cast %swap3A_457 : vector<16xi32> to vector<16xi32>
    %swap3A_459 = vector.shape_cast %min3A_455 : vector<16xi32> to vector<16xi32>
    tpu.vector_store %arg6[%swap3A_456], %swap3A_459 {strides = array<i32>} : memref<640xi32, #tpu.memory_space<vmem>>, vector<16xi32>,
    %get3A_460 = arith.constant 416 : index
    %get3A_461 = tpu.vector_load %arg6[%get3A_460] {strides = array<i32>} : memref<640xi32, #tpu.memory_space<vmem>>, vector<16xi32>,
    %get3A_462 = vector.shape_cast %get3A_461 : vector<16xi32> to vector<16xi32>
    %min3A_463 = arith.constant 511 : i32
    %min3A_464 = vector.broadcast %min3A_463 : i32 to vector<16xi32>
    %min3A_465 = arith.minsi %get3A_462, %min3A_464 : vector<16xi32>
    %swap3A_466 = arith.constant 416 : index
    %swap3A_467 = tpu.vector_load %arg6[%swap3A_466] {strides = array<i32>} : memref<640xi32, #tpu.memory_space<vmem>>, vector<16xi32>,
    %swap3A_468 = vector.shape_cast %swap3A_467 : vector<16xi32> to vector<16xi32>
    %swap3A_469 = vector.shape_cast %min3A_465 : vector<16xi32> to vector<16xi32>
    tpu.vector_store %arg6[%swap3A_466], %swap3A_469 {strides = array<i32>} : memref<640xi32, #tpu.memory_space<vmem>>, vector<16xi32>,
    %get3A_470 = arith.constant 432 : index
    %get3A_471 = tpu.vector_load %arg6[%get3A_470] {strides = array<i32>} : memref<640xi32, #tpu.memory_space<vmem>>, vector<16xi32>,
    %get3A_472 = vector.shape_cast %get3A_471 : vector<16xi32> to vector<16xi32>
    %min3A_473 = arith.constant 511 : i32
    %min3A_474 = vector.broadcast %min3A_473 : i32 to vector<16xi32>
    %min3A_475 = arith.minsi %get3A_472, %min3A_474 : vector<16xi32>
    %swap3A_476 = arith.constant 432 : index
    %swap3A_477 = tpu.vector_load %arg6[%swap3A_476] {strides = array<i32>} : memref<640xi32, #tpu.memory_space<vmem>>, vector<16xi32>,
    %swap3A_478 = vector.shape_cast %swap3A_477 : vector<16xi32> to vector<16xi32>
    %swap3A_479 = vector.shape_cast %min3A_475 : vector<16xi32> to vector<16xi32>
    tpu.vector_store %arg6[%swap3A_476], %swap3A_479 {strides = array<i32>} : memref<640xi32, #tpu.memory_space<vmem>>, vector<16xi32>,
    %get3A_480 = arith.constant 448 : index
    %get3A_481 = tpu.vector_load %arg6[%get3A_480] {strides = array<i32>} : memref<640xi32, #tpu.memory_space<vmem>>, vector<16xi32>,
    %get3A_482 = vector.shape_cast %get3A_481 : vector<16xi32> to vector<16xi32>
    %min3A_483 = arith.constant 511 : i32
    %min3A_484 = vector.broadcast %min3A_483 : i32 to vector<16xi32>
    %min3A_485 = arith.minsi %get3A_482, %min3A_484 : vector<16xi32>
    %swap3A_486 = arith.constant 448 : index
    %swap3A_487 = tpu.vector_load %arg6[%swap3A_486] {strides = array<i32>} : memref<640xi32, #tpu.memory_space<vmem>>, vector<16xi32>,
    %swap3A_488 = vector.shape_cast %swap3A_487 : vector<16xi32> to vector<16xi32>
    %swap3A_489 = vector.shape_cast %min3A_485 : vector<16xi32> to vector<16xi32>
    tpu.vector_store %arg6[%swap3A_486], %swap3A_489 {strides = array<i32>} : memref<640xi32, #tpu.memory_space<vmem>>, vector<16xi32>,
    %get3A_490 = arith.constant 464 : index
    %get3A_491 = tpu.vector_load %arg6[%get3A_490] {strides = array<i32>} : memref<640xi32, #tpu.memory_space<vmem>>, vector<16xi32>,
    %get3A_492 = vector.shape_cast %get3A_491 : vector<16xi32> to vector<16xi32>
    %min3A_493 = arith.constant 511 : i32
    %min3A_494 = vector.broadcast %min3A_493 : i32 to vector<16xi32>
    %min3A_495 = arith.minsi %get3A_492, %min3A_494 : vector<16xi32>
    %swap3A_496 = arith.constant 464 : index
    %swap3A_497 = tpu.vector_load %arg6[%swap3A_496] {strides = array<i32>} : memref<640xi32, #tpu.memory_space<vmem>>, vector<16xi32>,
    %swap3A_498 = vector.shape_cast %swap3A_497 : vector<16xi32> to vector<16xi32>
    %swap3A_499 = vector.shape_cast %min3A_495 : vector<16xi32> to vector<16xi32>
    tpu.vector_store %arg6[%swap3A_496], %swap3A_499 {strides = array<i32>} : memref<640xi32, #tpu.memory_space<vmem>>, vector<16xi32>,
    %get3A_500 = arith.constant 480 : index
    %get3A_501 = tpu.vector_load %arg6[%get3A_500] {strides = array<i32>} : memref<640xi32, #tpu.memory_space<vmem>>, vector<16xi32>,
    %get3A_502 = vector.shape_cast %get3A_501 : vector<16xi32> to vector<16xi32>
    %min3A_503 = arith.constant 511 : i32
    %min3A_504 = vector.broadcast %min3A_503 : i32 to vector<16xi32>
    %min3A_505 = arith.minsi %get3A_502, %min3A_504 : vector<16xi32>
    %swap3A_506 = arith.constant 480 : index
    %swap3A_507 = tpu.vector_load %arg6[%swap3A_506] {strides = array<i32>} : memref<640xi32, #tpu.memory_space<vmem>>, vector<16xi32>,
    %swap3A_508 = vector.shape_cast %swap3A_507 : vector<16xi32> to vector<16xi32>
    %swap3A_509 = vector.shape_cast %min3A_505 : vector<16xi32> to vector<16xi32>
    tpu.vector_store %arg6[%swap3A_506], %swap3A_509 {strides = array<i32>} : memref<640xi32, #tpu.memory_space<vmem>>, vector<16xi32>,
    %get3A_510 = arith.constant 496 : index
    %get3A_511 = tpu.vector_load %arg6[%get3A_510] {strides = array<i32>} : memref<640xi32, #tpu.memory_space<vmem>>, vector<16xi32>,
    %get3A_512 = vector.shape_cast %get3A_511 : vector<16xi32> to vector<16xi32>
    %min3A_513 = arith.constant 511 : i32
    %min3A_514 = vector.broadcast %min3A_513 : i32 to vector<16xi32>
    %min3A_515 = arith.minsi %get3A_512, %min3A_514 : vector<16xi32>
    %swap3A_516 = arith.constant 496 : index
    %swap3A_517 = tpu.vector_load %arg6[%swap3A_516] {strides = array<i32>} : memref<640xi32, #tpu.memory_space<vmem>>, vector<16xi32>,
    %swap3A_518 = vector.shape_cast %swap3A_517 : vector<16xi32> to vector<16xi32>
    %swap3A_519 = vector.shape_cast %min3A_515 : vector<16xi32> to vector<16xi32>
    tpu.vector_store %arg6[%swap3A_516], %swap3A_519 {strides = array<i32>} : memref<640xi32, #tpu.memory_space<vmem>>, vector<16xi32>,
    %get3A_520 = arith.constant 512 : index
    %get3A_521 = tpu.vector_load %arg6[%get3A_520] {strides = array<i32>} : memref<640xi32, #tpu.memory_space<vmem>>, vector<16xi32>,
    %get3A_522 = vector.shape_cast %get3A_521 : vector<16xi32> to vector<16xi32>
    %min3A_523 = arith.constant 511 : i32
    %min3A_524 = vector.broadcast %min3A_523 : i32 to vector<16xi32>
    %min3A_525 = arith.minsi %get3A_522, %min3A_524 : vector<16xi32>
    %swap3A_526 = arith.constant 512 : index
    %swap3A_527 = tpu.vector_load %arg6[%swap3A_526] {strides = array<i32>} : memref<640xi32, #tpu.memory_space<vmem>>, vector<16xi32>,
    %swap3A_528 = vector.shape_cast %swap3A_527 : vector<16xi32> to vector<16xi32>
    %swap3A_529 = vector.shape_cast %min3A_525 : vector<16xi32> to vector<16xi32>
    tpu.vector_store %arg6[%swap3A_526], %swap3A_529 {strides = array<i32>} : memref<640xi32, #tpu.memory_space<vmem>>, vector<16xi32>,
    %get3A_530 = arith.constant 528 : index
    %get3A_531 = tpu.vector_load %arg6[%get3A_530] {strides = array<i32>} : memref<640xi32, #tpu.memory_space<vmem>>, vector<16xi32>,
    %get3A_532 = vector.shape_cast %get3A_531 : vector<16xi32> to vector<16xi32>
    %min3A_533 = arith.constant 511 : i32
    %min3A_534 = vector.broadcast %min3A_533 : i32 to vector<16xi32>
    %min3A_535 = arith.minsi %get3A_532, %min3A_534 : vector<16xi32>
    %swap3A_536 = arith.constant 528 : index
    %swap3A_537 = tpu.vector_load %arg6[%swap3A_536] {strides = array<i32>} : memref<640xi32, #tpu.memory_space<vmem>>, vector<16xi32>,
    %swap3A_538 = vector.shape_cast %swap3A_537 : vector<16xi32> to vector<16xi32>
    %swap3A_539 = vector.shape_cast %min3A_535 : vector<16xi32> to vector<16xi32>
    tpu.vector_store %arg6[%swap3A_536], %swap3A_539 {strides = array<i32>} : memref<640xi32, #tpu.memory_space<vmem>>, vector<16xi32>,
    %get3A_540 = arith.constant 544 : index
    %get3A_541 = tpu.vector_load %arg6[%get3A_540] {strides = array<i32>} : memref<640xi32, #tpu.memory_space<vmem>>, vector<16xi32>,
    %get3A_542 = vector.shape_cast %get3A_541 : vector<16xi32> to vector<16xi32>
    %min3A_543 = arith.constant 511 : i32
    %min3A_544 = vector.broadcast %min3A_543 : i32 to vector<16xi32>
    %min3A_545 = arith.minsi %get3A_542, %min3A_544 : vector<16xi32>
    %swap3A_546 = arith.constant 544 : index
    %swap3A_547 = tpu.vector_load %arg6[%swap3A_546] {strides = array<i32>} : memref<640xi32, #tpu.memory_space<vmem>>, vector<16xi32>,
    %swap3A_548 = vector.shape_cast %swap3A_547 : vector<16xi32> to vector<16xi32>
    %swap3A_549 = vector.shape_cast %min3A_545 : vector<16xi32> to vector<16xi32>
    tpu.vector_store %arg6[%swap3A_546], %swap3A_549 {strides = array<i32>} : memref<640xi32, #tpu.memory_space<vmem>>, vector<16xi32>,
    %get3A_550 = arith.constant 560 : index
    %get3A_551 = tpu.vector_load %arg6[%get3A_550] {strides = array<i32>} : memref<640xi32, #tpu.memory_space<vmem>>, vector<16xi32>,
    %get3A_552 = vector.shape_cast %get3A_551 : vector<16xi32> to vector<16xi32>
    %min3A_553 = arith.constant 511 : i32
    %min3A_554 = vector.broadcast %min3A_553 : i32 to vector<16xi32>
    %min3A_555 = arith.minsi %get3A_552, %min3A_554 : vector<16xi32>
    %swap3A_556 = arith.constant 560 : index
    %swap3A_557 = tpu.vector_load %arg6[%swap3A_556] {strides = array<i32>} : memref<640xi32, #tpu.memory_space<vmem>>, vector<16xi32>,
    %swap3A_558 = vector.shape_cast %swap3A_557 : vector<16xi32> to vector<16xi32>
    %swap3A_559 = vector.shape_cast %min3A_555 : vector<16xi32> to vector<16xi32>
    tpu.vector_store %arg6[%swap3A_556], %swap3A_559 {strides = array<i32>} : memref<640xi32, #tpu.memory_space<vmem>>, vector<16xi32>,
    %get3A_560 = arith.constant 576 : index
    %get3A_561 = tpu.vector_load %arg6[%get3A_560] {strides = array<i32>} : memref<640xi32, #tpu.memory_space<vmem>>, vector<16xi32>,
    %get3A_562 = vector.shape_cast %get3A_561 : vector<16xi32> to vector<16xi32>
    %min3A_563 = arith.constant 511 : i32
    %min3A_564 = vector.broadcast %min3A_563 : i32 to vector<16xi32>
    %min3A_565 = arith.minsi %get3A_562, %min3A_564 : vector<16xi32>
    %swap3A_566 = arith.constant 576 : index
    %swap3A_567 = tpu.vector_load %arg6[%swap3A_566] {strides = array<i32>} : memref<640xi32, #tpu.memory_space<vmem>>, vector<16xi32>,
    %swap3A_568 = vector.shape_cast %swap3A_567 : vector<16xi32> to vector<16xi32>
    %swap3A_569 = vector.shape_cast %min3A_565 : vector<16xi32> to vector<16xi32>
    tpu.vector_store %arg6[%swap3A_566], %swap3A_569 {strides = array<i32>} : memref<640xi32, #tpu.memory_space<vmem>>, vector<16xi32>,
    %get3A_570 = arith.constant 592 : index
    %get3A_571 = tpu.vector_load %arg6[%get3A_570] {strides = array<i32>} : memref<640xi32, #tpu.memory_space<vmem>>, vector<16xi32>,
    %get3A_572 = vector.shape_cast %get3A_571 : vector<16xi32> to vector<16xi32>
    %min3A_573 = arith.constant 511 : i32
    %min3A_574 = vector.broadcast %min3A_573 : i32 to vector<16xi32>
    %min3A_575 = arith.minsi %get3A_572, %min3A_574 : vector<16xi32>
    %swap3A_576 = arith.constant 592 : index
    %swap3A_577 = tpu.vector_load %arg6[%swap3A_576] {strides = array<i32>} : memref<640xi32, #tpu.memory_space<vmem>>, vector<16xi32>,
    %swap3A_578 = vector.shape_cast %swap3A_577 : vector<16xi32> to vector<16xi32>
    %swap3A_579 = vector.shape_cast %min3A_575 : vector<16xi32> to vector<16xi32>
    tpu.vector_store %arg6[%swap3A_576], %swap3A_579 {strides = array<i32>} : memref<640xi32, #tpu.memory_space<vmem>>, vector<16xi32>,
    %get3A_580 = arith.constant 608 : index
    %get3A_581 = tpu.vector_load %arg6[%get3A_580] {strides = array<i32>} : memref<640xi32, #tpu.memory_space<vmem>>, vector<16xi32>,
    %get3A_582 = vector.shape_cast %get3A_581 : vector<16xi32> to vector<16xi32>
    %min3A_583 = arith.constant 511 : i32
    %min3A_584 = vector.broadcast %min3A_583 : i32 to vector<16xi32>
    %min3A_585 = arith.minsi %get3A_582, %min3A_584 : vector<16xi32>
    %swap3A_586 = arith.constant 608 : index
    %swap3A_587 = tpu.vector_load %arg6[%swap3A_586] {strides = array<i32>} : memref<640xi32, #tpu.memory_space<vmem>>, vector<16xi32>,
    %swap3A_588 = vector.shape_cast %swap3A_587 : vector<16xi32> to vector<16xi32>
    %swap3A_589 = vector.shape_cast %min3A_585 : vector<16xi32> to vector<16xi32>
    tpu.vector_store %arg6[%swap3A_586], %swap3A_589 {strides = array<i32>} : memref<640xi32, #tpu.memory_space<vmem>>, vector<16xi32>,
    %get3A_590 = arith.constant 624 : index
    %get3A_591 = tpu.vector_load %arg6[%get3A_590] {strides = array<i32>} : memref<640xi32, #tpu.memory_space<vmem>>, vector<16xi32>,
    %get3A_592 = vector.shape_cast %get3A_591 : vector<16xi32> to vector<16xi32>
    %min3A_593 = arith.constant 511 : i32
    %min3A_594 = vector.broadcast %min3A_593 : i32 to vector<16xi32>
    %min3A_595 = arith.minsi %get3A_592, %min3A_594 : vector<16xi32>
    %swap3A_596 = arith.constant 624 : index
    %swap3A_597 = tpu.vector_load %arg6[%swap3A_596] {strides = array<i32>} : memref<640xi32, #tpu.memory_space<vmem>>, vector<16xi32>,
    %swap3A_598 = vector.shape_cast %swap3A_597 : vector<16xi32> to vector<16xi32>
    %swap3A_599 = vector.shape_cast %min3A_595 : vector<16xi32> to vector<16xi32>
    tpu.vector_store %arg6[%swap3A_596], %swap3A_599 {strides = array<i32>} : memref<640xi32, #tpu.memory_space<vmem>>, vector<16xi32>,
    "tpu.region"() ({
      %run_scoped3A = tpu.sem_alloc : memref<!tpu.dma_semaphore, #tpu.memory_space<semaphore_mem>>
      %dma_start3A = tpu.memref_slice %arg3[%arg0, %multiple_of3A] : memref<2x10240xi32, #tpu.memory_space<hbm>> -> memref<1x640xi32, #tpu.memory_space<hbm>>
      %dma_start3A_600 = tpu.memref_squeeze %dma_start3A : memref<1x640xi32, #tpu.memory_space<hbm>> -> memref<640xi32, #tpu.memory_space<hbm>>
      %dma_start3A_601 = tpu.memref_slice %arg3[%arg0, %multiple_of3A] : memref<2x10240xi32, #tpu.memory_space<hbm>> -> memref<1x640xi32, #tpu.memory_space<hbm>>
      %dma_start3A_602 = tpu.memref_squeeze %dma_start3A_601 : memref<1x640xi32, #tpu.memory_space<hbm>> -> memref<640xi32, #tpu.memory_space<hbm>>
      tpu.enqueue_dma source(%arg6 : memref<640xi32, #tpu.memory_space<vmem>>) target(%dma_start3A_602 : memref<640xi32, #tpu.memory_space<hbm>>) target_semaphore(%run_scoped3A : memref<!tpu.dma_semaphore, #tpu.memory_space<semaphore_mem>>)
      %dma_wait3A = tpu.memref_slice %arg3[%arg0, %multiple_of3A] : memref<2x10240xi32, #tpu.memory_space<hbm>> -> memref<1x640xi32, #tpu.memory_space<hbm>>
      %dma_wait3A_603 = tpu.memref_squeeze %dma_wait3A : memref<1x640xi32, #tpu.memory_space<hbm>> -> memref<640xi32, #tpu.memory_space<hbm>>
      %dma_wait3A_604 = tpu.memref_slice %arg3[%arg0, %multiple_of3A] : memref<2x10240xi32, #tpu.memory_space<hbm>> -> memref<1x640xi32, #tpu.memory_space<hbm>>
      %dma_wait3A_605 = tpu.memref_squeeze %dma_wait3A_604 : memref<1x640xi32, #tpu.memory_space<hbm>> -> memref<640xi32, #tpu.memory_space<hbm>>
      tpu.wait_dma2 semaphore(%run_scoped3A : memref<!tpu.dma_semaphore, #tpu.memory_space<semaphore_mem>>) src(%arg6 : memref<640xi32, #tpu.memory_space<vmem>>) dst(%dma_wait3A_605 : memref<640xi32, #tpu.memory_space<hbm>>)
      tpu.yield
    }) : () -> ()
    return
  }
}

#map = affine_map<(d0, d1) -> (0, 0)>
module attributes {stable_mosaic.version = 14 : i64} {
  func.func @_encode(%arg0: i32, %arg1: i32, %arg2: memref<10000x128xf32, #tpu.memory_space<hbm>>, %arg3: memref<2x10240xi32, #tpu.memory_space<hbm>>, %arg4: memref<512x128xf32, #tpu.memory_space<hbm>>, %arg5: memref<512x128xf32, #tpu.memory_space<hbm>>, %arg6: memref<10000x128xf32, #tpu.memory_space<hbm>>, %arg7: memref<64xi32, #tpu.memory_space<vmem>>, %arg8: memref<64xi32, #tpu.memory_space<vmem>>, %arg9: memref<64x128xf32, #tpu.memory_space<vmem>>, %arg10: memref<64x128xf32, #tpu.memory_space<vmem>>, %arg11: memref<64x128xf32, #tpu.memory_space<vmem>>, %arg12: memref<!tpu.dma_semaphore, #tpu.memory_space<semaphore_mem>>) attributes {dimension_semantics = [#tpu.dimension_semantics<core_parallel>, #tpu.dimension_semantics<subcore_parallel>], iteration_bounds = array<i64: 2, 16>, scalar_prefetch = 0 : i64, scratch_operands = 6 : i64, tpu.core_type = #tpu.core_type<sc_vector_subcore>, window_params = [{transform_indices = #map}, {transform_indices = #map}, {transform_indices = #map}, {transform_indices = #map}, {transform_indices = #map}]} {
    %mul3A = arith.constant 2 : i32
    %mul3A_0 = arith.muli %arg1, %mul3A : i32
    %add3A = arith.addi %mul3A_0, %arg0 : i32
    %broadcast_in_dim3A = arith.constant 0 : i32
    %broadcast_in_dim3A_1 = vector.broadcast %broadcast_in_dim3A : i32 to vector<16xi32>
    %swap3A = arith.constant 0 : index
    %swap3A_2 = tpu.vector_load %arg7[%swap3A] {strides = array<i32>} : memref<64xi32, #tpu.memory_space<vmem>>, vector<16xi32>,
    %swap3A_3 = vector.shape_cast %swap3A_2 : vector<16xi32> to vector<16xi32>
    %swap3A_4 = vector.shape_cast %broadcast_in_dim3A_1 : vector<16xi32> to vector<16xi32>
    tpu.vector_store %arg7[%swap3A], %swap3A_4 {strides = array<i32>} : memref<64xi32, #tpu.memory_space<vmem>>, vector<16xi32>,
    %swap3A_5 = arith.constant 0 : index
    %swap3A_6 = tpu.vector_load %arg8[%swap3A_5] {strides = array<i32>} : memref<64xi32, #tpu.memory_space<vmem>>, vector<16xi32>,
    %swap3A_7 = vector.shape_cast %swap3A_6 : vector<16xi32> to vector<16xi32>
    %swap3A_8 = vector.shape_cast %broadcast_in_dim3A_1 : vector<16xi32> to vector<16xi32>
    tpu.vector_store %arg8[%swap3A_5], %swap3A_8 {strides = array<i32>} : memref<64xi32, #tpu.memory_space<vmem>>, vector<16xi32>,
    %swap3A_9 = arith.constant 16 : index
    %swap3A_10 = tpu.vector_load %arg7[%swap3A_9] {strides = array<i32>} : memref<64xi32, #tpu.memory_space<vmem>>, vector<16xi32>,
    %swap3A_11 = vector.shape_cast %swap3A_10 : vector<16xi32> to vector<16xi32>
    %swap3A_12 = vector.shape_cast %broadcast_in_dim3A_1 : vector<16xi32> to vector<16xi32>
    tpu.vector_store %arg7[%swap3A_9], %swap3A_12 {strides = array<i32>} : memref<64xi32, #tpu.memory_space<vmem>>, vector<16xi32>,
    %swap3A_13 = arith.constant 16 : index
    %swap3A_14 = tpu.vector_load %arg8[%swap3A_13] {strides = array<i32>} : memref<64xi32, #tpu.memory_space<vmem>>, vector<16xi32>,
    %swap3A_15 = vector.shape_cast %swap3A_14 : vector<16xi32> to vector<16xi32>
    %swap3A_16 = vector.shape_cast %broadcast_in_dim3A_1 : vector<16xi32> to vector<16xi32>
    tpu.vector_store %arg8[%swap3A_13], %swap3A_16 {strides = array<i32>} : memref<64xi32, #tpu.memory_space<vmem>>, vector<16xi32>,
    %swap3A_17 = arith.constant 32 : index
    %swap3A_18 = tpu.vector_load %arg7[%swap3A_17] {strides = array<i32>} : memref<64xi32, #tpu.memory_space<vmem>>, vector<16xi32>,
    %swap3A_19 = vector.shape_cast %swap3A_18 : vector<16xi32> to vector<16xi32>
    %swap3A_20 = vector.shape_cast %broadcast_in_dim3A_1 : vector<16xi32> to vector<16xi32>
    tpu.vector_store %arg7[%swap3A_17], %swap3A_20 {strides = array<i32>} : memref<64xi32, #tpu.memory_space<vmem>>, vector<16xi32>,
    %swap3A_21 = arith.constant 32 : index
    %swap3A_22 = tpu.vector_load %arg8[%swap3A_21] {strides = array<i32>} : memref<64xi32, #tpu.memory_space<vmem>>, vector<16xi32>,
    %swap3A_23 = vector.shape_cast %swap3A_22 : vector<16xi32> to vector<16xi32>
    %swap3A_24 = vector.shape_cast %broadcast_in_dim3A_1 : vector<16xi32> to vector<16xi32>
    tpu.vector_store %arg8[%swap3A_21], %swap3A_24 {strides = array<i32>} : memref<64xi32, #tpu.memory_space<vmem>>, vector<16xi32>,
    %swap3A_25 = arith.constant 48 : index
    %swap3A_26 = tpu.vector_load %arg7[%swap3A_25] {strides = array<i32>} : memref<64xi32, #tpu.memory_space<vmem>>, vector<16xi32>,
    %swap3A_27 = vector.shape_cast %swap3A_26 : vector<16xi32> to vector<16xi32>
    %swap3A_28 = vector.shape_cast %broadcast_in_dim3A_1 : vector<16xi32> to vector<16xi32>
    tpu.vector_store %arg7[%swap3A_25], %swap3A_28 {strides = array<i32>} : memref<64xi32, #tpu.memory_space<vmem>>, vector<16xi32>,
    %swap3A_29 = arith.constant 48 : index
    %swap3A_30 = tpu.vector_load %arg8[%swap3A_29] {strides = array<i32>} : memref<64xi32, #tpu.memory_space<vmem>>, vector<16xi32>,
    %swap3A_31 = vector.shape_cast %swap3A_30 : vector<16xi32> to vector<16xi32>
    %swap3A_32 = vector.shape_cast %broadcast_in_dim3A_1 : vector<16xi32> to vector<16xi32>
    tpu.vector_store %arg8[%swap3A_29], %swap3A_32 {strides = array<i32>} : memref<64xi32, #tpu.memory_space<vmem>>, vector<16xi32>,
    %lt3A = arith.constant 31 : i32
    %lt3A_33 = arith.cmpi slt, %add3A, %lt3A : i32
    %jit3A = arith.constant 5 : i32
    %jit3A_34 = arith.constant 1 : i32
    %select_n3A = arith.select %lt3A_33, %jit3A, %jit3A_34 : i32
    %sub3A = arith.constant 0 : i32
    %sub3A_35 = arith.subi %select_n3A, %sub3A : i32
    %sub3A_36 = arith.constant 1 : i32
    %sub3A_37 = arith.constant 1 : i32
    %sub3A_38 = arith.subi %sub3A_36, %sub3A_37 : i32
    %add3A_39 = arith.addi %sub3A_35, %sub3A_38 : i32
    %div3A = arith.constant 1 : i32
    %div3A_40 = arith.divsi %add3A_39, %div3A : i32
    %while3A = arith.constant 1 : i32
    %while3A_41 = arith.constant 0 : i32
    %while3A_42 = arith.constant 0 : i32
    %while3A_43 = arith.subi %div3A_40, %while3A_42 : i32
    %while3A_44 = arith.addi %while3A_42, %while3A_43 : i32
    %while3A_45 = arith.constant 1 : i32
    %while3A_46 = arith.divsi %while3A_43, %while3A_45 : i32
    %while3A_47 = arith.muli %while3A_46, %while3A_45 : i32
    %while3A_48 = arith.addi %while3A_42, %while3A_47 : i32
    %while3A_49 = arith.constant 1 : i32
    scf.for %while3A_53 = %while3A_42 to %while3A_48 step %while3A_49  : i32 {
      %mul3A_54 = arith.muli %while3A_53, %while3A : i32
      %add3A_55 = arith.addi %while3A_41, %mul3A_54 : i32
      %mul3A_56 = arith.constant 320 : i32
      %mul3A_57 = arith.muli %add3A, %mul3A_56 : i32
      %mul3A_58 = arith.constant 64 : i32
      %mul3A_59 = arith.muli %add3A_55, %mul3A_58 : i32
      %add3A_60 = arith.addi %mul3A_57, %mul3A_59 : i32
      %multiple_of3A = tpu.assume_multiple %add3A_60, 8 : i32
      %run_scoped3A = arith.constant 1 : i32
      "tpu.region"() ({
        %run_scoped3A_76 = tpu.sem_alloc : memref<!tpu.dma_semaphore, #tpu.memory_space<semaphore_mem>>
        %dma_start3A_77 = arith.constant 0 : i32
        %dma_start3A_78 = tpu.memref_slice %arg7[%dma_start3A_77] : memref<64xi32, #tpu.memory_space<vmem>> -> memref<64xi32, #tpu.memory_space<vmem>>
        %dma_start3A_79 = tpu.memref_slice %arg3[%run_scoped3A, %multiple_of3A] : memref<2x10240xi32, #tpu.memory_space<hbm>> -> memref<1x64xi32, #tpu.memory_space<hbm>>
        %dma_start3A_80 = tpu.memref_squeeze %dma_start3A_79 : memref<1x64xi32, #tpu.memory_space<hbm>> -> memref<64xi32, #tpu.memory_space<hbm>>
        %dma_start3A_81 = arith.constant 0 : i32
        %dma_start3A_82 = tpu.memref_slice %arg7[%dma_start3A_81] : memref<64xi32, #tpu.memory_space<vmem>> -> memref<64xi32, #tpu.memory_space<vmem>>
        %dma_start3A_83 = tpu.memref_slice %arg3[%run_scoped3A, %multiple_of3A] : memref<2x10240xi32, #tpu.memory_space<hbm>> -> memref<1x64xi32, #tpu.memory_space<hbm>>
        %dma_start3A_84 = tpu.memref_squeeze %dma_start3A_83 : memref<1x64xi32, #tpu.memory_space<hbm>> -> memref<64xi32, #tpu.memory_space<hbm>>
        tpu.enqueue_dma source(%dma_start3A_84 : memref<64xi32, #tpu.memory_space<hbm>>) target(%dma_start3A_82 : memref<64xi32, #tpu.memory_space<vmem>>) target_semaphore(%run_scoped3A_76 : memref<!tpu.dma_semaphore, #tpu.memory_space<semaphore_mem>>)
        %dma_wait3A_85 = arith.constant 0 : i32
        %dma_wait3A_86 = tpu.memref_slice %arg7[%dma_wait3A_85] : memref<64xi32, #tpu.memory_space<vmem>> -> memref<64xi32, #tpu.memory_space<vmem>>
        %dma_wait3A_87 = tpu.memref_slice %arg3[%run_scoped3A, %multiple_of3A] : memref<2x10240xi32, #tpu.memory_space<hbm>> -> memref<1x64xi32, #tpu.memory_space<hbm>>
        %dma_wait3A_88 = tpu.memref_squeeze %dma_wait3A_87 : memref<1x64xi32, #tpu.memory_space<hbm>> -> memref<64xi32, #tpu.memory_space<hbm>>
        %dma_wait3A_89 = arith.constant 0 : i32
        %dma_wait3A_90 = tpu.memref_slice %arg7[%dma_wait3A_89] : memref<64xi32, #tpu.memory_space<vmem>> -> memref<64xi32, #tpu.memory_space<vmem>>
        %dma_wait3A_91 = tpu.memref_slice %arg3[%run_scoped3A, %multiple_of3A] : memref<2x10240xi32, #tpu.memory_space<hbm>> -> memref<1x64xi32, #tpu.memory_space<hbm>>
        %dma_wait3A_92 = tpu.memref_squeeze %dma_wait3A_91 : memref<1x64xi32, #tpu.memory_space<hbm>> -> memref<64xi32, #tpu.memory_space<hbm>>
        tpu.wait_dma2 semaphore(%run_scoped3A_76 : memref<!tpu.dma_semaphore, #tpu.memory_space<semaphore_mem>>) src(%dma_wait3A_92 : memref<64xi32, #tpu.memory_space<hbm>>) dst(%dma_wait3A_90 : memref<64xi32, #tpu.memory_space<vmem>>)
        tpu.yield
      }) : () -> ()
      %run_scoped3A_61 = arith.constant 0 : i32
      "tpu.region"() ({
        %run_scoped3A_76 = tpu.sem_alloc : memref<!tpu.dma_semaphore, #tpu.memory_space<semaphore_mem>>
        %dma_start3A_77 = arith.constant 0 : i32
        %dma_start3A_78 = tpu.memref_slice %arg8[%dma_start3A_77] : memref<64xi32, #tpu.memory_space<vmem>> -> memref<64xi32, #tpu.memory_space<vmem>>
        %dma_start3A_79 = tpu.memref_slice %arg3[%run_scoped3A_61, %multiple_of3A] : memref<2x10240xi32, #tpu.memory_space<hbm>> -> memref<1x64xi32, #tpu.memory_space<hbm>>
        %dma_start3A_80 = tpu.memref_squeeze %dma_start3A_79 : memref<1x64xi32, #tpu.memory_space<hbm>> -> memref<64xi32, #tpu.memory_space<hbm>>
        %dma_start3A_81 = arith.constant 0 : i32
        %dma_start3A_82 = tpu.memref_slice %arg8[%dma_start3A_81] : memref<64xi32, #tpu.memory_space<vmem>> -> memref<64xi32, #tpu.memory_space<vmem>>
        %dma_start3A_83 = tpu.memref_slice %arg3[%run_scoped3A_61, %multiple_of3A] : memref<2x10240xi32, #tpu.memory_space<hbm>> -> memref<1x64xi32, #tpu.memory_space<hbm>>
        %dma_start3A_84 = tpu.memref_squeeze %dma_start3A_83 : memref<1x64xi32, #tpu.memory_space<hbm>> -> memref<64xi32, #tpu.memory_space<hbm>>
        tpu.enqueue_dma source(%dma_start3A_84 : memref<64xi32, #tpu.memory_space<hbm>>) target(%dma_start3A_82 : memref<64xi32, #tpu.memory_space<vmem>>) target_semaphore(%run_scoped3A_76 : memref<!tpu.dma_semaphore, #tpu.memory_space<semaphore_mem>>)
        %dma_wait3A_85 = arith.constant 0 : i32
        %dma_wait3A_86 = tpu.memref_slice %arg8[%dma_wait3A_85] : memref<64xi32, #tpu.memory_space<vmem>> -> memref<64xi32, #tpu.memory_space<vmem>>
        %dma_wait3A_87 = tpu.memref_slice %arg3[%run_scoped3A_61, %multiple_of3A] : memref<2x10240xi32, #tpu.memory_space<hbm>> -> memref<1x64xi32, #tpu.memory_space<hbm>>
        %dma_wait3A_88 = tpu.memref_squeeze %dma_wait3A_87 : memref<1x64xi32, #tpu.memory_space<hbm>> -> memref<64xi32, #tpu.memory_space<hbm>>
        %dma_wait3A_89 = arith.constant 0 : i32
        %dma_wait3A_90 = tpu.memref_slice %arg8[%dma_wait3A_89] : memref<64xi32, #tpu.memory_space<vmem>> -> memref<64xi32, #tpu.memory_space<vmem>>
        %dma_wait3A_91 = tpu.memref_slice %arg3[%run_scoped3A_61, %multiple_of3A] : memref<2x10240xi32, #tpu.memory_space<hbm>> -> memref<1x64xi32, #tpu.memory_space<hbm>>
        %dma_wait3A_92 = tpu.memref_squeeze %dma_wait3A_91 : memref<1x64xi32, #tpu.memory_space<hbm>> -> memref<64xi32, #tpu.memory_space<hbm>>
        tpu.wait_dma2 semaphore(%run_scoped3A_76 : memref<!tpu.dma_semaphore, #tpu.memory_space<semaphore_mem>>) src(%dma_wait3A_92 : memref<64xi32, #tpu.memory_space<hbm>>) dst(%dma_wait3A_90 : memref<64xi32, #tpu.memory_space<vmem>>)
        tpu.yield
      }) : () -> ()
      "tpu.region"() ({
        %run_scoped3A_76 = tpu.sem_alloc : memref<!tpu.dma_semaphore, #tpu.memory_space<semaphore_mem>>
        %dma_start3A_77 = arith.constant 0 : i32
        %dma_start3A_78 = arith.constant 0 : i32
        %dma_start3A_79 = tpu.memref_slice %arg9[%dma_start3A_77, %dma_start3A_78] : memref<64x128xf32, #tpu.memory_space<vmem>> -> memref<64x128xf32, #tpu.memory_space<vmem>>
        %dma_start3A_80 = arith.constant 0 : i32
        %dma_start3A_81 = tpu.memref_slice %arg2[%multiple_of3A, %dma_start3A_80] : memref<10000x128xf32, #tpu.memory_space<hbm>> -> memref<64x128xf32, #tpu.memory_space<hbm>>
        %dma_start3A_82 = arith.constant 0 : i32
        %dma_start3A_83 = arith.constant 0 : i32
        %dma_start3A_84 = tpu.memref_slice %arg9[%dma_start3A_82, %dma_start3A_83] : memref<64x128xf32, #tpu.memory_space<vmem>> -> memref<64x128xf32, #tpu.memory_space<vmem>>
        %dma_start3A_85 = arith.constant 0 : i32
        %dma_start3A_86 = tpu.memref_slice %arg2[%multiple_of3A, %dma_start3A_85] : memref<10000x128xf32, #tpu.memory_space<hbm>> -> memref<64x128xf32, #tpu.memory_space<hbm>>
        tpu.enqueue_dma source(%dma_start3A_86 : memref<64x128xf32, #tpu.memory_space<hbm>>) target(%dma_start3A_84 : memref<64x128xf32, #tpu.memory_space<vmem>>) target_semaphore(%run_scoped3A_76 : memref<!tpu.dma_semaphore, #tpu.memory_space<semaphore_mem>>)
        %dma_wait3A_87 = arith.constant 0 : i32
        %dma_wait3A_88 = arith.constant 0 : i32
        %dma_wait3A_89 = tpu.memref_slice %arg9[%dma_wait3A_87, %dma_wait3A_88] : memref<64x128xf32, #tpu.memory_space<vmem>> -> memref<64x128xf32, #tpu.memory_space<vmem>>
        %dma_wait3A_90 = arith.constant 0 : i32
        %dma_wait3A_91 = tpu.memref_slice %arg2[%multiple_of3A, %dma_wait3A_90] : memref<10000x128xf32, #tpu.memory_space<hbm>> -> memref<64x128xf32, #tpu.memory_space<hbm>>
        %dma_wait3A_92 = arith.constant 0 : i32
        %dma_wait3A_93 = arith.constant 0 : i32
        %dma_wait3A_94 = tpu.memref_slice %arg9[%dma_wait3A_92, %dma_wait3A_93] : memref<64x128xf32, #tpu.memory_space<vmem>> -> memref<64x128xf32, #tpu.memory_space<vmem>>
        %dma_wait3A_95 = arith.constant 0 : i32
        %dma_wait3A_96 = tpu.memref_slice %arg2[%multiple_of3A, %dma_wait3A_95] : memref<10000x128xf32, #tpu.memory_space<hbm>> -> memref<64x128xf32, #tpu.memory_space<hbm>>
        tpu.wait_dma2 semaphore(%run_scoped3A_76 : memref<!tpu.dma_semaphore, #tpu.memory_space<semaphore_mem>>) src(%dma_wait3A_96 : memref<64x128xf32, #tpu.memory_space<hbm>>) dst(%dma_wait3A_94 : memref<64x128xf32, #tpu.memory_space<vmem>>)
        tpu.yield
      }) : () -> ()
      %dma_start3A = arith.constant 0 : i32
      %dma_start3A_62 = arith.constant 0 : i32
      %dma_start3A_63 = tpu.memref_slice %arg4[%dma_start3A, %dma_start3A_62] : memref<512x128xf32, #tpu.memory_space<hbm>> -> memref<512x128xf32, #tpu.memory_space<hbm>>
      tpu.enqueue_indirect_dma source(%dma_start3A_63 : memref<512x128xf32, #tpu.memory_space<hbm>>) target(%arg10 : memref<64x128xf32, #tpu.memory_space<vmem>>) offsets(%arg7 : memref<64xi32, #tpu.memory_space<vmem>>) semaphore(%arg12 : memref<!tpu.dma_semaphore, #tpu.memory_space<semaphore_mem>>)
      %dma_start3A_64 = arith.constant 0 : i32
      %dma_start3A_65 = arith.constant 0 : i32
      %dma_start3A_66 = tpu.memref_slice %arg5[%dma_start3A_64, %dma_start3A_65] : memref<512x128xf32, #tpu.memory_space<hbm>> -> memref<512x128xf32, #tpu.memory_space<hbm>>
      tpu.enqueue_indirect_dma source(%dma_start3A_66 : memref<512x128xf32, #tpu.memory_space<hbm>>) target(%arg11 : memref<64x128xf32, #tpu.memory_space<vmem>>) offsets(%arg8 : memref<64xi32, #tpu.memory_space<vmem>>) semaphore(%arg12 : memref<!tpu.dma_semaphore, #tpu.memory_space<semaphore_mem>>)
      %dma_wait3A = arith.constant 0 : i32
      %dma_wait3A_67 = arith.constant 0 : i32
      %dma_wait3A_68 = tpu.memref_slice %arg4[%dma_wait3A, %dma_wait3A_67] : memref<512x128xf32, #tpu.memory_space<hbm>> -> memref<512x128xf32, #tpu.memory_space<hbm>>
      tpu.wait_indirect_dma semaphore(%arg12 : memref<!tpu.dma_semaphore, #tpu.memory_space<semaphore_mem>>) src(%dma_wait3A_68 : memref<512x128xf32, #tpu.memory_space<hbm>>) dst(%arg10 : memref<64x128xf32, #tpu.memory_space<vmem>>)
      %dma_wait3A_69 = arith.constant 0 : i32
      %dma_wait3A_70 = arith.constant 0 : i32
      %dma_wait3A_71 = tpu.memref_slice %arg5[%dma_wait3A_69, %dma_wait3A_70] : memref<512x128xf32, #tpu.memory_space<hbm>> -> memref<512x128xf32, #tpu.memory_space<hbm>>
      tpu.wait_indirect_dma semaphore(%arg12 : memref<!tpu.dma_semaphore, #tpu.memory_space<semaphore_mem>>) src(%dma_wait3A_71 : memref<512x128xf32, #tpu.memory_space<hbm>>) dst(%arg11 : memref<64x128xf32, #tpu.memory_space<vmem>>)
      %scan3A = arith.constant 0 : i32
      %scan3A_72 = arith.constant 64 : i32
      %scan3A_73 = arith.addi %scan3A, %scan3A_72 : i32
      %scan3A_74 = arith.constant 1 : i32
      scf.for %scan3A_76 = %scan3A to %scan3A_73 step %scan3A_74  : i32 {
        %mul3A_77 = arith.constant 1 : i32
        %mul3A_78 = arith.muli %scan3A_76, %mul3A_77 : i32
        %add3A_79 = arith.constant 0 : i32
        %add3A_80 = arith.addi %add3A_79, %mul3A_78 : i32
        %get3A = arith.index_cast %add3A_80 : i32 to index
        %get3A_81 = arith.constant 0 : index
        %get3A_82 = tpu.vector_load %arg9[%get3A, %get3A_81] {strides = array<i32>} : memref<64x128xf32, #tpu.memory_space<vmem>>, vector<1x16xf32>,
        %get3A_83 = vector.shape_cast %get3A_82 : vector<1x16xf32> to vector<16xf32>
        %get3A_84 = arith.index_cast %add3A_80 : i32 to index
        %get3A_85 = arith.constant 0 : index
        %get3A_86 = tpu.vector_load %arg10[%get3A_84, %get3A_85] {strides = array<i32>} : memref<64x128xf32, #tpu.memory_space<vmem>>, vector<1x16xf32>,
        %get3A_87 = vector.shape_cast %get3A_86 : vector<1x16xf32> to vector<16xf32>
        %add3A_88 = arith.addf %get3A_83, %get3A_87 : vector<16xf32>
        %get3A_89 = arith.index_cast %add3A_80 : i32 to index
        %get3A_90 = arith.constant 0 : index
        %get3A_91 = tpu.vector_load %arg11[%get3A_89, %get3A_90] {strides = array<i32>} : memref<64x128xf32, #tpu.memory_space<vmem>>, vector<1x16xf32>,
        %get3A_92 = vector.shape_cast %get3A_91 : vector<1x16xf32> to vector<16xf32>
        %add3A_93 = arith.addf %add3A_88, %get3A_92 : vector<16xf32>
        %swap3A_94 = arith.index_cast %add3A_80 : i32 to index
        %swap3A_95 = arith.constant 0 : index
        %swap3A_96 = tpu.vector_load %arg9[%swap3A_94, %swap3A_95] {strides = array<i32>} : memref<64x128xf32, #tpu.memory_space<vmem>>, vector<1x16xf32>,
        %swap3A_97 = vector.shape_cast %swap3A_96 : vector<1x16xf32> to vector<16xf32>
        %swap3A_98 = vector.shape_cast %add3A_93 : vector<16xf32> to vector<1x16xf32>
        tpu.vector_store %arg9[%swap3A_94, %swap3A_95], %swap3A_98 {strides = array<i32>} : memref<64x128xf32, #tpu.memory_space<vmem>>, vector<1x16xf32>,
        %get3A_99 = arith.index_cast %add3A_80 : i32 to index
        %get3A_100 = arith.constant 16 : index
        %get3A_101 = tpu.vector_load %arg9[%get3A_99, %get3A_100] {strides = array<i32>} : memref<64x128xf32, #tpu.memory_space<vmem>>, vector<1x16xf32>,
        %get3A_102 = vector.shape_cast %get3A_101 : vector<1x16xf32> to vector<16xf32>
        %get3A_103 = arith.index_cast %add3A_80 : i32 to index
        %get3A_104 = arith.constant 16 : index
        %get3A_105 = tpu.vector_load %arg10[%get3A_103, %get3A_104] {strides = array<i32>} : memref<64x128xf32, #tpu.memory_space<vmem>>, vector<1x16xf32>,
        %get3A_106 = vector.shape_cast %get3A_105 : vector<1x16xf32> to vector<16xf32>
        %add3A_107 = arith.addf %get3A_102, %get3A_106 : vector<16xf32>
        %get3A_108 = arith.index_cast %add3A_80 : i32 to index
        %get3A_109 = arith.constant 16 : index
        %get3A_110 = tpu.vector_load %arg11[%get3A_108, %get3A_109] {strides = array<i32>} : memref<64x128xf32, #tpu.memory_space<vmem>>, vector<1x16xf32>,
        %get3A_111 = vector.shape_cast %get3A_110 : vector<1x16xf32> to vector<16xf32>
        %add3A_112 = arith.addf %add3A_107, %get3A_111 : vector<16xf32>
        %swap3A_113 = arith.index_cast %add3A_80 : i32 to index
        %swap3A_114 = arith.constant 16 : index
        %swap3A_115 = tpu.vector_load %arg9[%swap3A_113, %swap3A_114] {strides = array<i32>} : memref<64x128xf32, #tpu.memory_space<vmem>>, vector<1x16xf32>,
        %swap3A_116 = vector.shape_cast %swap3A_115 : vector<1x16xf32> to vector<16xf32>
        %swap3A_117 = vector.shape_cast %add3A_112 : vector<16xf32> to vector<1x16xf32>
        tpu.vector_store %arg9[%swap3A_113, %swap3A_114], %swap3A_117 {strides = array<i32>} : memref<64x128xf32, #tpu.memory_space<vmem>>, vector<1x16xf32>,
        %get3A_118 = arith.index_cast %add3A_80 : i32 to index
        %get3A_119 = arith.constant 32 : index
        %get3A_120 = tpu.vector_load %arg9[%get3A_118, %get3A_119] {strides = array<i32>} : memref<64x128xf32, #tpu.memory_space<vmem>>, vector<1x16xf32>,
        %get3A_121 = vector.shape_cast %get3A_120 : vector<1x16xf32> to vector<16xf32>
        %get3A_122 = arith.index_cast %add3A_80 : i32 to index
        %get3A_123 = arith.constant 32 : index
        %get3A_124 = tpu.vector_load %arg10[%get3A_122, %get3A_123] {strides = array<i32>} : memref<64x128xf32, #tpu.memory_space<vmem>>, vector<1x16xf32>,
        %get3A_125 = vector.shape_cast %get3A_124 : vector<1x16xf32> to vector<16xf32>
        %add3A_126 = arith.addf %get3A_121, %get3A_125 : vector<16xf32>
        %get3A_127 = arith.index_cast %add3A_80 : i32 to index
        %get3A_128 = arith.constant 32 : index
        %get3A_129 = tpu.vector_load %arg11[%get3A_127, %get3A_128] {strides = array<i32>} : memref<64x128xf32, #tpu.memory_space<vmem>>, vector<1x16xf32>,
        %get3A_130 = vector.shape_cast %get3A_129 : vector<1x16xf32> to vector<16xf32>
        %add3A_131 = arith.addf %add3A_126, %get3A_130 : vector<16xf32>
        %swap3A_132 = arith.index_cast %add3A_80 : i32 to index
        %swap3A_133 = arith.constant 32 : index
        %swap3A_134 = tpu.vector_load %arg9[%swap3A_132, %swap3A_133] {strides = array<i32>} : memref<64x128xf32, #tpu.memory_space<vmem>>, vector<1x16xf32>,
        %swap3A_135 = vector.shape_cast %swap3A_134 : vector<1x16xf32> to vector<16xf32>
        %swap3A_136 = vector.shape_cast %add3A_131 : vector<16xf32> to vector<1x16xf32>
        tpu.vector_store %arg9[%swap3A_132, %swap3A_133], %swap3A_136 {strides = array<i32>} : memref<64x128xf32, #tpu.memory_space<vmem>>, vector<1x16xf32>,
        %get3A_137 = arith.index_cast %add3A_80 : i32 to index
        %get3A_138 = arith.constant 48 : index
        %get3A_139 = tpu.vector_load %arg9[%get3A_137, %get3A_138] {strides = array<i32>} : memref<64x128xf32, #tpu.memory_space<vmem>>, vector<1x16xf32>,
        %get3A_140 = vector.shape_cast %get3A_139 : vector<1x16xf32> to vector<16xf32>
        %get3A_141 = arith.index_cast %add3A_80 : i32 to index
        %get3A_142 = arith.constant 48 : index
        %get3A_143 = tpu.vector_load %arg10[%get3A_141, %get3A_142] {strides = array<i32>} : memref<64x128xf32, #tpu.memory_space<vmem>>, vector<1x16xf32>,
        %get3A_144 = vector.shape_cast %get3A_143 : vector<1x16xf32> to vector<16xf32>
        %add3A_145 = arith.addf %get3A_140, %get3A_144 : vector<16xf32>
        %get3A_146 = arith.index_cast %add3A_80 : i32 to index
        %get3A_147 = arith.constant 48 : index
        %get3A_148 = tpu.vector_load %arg11[%get3A_146, %get3A_147] {strides = array<i32>} : memref<64x128xf32, #tpu.memory_space<vmem>>, vector<1x16xf32>,
        %get3A_149 = vector.shape_cast %get3A_148 : vector<1x16xf32> to vector<16xf32>
        %add3A_150 = arith.addf %add3A_145, %get3A_149 : vector<16xf32>
        %swap3A_151 = arith.index_cast %add3A_80 : i32 to index
        %swap3A_152 = arith.constant 48 : index
        %swap3A_153 = tpu.vector_load %arg9[%swap3A_151, %swap3A_152] {strides = array<i32>} : memref<64x128xf32, #tpu.memory_space<vmem>>, vector<1x16xf32>,
        %swap3A_154 = vector.shape_cast %swap3A_153 : vector<1x16xf32> to vector<16xf32>
        %swap3A_155 = vector.shape_cast %add3A_150 : vector<16xf32> to vector<1x16xf32>
        tpu.vector_store %arg9[%swap3A_151, %swap3A_152], %swap3A_155 {strides = array<i32>} : memref<64x128xf32, #tpu.memory_space<vmem>>, vector<1x16xf32>,
        %get3A_156 = arith.index_cast %add3A_80 : i32 to index
        %get3A_157 = arith.constant 64 : index
        %get3A_158 = tpu.vector_load %arg9[%get3A_156, %get3A_157] {strides = array<i32>} : memref<64x128xf32, #tpu.memory_space<vmem>>, vector<1x16xf32>,
        %get3A_159 = vector.shape_cast %get3A_158 : vector<1x16xf32> to vector<16xf32>
        %get3A_160 = arith.index_cast %add3A_80 : i32 to index
        %get3A_161 = arith.constant 64 : index
        %get3A_162 = tpu.vector_load %arg10[%get3A_160, %get3A_161] {strides = array<i32>} : memref<64x128xf32, #tpu.memory_space<vmem>>, vector<1x16xf32>,
        %get3A_163 = vector.shape_cast %get3A_162 : vector<1x16xf32> to vector<16xf32>
        %add3A_164 = arith.addf %get3A_159, %get3A_163 : vector<16xf32>
        %get3A_165 = arith.index_cast %add3A_80 : i32 to index
        %get3A_166 = arith.constant 64 : index
        %get3A_167 = tpu.vector_load %arg11[%get3A_165, %get3A_166] {strides = array<i32>} : memref<64x128xf32, #tpu.memory_space<vmem>>, vector<1x16xf32>,
        %get3A_168 = vector.shape_cast %get3A_167 : vector<1x16xf32> to vector<16xf32>
        %add3A_169 = arith.addf %add3A_164, %get3A_168 : vector<16xf32>
        %swap3A_170 = arith.index_cast %add3A_80 : i32 to index
        %swap3A_171 = arith.constant 64 : index
        %swap3A_172 = tpu.vector_load %arg9[%swap3A_170, %swap3A_171] {strides = array<i32>} : memref<64x128xf32, #tpu.memory_space<vmem>>, vector<1x16xf32>,
        %swap3A_173 = vector.shape_cast %swap3A_172 : vector<1x16xf32> to vector<16xf32>
        %swap3A_174 = vector.shape_cast %add3A_169 : vector<16xf32> to vector<1x16xf32>
        tpu.vector_store %arg9[%swap3A_170, %swap3A_171], %swap3A_174 {strides = array<i32>} : memref<64x128xf32, #tpu.memory_space<vmem>>, vector<1x16xf32>,
        %get3A_175 = arith.index_cast %add3A_80 : i32 to index
        %get3A_176 = arith.constant 80 : index
        %get3A_177 = tpu.vector_load %arg9[%get3A_175, %get3A_176] {strides = array<i32>} : memref<64x128xf32, #tpu.memory_space<vmem>>, vector<1x16xf32>,
        %get3A_178 = vector.shape_cast %get3A_177 : vector<1x16xf32> to vector<16xf32>
        %get3A_179 = arith.index_cast %add3A_80 : i32 to index
        %get3A_180 = arith.constant 80 : index
        %get3A_181 = tpu.vector_load %arg10[%get3A_179, %get3A_180] {strides = array<i32>} : memref<64x128xf32, #tpu.memory_space<vmem>>, vector<1x16xf32>,
        %get3A_182 = vector.shape_cast %get3A_181 : vector<1x16xf32> to vector<16xf32>
        %add3A_183 = arith.addf %get3A_178, %get3A_182 : vector<16xf32>
        %get3A_184 = arith.index_cast %add3A_80 : i32 to index
        %get3A_185 = arith.constant 80 : index
        %get3A_186 = tpu.vector_load %arg11[%get3A_184, %get3A_185] {strides = array<i32>} : memref<64x128xf32, #tpu.memory_space<vmem>>, vector<1x16xf32>,
        %get3A_187 = vector.shape_cast %get3A_186 : vector<1x16xf32> to vector<16xf32>
        %add3A_188 = arith.addf %add3A_183, %get3A_187 : vector<16xf32>
        %swap3A_189 = arith.index_cast %add3A_80 : i32 to index
        %swap3A_190 = arith.constant 80 : index
        %swap3A_191 = tpu.vector_load %arg9[%swap3A_189, %swap3A_190] {strides = array<i32>} : memref<64x128xf32, #tpu.memory_space<vmem>>, vector<1x16xf32>,
        %swap3A_192 = vector.shape_cast %swap3A_191 : vector<1x16xf32> to vector<16xf32>
        %swap3A_193 = vector.shape_cast %add3A_188 : vector<16xf32> to vector<1x16xf32>
        tpu.vector_store %arg9[%swap3A_189, %swap3A_190], %swap3A_193 {strides = array<i32>} : memref<64x128xf32, #tpu.memory_space<vmem>>, vector<1x16xf32>,
        %get3A_194 = arith.index_cast %add3A_80 : i32 to index
        %get3A_195 = arith.constant 96 : index
        %get3A_196 = tpu.vector_load %arg9[%get3A_194, %get3A_195] {strides = array<i32>} : memref<64x128xf32, #tpu.memory_space<vmem>>, vector<1x16xf32>,
        %get3A_197 = vector.shape_cast %get3A_196 : vector<1x16xf32> to vector<16xf32>
        %get3A_198 = arith.index_cast %add3A_80 : i32 to index
        %get3A_199 = arith.constant 96 : index
        %get3A_200 = tpu.vector_load %arg10[%get3A_198, %get3A_199] {strides = array<i32>} : memref<64x128xf32, #tpu.memory_space<vmem>>, vector<1x16xf32>,
        %get3A_201 = vector.shape_cast %get3A_200 : vector<1x16xf32> to vector<16xf32>
        %add3A_202 = arith.addf %get3A_197, %get3A_201 : vector<16xf32>
        %get3A_203 = arith.index_cast %add3A_80 : i32 to index
        %get3A_204 = arith.constant 96 : index
        %get3A_205 = tpu.vector_load %arg11[%get3A_203, %get3A_204] {strides = array<i32>} : memref<64x128xf32, #tpu.memory_space<vmem>>, vector<1x16xf32>,
        %get3A_206 = vector.shape_cast %get3A_205 : vector<1x16xf32> to vector<16xf32>
        %add3A_207 = arith.addf %add3A_202, %get3A_206 : vector<16xf32>
        %swap3A_208 = arith.index_cast %add3A_80 : i32 to index
        %swap3A_209 = arith.constant 96 : index
        %swap3A_210 = tpu.vector_load %arg9[%swap3A_208, %swap3A_209] {strides = array<i32>} : memref<64x128xf32, #tpu.memory_space<vmem>>, vector<1x16xf32>,
        %swap3A_211 = vector.shape_cast %swap3A_210 : vector<1x16xf32> to vector<16xf32>
        %swap3A_212 = vector.shape_cast %add3A_207 : vector<16xf32> to vector<1x16xf32>
        tpu.vector_store %arg9[%swap3A_208, %swap3A_209], %swap3A_212 {strides = array<i32>} : memref<64x128xf32, #tpu.memory_space<vmem>>, vector<1x16xf32>,
        %get3A_213 = arith.index_cast %add3A_80 : i32 to index
        %get3A_214 = arith.constant 112 : index
        %get3A_215 = tpu.vector_load %arg9[%get3A_213, %get3A_214] {strides = array<i32>} : memref<64x128xf32, #tpu.memory_space<vmem>>, vector<1x16xf32>,
        %get3A_216 = vector.shape_cast %get3A_215 : vector<1x16xf32> to vector<16xf32>
        %get3A_217 = arith.index_cast %add3A_80 : i32 to index
        %get3A_218 = arith.constant 112 : index
        %get3A_219 = tpu.vector_load %arg10[%get3A_217, %get3A_218] {strides = array<i32>} : memref<64x128xf32, #tpu.memory_space<vmem>>, vector<1x16xf32>,
        %get3A_220 = vector.shape_cast %get3A_219 : vector<1x16xf32> to vector<16xf32>
        %add3A_221 = arith.addf %get3A_216, %get3A_220 : vector<16xf32>
        %get3A_222 = arith.index_cast %add3A_80 : i32 to index
        %get3A_223 = arith.constant 112 : index
        %get3A_224 = tpu.vector_load %arg11[%get3A_222, %get3A_223] {strides = array<i32>} : memref<64x128xf32, #tpu.memory_space<vmem>>, vector<1x16xf32>,
        %get3A_225 = vector.shape_cast %get3A_224 : vector<1x16xf32> to vector<16xf32>
        %add3A_226 = arith.addf %add3A_221, %get3A_225 : vector<16xf32>
        %swap3A_227 = arith.index_cast %add3A_80 : i32 to index
        %swap3A_228 = arith.constant 112 : index
        %swap3A_229 = tpu.vector_load %arg9[%swap3A_227, %swap3A_228] {strides = array<i32>} : memref<64x128xf32, #tpu.memory_space<vmem>>, vector<1x16xf32>,
        %swap3A_230 = vector.shape_cast %swap3A_229 : vector<1x16xf32> to vector<16xf32>
        %swap3A_231 = vector.shape_cast %add3A_226 : vector<16xf32> to vector<1x16xf32>
        tpu.vector_store %arg9[%swap3A_227, %swap3A_228], %swap3A_231 {strides = array<i32>} : memref<64x128xf32, #tpu.memory_space<vmem>>, vector<1x16xf32>,
      }
      %scan3A_75 = arith.constant 64 : i32
      "tpu.region"() ({
        %run_scoped3A_76 = tpu.sem_alloc : memref<!tpu.dma_semaphore, #tpu.memory_space<semaphore_mem>>
        %dma_start3A_77 = arith.constant 0 : i32
        %dma_start3A_78 = arith.constant 0 : i32
        %dma_start3A_79 = tpu.memref_slice %arg9[%dma_start3A_77, %dma_start3A_78] : memref<64x128xf32, #tpu.memory_space<vmem>> -> memref<64x128xf32, #tpu.memory_space<vmem>>
        %dma_start3A_80 = arith.constant 0 : i32
        %dma_start3A_81 = tpu.memref_slice %arg6[%multiple_of3A, %dma_start3A_80] : memref<10000x128xf32, #tpu.memory_space<hbm>> -> memref<64x128xf32, #tpu.memory_space<hbm>>
        %dma_start3A_82 = arith.constant 0 : i32
        %dma_start3A_83 = tpu.memref_slice %arg6[%multiple_of3A, %dma_start3A_82] : memref<10000x128xf32, #tpu.memory_space<hbm>> -> memref<64x128xf32, #tpu.memory_space<hbm>>
        %dma_start3A_84 = arith.constant 0 : i32
        %dma_start3A_85 = arith.constant 0 : i32
        %dma_start3A_86 = tpu.memref_slice %arg9[%dma_start3A_84, %dma_start3A_85] : memref<64x128xf32, #tpu.memory_space<vmem>> -> memref<64x128xf32, #tpu.memory_space<vmem>>
        tpu.enqueue_dma source(%dma_start3A_86 : memref<64x128xf32, #tpu.memory_space<vmem>>) target(%dma_start3A_83 : memref<64x128xf32, #tpu.memory_space<hbm>>) target_semaphore(%run_scoped3A_76 : memref<!tpu.dma_semaphore, #tpu.memory_space<semaphore_mem>>)
        %dma_wait3A_87 = arith.constant 0 : i32
        %dma_wait3A_88 = arith.constant 0 : i32
        %dma_wait3A_89 = tpu.memref_slice %arg9[%dma_wait3A_87, %dma_wait3A_88] : memref<64x128xf32, #tpu.memory_space<vmem>> -> memref<64x128xf32, #tpu.memory_space<vmem>>
        %dma_wait3A_90 = arith.constant 0 : i32
        %dma_wait3A_91 = tpu.memref_slice %arg6[%multiple_of3A, %dma_wait3A_90] : memref<10000x128xf32, #tpu.memory_space<hbm>> -> memref<64x128xf32, #tpu.memory_space<hbm>>
        %dma_wait3A_92 = arith.constant 0 : i32
        %dma_wait3A_93 = tpu.memref_slice %arg6[%multiple_of3A, %dma_wait3A_92] : memref<10000x128xf32, #tpu.memory_space<hbm>> -> memref<64x128xf32, #tpu.memory_space<hbm>>
        %dma_wait3A_94 = arith.constant 0 : i32
        %dma_wait3A_95 = arith.constant 0 : i32
        %dma_wait3A_96 = tpu.memref_slice %arg9[%dma_wait3A_94, %dma_wait3A_95] : memref<64x128xf32, #tpu.memory_space<vmem>> -> memref<64x128xf32, #tpu.memory_space<vmem>>
        tpu.wait_dma2 semaphore(%run_scoped3A_76 : memref<!tpu.dma_semaphore, #tpu.memory_space<semaphore_mem>>) src(%dma_wait3A_96 : memref<64x128xf32, #tpu.memory_space<vmem>>) dst(%dma_wait3A_93 : memref<64x128xf32, #tpu.memory_space<hbm>>)
        tpu.yield
      }) : () -> ()
    }
    %while3A_50 = arith.constant 1 : i32
    scf.for %while3A_53 = %while3A_48 to %while3A_44 step %while3A_50  : i32 {
      %mul3A_54 = arith.muli %while3A_53, %while3A : i32
      %add3A_55 = arith.addi %while3A_41, %mul3A_54 : i32
      %mul3A_56 = arith.constant 320 : i32
      %mul3A_57 = arith.muli %add3A, %mul3A_56 : i32
      %mul3A_58 = arith.constant 64 : i32
      %mul3A_59 = arith.muli %add3A_55, %mul3A_58 : i32
      %add3A_60 = arith.addi %mul3A_57, %mul3A_59 : i32
      %multiple_of3A = tpu.assume_multiple %add3A_60, 8 : i32
      %run_scoped3A = arith.constant 1 : i32
      "tpu.region"() ({
        %run_scoped3A_76 = tpu.sem_alloc : memref<!tpu.dma_semaphore, #tpu.memory_space<semaphore_mem>>
        %dma_start3A_77 = arith.constant 0 : i32
        %dma_start3A_78 = tpu.memref_slice %arg7[%dma_start3A_77] : memref<64xi32, #tpu.memory_space<vmem>> -> memref<64xi32, #tpu.memory_space<vmem>>
        %dma_start3A_79 = tpu.memref_slice %arg3[%run_scoped3A, %multiple_of3A] : memref<2x10240xi32, #tpu.memory_space<hbm>> -> memref<1x64xi32, #tpu.memory_space<hbm>>
        %dma_start3A_80 = tpu.memref_squeeze %dma_start3A_79 : memref<1x64xi32, #tpu.memory_space<hbm>> -> memref<64xi32, #tpu.memory_space<hbm>>
        %dma_start3A_81 = arith.constant 0 : i32
        %dma_start3A_82 = tpu.memref_slice %arg7[%dma_start3A_81] : memref<64xi32, #tpu.memory_space<vmem>> -> memref<64xi32, #tpu.memory_space<vmem>>
        %dma_start3A_83 = tpu.memref_slice %arg3[%run_scoped3A, %multiple_of3A] : memref<2x10240xi32, #tpu.memory_space<hbm>> -> memref<1x64xi32, #tpu.memory_space<hbm>>
        %dma_start3A_84 = tpu.memref_squeeze %dma_start3A_83 : memref<1x64xi32, #tpu.memory_space<hbm>> -> memref<64xi32, #tpu.memory_space<hbm>>
        tpu.enqueue_dma source(%dma_start3A_84 : memref<64xi32, #tpu.memory_space<hbm>>) target(%dma_start3A_82 : memref<64xi32, #tpu.memory_space<vmem>>) target_semaphore(%run_scoped3A_76 : memref<!tpu.dma_semaphore, #tpu.memory_space<semaphore_mem>>)
        %dma_wait3A_85 = arith.constant 0 : i32
        %dma_wait3A_86 = tpu.memref_slice %arg7[%dma_wait3A_85] : memref<64xi32, #tpu.memory_space<vmem>> -> memref<64xi32, #tpu.memory_space<vmem>>
        %dma_wait3A_87 = tpu.memref_slice %arg3[%run_scoped3A, %multiple_of3A] : memref<2x10240xi32, #tpu.memory_space<hbm>> -> memref<1x64xi32, #tpu.memory_space<hbm>>
        %dma_wait3A_88 = tpu.memref_squeeze %dma_wait3A_87 : memref<1x64xi32, #tpu.memory_space<hbm>> -> memref<64xi32, #tpu.memory_space<hbm>>
        %dma_wait3A_89 = arith.constant 0 : i32
        %dma_wait3A_90 = tpu.memref_slice %arg7[%dma_wait3A_89] : memref<64xi32, #tpu.memory_space<vmem>> -> memref<64xi32, #tpu.memory_space<vmem>>
        %dma_wait3A_91 = tpu.memref_slice %arg3[%run_scoped3A, %multiple_of3A] : memref<2x10240xi32, #tpu.memory_space<hbm>> -> memref<1x64xi32, #tpu.memory_space<hbm>>
        %dma_wait3A_92 = tpu.memref_squeeze %dma_wait3A_91 : memref<1x64xi32, #tpu.memory_space<hbm>> -> memref<64xi32, #tpu.memory_space<hbm>>
        tpu.wait_dma2 semaphore(%run_scoped3A_76 : memref<!tpu.dma_semaphore, #tpu.memory_space<semaphore_mem>>) src(%dma_wait3A_92 : memref<64xi32, #tpu.memory_space<hbm>>) dst(%dma_wait3A_90 : memref<64xi32, #tpu.memory_space<vmem>>)
        tpu.yield
      }) : () -> ()
      %run_scoped3A_61 = arith.constant 0 : i32
      "tpu.region"() ({
        %run_scoped3A_76 = tpu.sem_alloc : memref<!tpu.dma_semaphore, #tpu.memory_space<semaphore_mem>>
        %dma_start3A_77 = arith.constant 0 : i32
        %dma_start3A_78 = tpu.memref_slice %arg8[%dma_start3A_77] : memref<64xi32, #tpu.memory_space<vmem>> -> memref<64xi32, #tpu.memory_space<vmem>>
        %dma_start3A_79 = tpu.memref_slice %arg3[%run_scoped3A_61, %multiple_of3A] : memref<2x10240xi32, #tpu.memory_space<hbm>> -> memref<1x64xi32, #tpu.memory_space<hbm>>
        %dma_start3A_80 = tpu.memref_squeeze %dma_start3A_79 : memref<1x64xi32, #tpu.memory_space<hbm>> -> memref<64xi32, #tpu.memory_space<hbm>>
        %dma_start3A_81 = arith.constant 0 : i32
        %dma_start3A_82 = tpu.memref_slice %arg8[%dma_start3A_81] : memref<64xi32, #tpu.memory_space<vmem>> -> memref<64xi32, #tpu.memory_space<vmem>>
        %dma_start3A_83 = tpu.memref_slice %arg3[%run_scoped3A_61, %multiple_of3A] : memref<2x10240xi32, #tpu.memory_space<hbm>> -> memref<1x64xi32, #tpu.memory_space<hbm>>
        %dma_start3A_84 = tpu.memref_squeeze %dma_start3A_83 : memref<1x64xi32, #tpu.memory_space<hbm>> -> memref<64xi32, #tpu.memory_space<hbm>>
        tpu.enqueue_dma source(%dma_start3A_84 : memref<64xi32, #tpu.memory_space<hbm>>) target(%dma_start3A_82 : memref<64xi32, #tpu.memory_space<vmem>>) target_semaphore(%run_scoped3A_76 : memref<!tpu.dma_semaphore, #tpu.memory_space<semaphore_mem>>)
        %dma_wait3A_85 = arith.constant 0 : i32
        %dma_wait3A_86 = tpu.memref_slice %arg8[%dma_wait3A_85] : memref<64xi32, #tpu.memory_space<vmem>> -> memref<64xi32, #tpu.memory_space<vmem>>
        %dma_wait3A_87 = tpu.memref_slice %arg3[%run_scoped3A_61, %multiple_of3A] : memref<2x10240xi32, #tpu.memory_space<hbm>> -> memref<1x64xi32, #tpu.memory_space<hbm>>
        %dma_wait3A_88 = tpu.memref_squeeze %dma_wait3A_87 : memref<1x64xi32, #tpu.memory_space<hbm>> -> memref<64xi32, #tpu.memory_space<hbm>>
        %dma_wait3A_89 = arith.constant 0 : i32
        %dma_wait3A_90 = tpu.memref_slice %arg8[%dma_wait3A_89] : memref<64xi32, #tpu.memory_space<vmem>> -> memref<64xi32, #tpu.memory_space<vmem>>
        %dma_wait3A_91 = tpu.memref_slice %arg3[%run_scoped3A_61, %multiple_of3A] : memref<2x10240xi32, #tpu.memory_space<hbm>> -> memref<1x64xi32, #tpu.memory_space<hbm>>
        %dma_wait3A_92 = tpu.memref_squeeze %dma_wait3A_91 : memref<1x64xi32, #tpu.memory_space<hbm>> -> memref<64xi32, #tpu.memory_space<hbm>>
        tpu.wait_dma2 semaphore(%run_scoped3A_76 : memref<!tpu.dma_semaphore, #tpu.memory_space<semaphore_mem>>) src(%dma_wait3A_92 : memref<64xi32, #tpu.memory_space<hbm>>) dst(%dma_wait3A_90 : memref<64xi32, #tpu.memory_space<vmem>>)
        tpu.yield
      }) : () -> ()
      "tpu.region"() ({
        %run_scoped3A_76 = tpu.sem_alloc : memref<!tpu.dma_semaphore, #tpu.memory_space<semaphore_mem>>
        %dma_start3A_77 = arith.constant 0 : i32
        %dma_start3A_78 = arith.constant 0 : i32
        %dma_start3A_79 = tpu.memref_slice %arg9[%dma_start3A_77, %dma_start3A_78] : memref<64x128xf32, #tpu.memory_space<vmem>> -> memref<64x128xf32, #tpu.memory_space<vmem>>
        %dma_start3A_80 = arith.constant 0 : i32
        %dma_start3A_81 = tpu.memref_slice %arg2[%multiple_of3A, %dma_start3A_80] : memref<10000x128xf32, #tpu.memory_space<hbm>> -> memref<64x128xf32, #tpu.memory_space<hbm>>
        %dma_start3A_82 = arith.constant 0 : i32
        %dma_start3A_83 = arith.constant 0 : i32
        %dma_start3A_84 = tpu.memref_slice %arg9[%dma_start3A_82, %dma_start3A_83] : memref<64x128xf32, #tpu.memory_space<vmem>> -> memref<64x128xf32, #tpu.memory_space<vmem>>
        %dma_start3A_85 = arith.constant 0 : i32
        %dma_start3A_86 = tpu.memref_slice %arg2[%multiple_of3A, %dma_start3A_85] : memref<10000x128xf32, #tpu.memory_space<hbm>> -> memref<64x128xf32, #tpu.memory_space<hbm>>
        tpu.enqueue_dma source(%dma_start3A_86 : memref<64x128xf32, #tpu.memory_space<hbm>>) target(%dma_start3A_84 : memref<64x128xf32, #tpu.memory_space<vmem>>) target_semaphore(%run_scoped3A_76 : memref<!tpu.dma_semaphore, #tpu.memory_space<semaphore_mem>>)
        %dma_wait3A_87 = arith.constant 0 : i32
        %dma_wait3A_88 = arith.constant 0 : i32
        %dma_wait3A_89 = tpu.memref_slice %arg9[%dma_wait3A_87, %dma_wait3A_88] : memref<64x128xf32, #tpu.memory_space<vmem>> -> memref<64x128xf32, #tpu.memory_space<vmem>>
        %dma_wait3A_90 = arith.constant 0 : i32
        %dma_wait3A_91 = tpu.memref_slice %arg2[%multiple_of3A, %dma_wait3A_90] : memref<10000x128xf32, #tpu.memory_space<hbm>> -> memref<64x128xf32, #tpu.memory_space<hbm>>
        %dma_wait3A_92 = arith.constant 0 : i32
        %dma_wait3A_93 = arith.constant 0 : i32
        %dma_wait3A_94 = tpu.memref_slice %arg9[%dma_wait3A_92, %dma_wait3A_93] : memref<64x128xf32, #tpu.memory_space<vmem>> -> memref<64x128xf32, #tpu.memory_space<vmem>>
        %dma_wait3A_95 = arith.constant 0 : i32
        %dma_wait3A_96 = tpu.memref_slice %arg2[%multiple_of3A, %dma_wait3A_95] : memref<10000x128xf32, #tpu.memory_space<hbm>> -> memref<64x128xf32, #tpu.memory_space<hbm>>
        tpu.wait_dma2 semaphore(%run_scoped3A_76 : memref<!tpu.dma_semaphore, #tpu.memory_space<semaphore_mem>>) src(%dma_wait3A_96 : memref<64x128xf32, #tpu.memory_space<hbm>>) dst(%dma_wait3A_94 : memref<64x128xf32, #tpu.memory_space<vmem>>)
        tpu.yield
      }) : () -> ()
      %dma_start3A = arith.constant 0 : i32
      %dma_start3A_62 = arith.constant 0 : i32
      %dma_start3A_63 = tpu.memref_slice %arg4[%dma_start3A, %dma_start3A_62] : memref<512x128xf32, #tpu.memory_space<hbm>> -> memref<512x128xf32, #tpu.memory_space<hbm>>
      tpu.enqueue_indirect_dma source(%dma_start3A_63 : memref<512x128xf32, #tpu.memory_space<hbm>>) target(%arg10 : memref<64x128xf32, #tpu.memory_space<vmem>>) offsets(%arg7 : memref<64xi32, #tpu.memory_space<vmem>>) semaphore(%arg12 : memref<!tpu.dma_semaphore, #tpu.memory_space<semaphore_mem>>)
      %dma_start3A_64 = arith.constant 0 : i32
      %dma_start3A_65 = arith.constant 0 : i32
      %dma_start3A_66 = tpu.memref_slice %arg5[%dma_start3A_64, %dma_start3A_65] : memref<512x128xf32, #tpu.memory_space<hbm>> -> memref<512x128xf32, #tpu.memory_space<hbm>>
      tpu.enqueue_indirect_dma source(%dma_start3A_66 : memref<512x128xf32, #tpu.memory_space<hbm>>) target(%arg11 : memref<64x128xf32, #tpu.memory_space<vmem>>) offsets(%arg8 : memref<64xi32, #tpu.memory_space<vmem>>) semaphore(%arg12 : memref<!tpu.dma_semaphore, #tpu.memory_space<semaphore_mem>>)
      %dma_wait3A = arith.constant 0 : i32
      %dma_wait3A_67 = arith.constant 0 : i32
      %dma_wait3A_68 = tpu.memref_slice %arg4[%dma_wait3A, %dma_wait3A_67] : memref<512x128xf32, #tpu.memory_space<hbm>> -> memref<512x128xf32, #tpu.memory_space<hbm>>
      tpu.wait_indirect_dma semaphore(%arg12 : memref<!tpu.dma_semaphore, #tpu.memory_space<semaphore_mem>>) src(%dma_wait3A_68 : memref<512x128xf32, #tpu.memory_space<hbm>>) dst(%arg10 : memref<64x128xf32, #tpu.memory_space<vmem>>)
      %dma_wait3A_69 = arith.constant 0 : i32
      %dma_wait3A_70 = arith.constant 0 : i32
      %dma_wait3A_71 = tpu.memref_slice %arg5[%dma_wait3A_69, %dma_wait3A_70] : memref<512x128xf32, #tpu.memory_space<hbm>> -> memref<512x128xf32, #tpu.memory_space<hbm>>
      tpu.wait_indirect_dma semaphore(%arg12 : memref<!tpu.dma_semaphore, #tpu.memory_space<semaphore_mem>>) src(%dma_wait3A_71 : memref<512x128xf32, #tpu.memory_space<hbm>>) dst(%arg11 : memref<64x128xf32, #tpu.memory_space<vmem>>)
      %scan3A = arith.constant 0 : i32
      %scan3A_72 = arith.constant 64 : i32
      %scan3A_73 = arith.addi %scan3A, %scan3A_72 : i32
      %scan3A_74 = arith.constant 1 : i32
      scf.for %scan3A_76 = %scan3A to %scan3A_73 step %scan3A_74  : i32 {
        %mul3A_77 = arith.constant 1 : i32
        %mul3A_78 = arith.muli %scan3A_76, %mul3A_77 : i32
        %add3A_79 = arith.constant 0 : i32
        %add3A_80 = arith.addi %add3A_79, %mul3A_78 : i32
        %get3A = arith.index_cast %add3A_80 : i32 to index
        %get3A_81 = arith.constant 0 : index
        %get3A_82 = tpu.vector_load %arg9[%get3A, %get3A_81] {strides = array<i32>} : memref<64x128xf32, #tpu.memory_space<vmem>>, vector<1x16xf32>,
        %get3A_83 = vector.shape_cast %get3A_82 : vector<1x16xf32> to vector<16xf32>
        %get3A_84 = arith.index_cast %add3A_80 : i32 to index
        %get3A_85 = arith.constant 0 : index
        %get3A_86 = tpu.vector_load %arg10[%get3A_84, %get3A_85] {strides = array<i32>} : memref<64x128xf32, #tpu.memory_space<vmem>>, vector<1x16xf32>,
        %get3A_87 = vector.shape_cast %get3A_86 : vector<1x16xf32> to vector<16xf32>
        %add3A_88 = arith.addf %get3A_83, %get3A_87 : vector<16xf32>
        %get3A_89 = arith.index_cast %add3A_80 : i32 to index
        %get3A_90 = arith.constant 0 : index
        %get3A_91 = tpu.vector_load %arg11[%get3A_89, %get3A_90] {strides = array<i32>} : memref<64x128xf32, #tpu.memory_space<vmem>>, vector<1x16xf32>,
        %get3A_92 = vector.shape_cast %get3A_91 : vector<1x16xf32> to vector<16xf32>
        %add3A_93 = arith.addf %add3A_88, %get3A_92 : vector<16xf32>
        %swap3A_94 = arith.index_cast %add3A_80 : i32 to index
        %swap3A_95 = arith.constant 0 : index
        %swap3A_96 = tpu.vector_load %arg9[%swap3A_94, %swap3A_95] {strides = array<i32>} : memref<64x128xf32, #tpu.memory_space<vmem>>, vector<1x16xf32>,
        %swap3A_97 = vector.shape_cast %swap3A_96 : vector<1x16xf32> to vector<16xf32>
        %swap3A_98 = vector.shape_cast %add3A_93 : vector<16xf32> to vector<1x16xf32>
        tpu.vector_store %arg9[%swap3A_94, %swap3A_95], %swap3A_98 {strides = array<i32>} : memref<64x128xf32, #tpu.memory_space<vmem>>, vector<1x16xf32>,
        %get3A_99 = arith.index_cast %add3A_80 : i32 to index
        %get3A_100 = arith.constant 16 : index
        %get3A_101 = tpu.vector_load %arg9[%get3A_99, %get3A_100] {strides = array<i32>} : memref<64x128xf32, #tpu.memory_space<vmem>>, vector<1x16xf32>,
        %get3A_102 = vector.shape_cast %get3A_101 : vector<1x16xf32> to vector<16xf32>
        %get3A_103 = arith.index_cast %add3A_80 : i32 to index
        %get3A_104 = arith.constant 16 : index
        %get3A_105 = tpu.vector_load %arg10[%get3A_103, %get3A_104] {strides = array<i32>} : memref<64x128xf32, #tpu.memory_space<vmem>>, vector<1x16xf32>,
        %get3A_106 = vector.shape_cast %get3A_105 : vector<1x16xf32> to vector<16xf32>
        %add3A_107 = arith.addf %get3A_102, %get3A_106 : vector<16xf32>
        %get3A_108 = arith.index_cast %add3A_80 : i32 to index
        %get3A_109 = arith.constant 16 : index
        %get3A_110 = tpu.vector_load %arg11[%get3A_108, %get3A_109] {strides = array<i32>} : memref<64x128xf32, #tpu.memory_space<vmem>>, vector<1x16xf32>,
        %get3A_111 = vector.shape_cast %get3A_110 : vector<1x16xf32> to vector<16xf32>
        %add3A_112 = arith.addf %add3A_107, %get3A_111 : vector<16xf32>
        %swap3A_113 = arith.index_cast %add3A_80 : i32 to index
        %swap3A_114 = arith.constant 16 : index
        %swap3A_115 = tpu.vector_load %arg9[%swap3A_113, %swap3A_114] {strides = array<i32>} : memref<64x128xf32, #tpu.memory_space<vmem>>, vector<1x16xf32>,
        %swap3A_116 = vector.shape_cast %swap3A_115 : vector<1x16xf32> to vector<16xf32>
        %swap3A_117 = vector.shape_cast %add3A_112 : vector<16xf32> to vector<1x16xf32>
        tpu.vector_store %arg9[%swap3A_113, %swap3A_114], %swap3A_117 {strides = array<i32>} : memref<64x128xf32, #tpu.memory_space<vmem>>, vector<1x16xf32>,
        %get3A_118 = arith.index_cast %add3A_80 : i32 to index
        %get3A_119 = arith.constant 32 : index
        %get3A_120 = tpu.vector_load %arg9[%get3A_118, %get3A_119] {strides = array<i32>} : memref<64x128xf32, #tpu.memory_space<vmem>>, vector<1x16xf32>,
        %get3A_121 = vector.shape_cast %get3A_120 : vector<1x16xf32> to vector<16xf32>
        %get3A_122 = arith.index_cast %add3A_80 : i32 to index
        %get3A_123 = arith.constant 32 : index
        %get3A_124 = tpu.vector_load %arg10[%get3A_122, %get3A_123] {strides = array<i32>} : memref<64x128xf32, #tpu.memory_space<vmem>>, vector<1x16xf32>,
        %get3A_125 = vector.shape_cast %get3A_124 : vector<1x16xf32> to vector<16xf32>
        %add3A_126 = arith.addf %get3A_121, %get3A_125 : vector<16xf32>
        %get3A_127 = arith.index_cast %add3A_80 : i32 to index
        %get3A_128 = arith.constant 32 : index
        %get3A_129 = tpu.vector_load %arg11[%get3A_127, %get3A_128] {strides = array<i32>} : memref<64x128xf32, #tpu.memory_space<vmem>>, vector<1x16xf32>,
        %get3A_130 = vector.shape_cast %get3A_129 : vector<1x16xf32> to vector<16xf32>
        %add3A_131 = arith.addf %add3A_126, %get3A_130 : vector<16xf32>
        %swap3A_132 = arith.index_cast %add3A_80 : i32 to index
        %swap3A_133 = arith.constant 32 : index
        %swap3A_134 = tpu.vector_load %arg9[%swap3A_132, %swap3A_133] {strides = array<i32>} : memref<64x128xf32, #tpu.memory_space<vmem>>, vector<1x16xf32>,
        %swap3A_135 = vector.shape_cast %swap3A_134 : vector<1x16xf32> to vector<16xf32>
        %swap3A_136 = vector.shape_cast %add3A_131 : vector<16xf32> to vector<1x16xf32>
        tpu.vector_store %arg9[%swap3A_132, %swap3A_133], %swap3A_136 {strides = array<i32>} : memref<64x128xf32, #tpu.memory_space<vmem>>, vector<1x16xf32>,
        %get3A_137 = arith.index_cast %add3A_80 : i32 to index
        %get3A_138 = arith.constant 48 : index
        %get3A_139 = tpu.vector_load %arg9[%get3A_137, %get3A_138] {strides = array<i32>} : memref<64x128xf32, #tpu.memory_space<vmem>>, vector<1x16xf32>,
        %get3A_140 = vector.shape_cast %get3A_139 : vector<1x16xf32> to vector<16xf32>
        %get3A_141 = arith.index_cast %add3A_80 : i32 to index
        %get3A_142 = arith.constant 48 : index
        %get3A_143 = tpu.vector_load %arg10[%get3A_141, %get3A_142] {strides = array<i32>} : memref<64x128xf32, #tpu.memory_space<vmem>>, vector<1x16xf32>,
        %get3A_144 = vector.shape_cast %get3A_143 : vector<1x16xf32> to vector<16xf32>
        %add3A_145 = arith.addf %get3A_140, %get3A_144 : vector<16xf32>
        %get3A_146 = arith.index_cast %add3A_80 : i32 to index
        %get3A_147 = arith.constant 48 : index
        %get3A_148 = tpu.vector_load %arg11[%get3A_146, %get3A_147] {strides = array<i32>} : memref<64x128xf32, #tpu.memory_space<vmem>>, vector<1x16xf32>,
        %get3A_149 = vector.shape_cast %get3A_148 : vector<1x16xf32> to vector<16xf32>
        %add3A_150 = arith.addf %add3A_145, %get3A_149 : vector<16xf32>
        %swap3A_151 = arith.index_cast %add3A_80 : i32 to index
        %swap3A_152 = arith.constant 48 : index
        %swap3A_153 = tpu.vector_load %arg9[%swap3A_151, %swap3A_152] {strides = array<i32>} : memref<64x128xf32, #tpu.memory_space<vmem>>, vector<1x16xf32>,
        %swap3A_154 = vector.shape_cast %swap3A_153 : vector<1x16xf32> to vector<16xf32>
        %swap3A_155 = vector.shape_cast %add3A_150 : vector<16xf32> to vector<1x16xf32>
        tpu.vector_store %arg9[%swap3A_151, %swap3A_152], %swap3A_155 {strides = array<i32>} : memref<64x128xf32, #tpu.memory_space<vmem>>, vector<1x16xf32>,
        %get3A_156 = arith.index_cast %add3A_80 : i32 to index
        %get3A_157 = arith.constant 64 : index
        %get3A_158 = tpu.vector_load %arg9[%get3A_156, %get3A_157] {strides = array<i32>} : memref<64x128xf32, #tpu.memory_space<vmem>>, vector<1x16xf32>,
        %get3A_159 = vector.shape_cast %get3A_158 : vector<1x16xf32> to vector<16xf32>
        %get3A_160 = arith.index_cast %add3A_80 : i32 to index
        %get3A_161 = arith.constant 64 : index
        %get3A_162 = tpu.vector_load %arg10[%get3A_160, %get3A_161] {strides = array<i32>} : memref<64x128xf32, #tpu.memory_space<vmem>>, vector<1x16xf32>,
        %get3A_163 = vector.shape_cast %get3A_162 : vector<1x16xf32> to vector<16xf32>
        %add3A_164 = arith.addf %get3A_159, %get3A_163 : vector<16xf32>
        %get3A_165 = arith.index_cast %add3A_80 : i32 to index
        %get3A_166 = arith.constant 64 : index
        %get3A_167 = tpu.vector_load %arg11[%get3A_165, %get3A_166] {strides = array<i32>} : memref<64x128xf32, #tpu.memory_space<vmem>>, vector<1x16xf32>,
        %get3A_168 = vector.shape_cast %get3A_167 : vector<1x16xf32> to vector<16xf32>
        %add3A_169 = arith.addf %add3A_164, %get3A_168 : vector<16xf32>
        %swap3A_170 = arith.index_cast %add3A_80 : i32 to index
        %swap3A_171 = arith.constant 64 : index
        %swap3A_172 = tpu.vector_load %arg9[%swap3A_170, %swap3A_171] {strides = array<i32>} : memref<64x128xf32, #tpu.memory_space<vmem>>, vector<1x16xf32>,
        %swap3A_173 = vector.shape_cast %swap3A_172 : vector<1x16xf32> to vector<16xf32>
        %swap3A_174 = vector.shape_cast %add3A_169 : vector<16xf32> to vector<1x16xf32>
        tpu.vector_store %arg9[%swap3A_170, %swap3A_171], %swap3A_174 {strides = array<i32>} : memref<64x128xf32, #tpu.memory_space<vmem>>, vector<1x16xf32>,
        %get3A_175 = arith.index_cast %add3A_80 : i32 to index
        %get3A_176 = arith.constant 80 : index
        %get3A_177 = tpu.vector_load %arg9[%get3A_175, %get3A_176] {strides = array<i32>} : memref<64x128xf32, #tpu.memory_space<vmem>>, vector<1x16xf32>,
        %get3A_178 = vector.shape_cast %get3A_177 : vector<1x16xf32> to vector<16xf32>
        %get3A_179 = arith.index_cast %add3A_80 : i32 to index
        %get3A_180 = arith.constant 80 : index
        %get3A_181 = tpu.vector_load %arg10[%get3A_179, %get3A_180] {strides = array<i32>} : memref<64x128xf32, #tpu.memory_space<vmem>>, vector<1x16xf32>,
        %get3A_182 = vector.shape_cast %get3A_181 : vector<1x16xf32> to vector<16xf32>
        %add3A_183 = arith.addf %get3A_178, %get3A_182 : vector<16xf32>
        %get3A_184 = arith.index_cast %add3A_80 : i32 to index
        %get3A_185 = arith.constant 80 : index
        %get3A_186 = tpu.vector_load %arg11[%get3A_184, %get3A_185] {strides = array<i32>} : memref<64x128xf32, #tpu.memory_space<vmem>>, vector<1x16xf32>,
        %get3A_187 = vector.shape_cast %get3A_186 : vector<1x16xf32> to vector<16xf32>
        %add3A_188 = arith.addf %add3A_183, %get3A_187 : vector<16xf32>
        %swap3A_189 = arith.index_cast %add3A_80 : i32 to index
        %swap3A_190 = arith.constant 80 : index
        %swap3A_191 = tpu.vector_load %arg9[%swap3A_189, %swap3A_190] {strides = array<i32>} : memref<64x128xf32, #tpu.memory_space<vmem>>, vector<1x16xf32>,
        %swap3A_192 = vector.shape_cast %swap3A_191 : vector<1x16xf32> to vector<16xf32>
        %swap3A_193 = vector.shape_cast %add3A_188 : vector<16xf32> to vector<1x16xf32>
        tpu.vector_store %arg9[%swap3A_189, %swap3A_190], %swap3A_193 {strides = array<i32>} : memref<64x128xf32, #tpu.memory_space<vmem>>, vector<1x16xf32>,
        %get3A_194 = arith.index_cast %add3A_80 : i32 to index
        %get3A_195 = arith.constant 96 : index
        %get3A_196 = tpu.vector_load %arg9[%get3A_194, %get3A_195] {strides = array<i32>} : memref<64x128xf32, #tpu.memory_space<vmem>>, vector<1x16xf32>,
        %get3A_197 = vector.shape_cast %get3A_196 : vector<1x16xf32> to vector<16xf32>
        %get3A_198 = arith.index_cast %add3A_80 : i32 to index
        %get3A_199 = arith.constant 96 : index
        %get3A_200 = tpu.vector_load %arg10[%get3A_198, %get3A_199] {strides = array<i32>} : memref<64x128xf32, #tpu.memory_space<vmem>>, vector<1x16xf32>,
        %get3A_201 = vector.shape_cast %get3A_200 : vector<1x16xf32> to vector<16xf32>
        %add3A_202 = arith.addf %get3A_197, %get3A_201 : vector<16xf32>
        %get3A_203 = arith.index_cast %add3A_80 : i32 to index
        %get3A_204 = arith.constant 96 : index
        %get3A_205 = tpu.vector_load %arg11[%get3A_203, %get3A_204] {strides = array<i32>} : memref<64x128xf32, #tpu.memory_space<vmem>>, vector<1x16xf32>,
        %get3A_206 = vector.shape_cast %get3A_205 : vector<1x16xf32> to vector<16xf32>
        %add3A_207 = arith.addf %add3A_202, %get3A_206 : vector<16xf32>
        %swap3A_208 = arith.index_cast %add3A_80 : i32 to index
        %swap3A_209 = arith.constant 96 : index
        %swap3A_210 = tpu.vector_load %arg9[%swap3A_208, %swap3A_209] {strides = array<i32>} : memref<64x128xf32, #tpu.memory_space<vmem>>, vector<1x16xf32>,
        %swap3A_211 = vector.shape_cast %swap3A_210 : vector<1x16xf32> to vector<16xf32>
        %swap3A_212 = vector.shape_cast %add3A_207 : vector<16xf32> to vector<1x16xf32>
        tpu.vector_store %arg9[%swap3A_208, %swap3A_209], %swap3A_212 {strides = array<i32>} : memref<64x128xf32, #tpu.memory_space<vmem>>, vector<1x16xf32>,
        %get3A_213 = arith.index_cast %add3A_80 : i32 to index
        %get3A_214 = arith.constant 112 : index
        %get3A_215 = tpu.vector_load %arg9[%get3A_213, %get3A_214] {strides = array<i32>} : memref<64x128xf32, #tpu.memory_space<vmem>>, vector<1x16xf32>,
        %get3A_216 = vector.shape_cast %get3A_215 : vector<1x16xf32> to vector<16xf32>
        %get3A_217 = arith.index_cast %add3A_80 : i32 to index
        %get3A_218 = arith.constant 112 : index
        %get3A_219 = tpu.vector_load %arg10[%get3A_217, %get3A_218] {strides = array<i32>} : memref<64x128xf32, #tpu.memory_space<vmem>>, vector<1x16xf32>,
        %get3A_220 = vector.shape_cast %get3A_219 : vector<1x16xf32> to vector<16xf32>
        %add3A_221 = arith.addf %get3A_216, %get3A_220 : vector<16xf32>
        %get3A_222 = arith.index_cast %add3A_80 : i32 to index
        %get3A_223 = arith.constant 112 : index
        %get3A_224 = tpu.vector_load %arg11[%get3A_222, %get3A_223] {strides = array<i32>} : memref<64x128xf32, #tpu.memory_space<vmem>>, vector<1x16xf32>,
        %get3A_225 = vector.shape_cast %get3A_224 : vector<1x16xf32> to vector<16xf32>
        %add3A_226 = arith.addf %add3A_221, %get3A_225 : vector<16xf32>
        %swap3A_227 = arith.index_cast %add3A_80 : i32 to index
        %swap3A_228 = arith.constant 112 : index
        %swap3A_229 = tpu.vector_load %arg9[%swap3A_227, %swap3A_228] {strides = array<i32>} : memref<64x128xf32, #tpu.memory_space<vmem>>, vector<1x16xf32>,
        %swap3A_230 = vector.shape_cast %swap3A_229 : vector<1x16xf32> to vector<16xf32>
        %swap3A_231 = vector.shape_cast %add3A_226 : vector<16xf32> to vector<1x16xf32>
        tpu.vector_store %arg9[%swap3A_227, %swap3A_228], %swap3A_231 {strides = array<i32>} : memref<64x128xf32, #tpu.memory_space<vmem>>, vector<1x16xf32>,
      }
      %scan3A_75 = arith.constant 64 : i32
      "tpu.region"() ({
        %run_scoped3A_76 = tpu.sem_alloc : memref<!tpu.dma_semaphore, #tpu.memory_space<semaphore_mem>>
        %dma_start3A_77 = arith.constant 0 : i32
        %dma_start3A_78 = arith.constant 0 : i32
        %dma_start3A_79 = tpu.memref_slice %arg9[%dma_start3A_77, %dma_start3A_78] : memref<64x128xf32, #tpu.memory_space<vmem>> -> memref<64x128xf32, #tpu.memory_space<vmem>>
        %dma_start3A_80 = arith.constant 0 : i32
        %dma_start3A_81 = tpu.memref_slice %arg6[%multiple_of3A, %dma_start3A_80] : memref<10000x128xf32, #tpu.memory_space<hbm>> -> memref<64x128xf32, #tpu.memory_space<hbm>>
        %dma_start3A_82 = arith.constant 0 : i32
        %dma_start3A_83 = tpu.memref_slice %arg6[%multiple_of3A, %dma_start3A_82] : memref<10000x128xf32, #tpu.memory_space<hbm>> -> memref<64x128xf32, #tpu.memory_space<hbm>>
        %dma_start3A_84 = arith.constant 0 : i32
        %dma_start3A_85 = arith.constant 0 : i32
        %dma_start3A_86 = tpu.memref_slice %arg9[%dma_start3A_84, %dma_start3A_85] : memref<64x128xf32, #tpu.memory_space<vmem>> -> memref<64x128xf32, #tpu.memory_space<vmem>>
        tpu.enqueue_dma source(%dma_start3A_86 : memref<64x128xf32, #tpu.memory_space<vmem>>) target(%dma_start3A_83 : memref<64x128xf32, #tpu.memory_space<hbm>>) target_semaphore(%run_scoped3A_76 : memref<!tpu.dma_semaphore, #tpu.memory_space<semaphore_mem>>)
        %dma_wait3A_87 = arith.constant 0 : i32
        %dma_wait3A_88 = arith.constant 0 : i32
        %dma_wait3A_89 = tpu.memref_slice %arg9[%dma_wait3A_87, %dma_wait3A_88] : memref<64x128xf32, #tpu.memory_space<vmem>> -> memref<64x128xf32, #tpu.memory_space<vmem>>
        %dma_wait3A_90 = arith.constant 0 : i32
        %dma_wait3A_91 = tpu.memref_slice %arg6[%multiple_of3A, %dma_wait3A_90] : memref<10000x128xf32, #tpu.memory_space<hbm>> -> memref<64x128xf32, #tpu.memory_space<hbm>>
        %dma_wait3A_92 = arith.constant 0 : i32
        %dma_wait3A_93 = tpu.memref_slice %arg6[%multiple_of3A, %dma_wait3A_92] : memref<10000x128xf32, #tpu.memory_space<hbm>> -> memref<64x128xf32, #tpu.memory_space<hbm>>
        %dma_wait3A_94 = arith.constant 0 : i32
        %dma_wait3A_95 = arith.constant 0 : i32
        %dma_wait3A_96 = tpu.memref_slice %arg9[%dma_wait3A_94, %dma_wait3A_95] : memref<64x128xf32, #tpu.memory_space<vmem>> -> memref<64x128xf32, #tpu.memory_space<vmem>>
        tpu.wait_dma2 semaphore(%run_scoped3A_76 : memref<!tpu.dma_semaphore, #tpu.memory_space<semaphore_mem>>) src(%dma_wait3A_96 : memref<64x128xf32, #tpu.memory_space<vmem>>) dst(%dma_wait3A_93 : memref<64x128xf32, #tpu.memory_space<hbm>>)
        tpu.yield
      }) : () -> ()
    }
    %eq3A = arith.constant 31 : i32
    %eq3A_51 = arith.cmpi eq, %add3A, %eq3A : i32
    %convert_element_type3A = arith.extui %eq3A_51 : i1 to i32
    %cond3A = arith.constant 0 : i32
    %cond3A_52 = arith.cmpi ne, %convert_element_type3A, %cond3A : i32
    scf.if %cond3A_52 {
      %multiple_of3A = arith.constant 9984 : i32
      %multiple_of3A_53 = tpu.assume_multiple %multiple_of3A, 8 : i32
      %run_scoped3A = arith.constant 1 : i32
      "tpu.region"() ({
        %run_scoped3A_69 = tpu.sem_alloc : memref<!tpu.dma_semaphore, #tpu.memory_space<semaphore_mem>>
        %dma_start3A_70 = arith.constant 0 : i32
        %dma_start3A_71 = tpu.memref_slice %arg7[%dma_start3A_70] : memref<64xi32, #tpu.memory_space<vmem>> -> memref<16xi32, #tpu.memory_space<vmem>>
        %dma_start3A_72 = tpu.memref_slice %arg3[%run_scoped3A, %multiple_of3A_53] : memref<2x10240xi32, #tpu.memory_space<hbm>> -> memref<1x16xi32, #tpu.memory_space<hbm>>
        %dma_start3A_73 = tpu.memref_squeeze %dma_start3A_72 : memref<1x16xi32, #tpu.memory_space<hbm>> -> memref<16xi32, #tpu.memory_space<hbm>>
        %dma_start3A_74 = arith.constant 0 : i32
        %dma_start3A_75 = tpu.memref_slice %arg7[%dma_start3A_74] : memref<64xi32, #tpu.memory_space<vmem>> -> memref<16xi32, #tpu.memory_space<vmem>>
        %dma_start3A_76 = tpu.memref_slice %arg3[%run_scoped3A, %multiple_of3A_53] : memref<2x10240xi32, #tpu.memory_space<hbm>> -> memref<1x16xi32, #tpu.memory_space<hbm>>
        %dma_start3A_77 = tpu.memref_squeeze %dma_start3A_76 : memref<1x16xi32, #tpu.memory_space<hbm>> -> memref<16xi32, #tpu.memory_space<hbm>>
        tpu.enqueue_dma source(%dma_start3A_77 : memref<16xi32, #tpu.memory_space<hbm>>) target(%dma_start3A_75 : memref<16xi32, #tpu.memory_space<vmem>>) target_semaphore(%run_scoped3A_69 : memref<!tpu.dma_semaphore, #tpu.memory_space<semaphore_mem>>)
        %dma_wait3A_78 = arith.constant 0 : i32
        %dma_wait3A_79 = tpu.memref_slice %arg7[%dma_wait3A_78] : memref<64xi32, #tpu.memory_space<vmem>> -> memref<16xi32, #tpu.memory_space<vmem>>
        %dma_wait3A_80 = tpu.memref_slice %arg3[%run_scoped3A, %multiple_of3A_53] : memref<2x10240xi32, #tpu.memory_space<hbm>> -> memref<1x16xi32, #tpu.memory_space<hbm>>
        %dma_wait3A_81 = tpu.memref_squeeze %dma_wait3A_80 : memref<1x16xi32, #tpu.memory_space<hbm>> -> memref<16xi32, #tpu.memory_space<hbm>>
        %dma_wait3A_82 = arith.constant 0 : i32
        %dma_wait3A_83 = tpu.memref_slice %arg7[%dma_wait3A_82] : memref<64xi32, #tpu.memory_space<vmem>> -> memref<16xi32, #tpu.memory_space<vmem>>
        %dma_wait3A_84 = tpu.memref_slice %arg3[%run_scoped3A, %multiple_of3A_53] : memref<2x10240xi32, #tpu.memory_space<hbm>> -> memref<1x16xi32, #tpu.memory_space<hbm>>
        %dma_wait3A_85 = tpu.memref_squeeze %dma_wait3A_84 : memref<1x16xi32, #tpu.memory_space<hbm>> -> memref<16xi32, #tpu.memory_space<hbm>>
        tpu.wait_dma2 semaphore(%run_scoped3A_69 : memref<!tpu.dma_semaphore, #tpu.memory_space<semaphore_mem>>) src(%dma_wait3A_85 : memref<16xi32, #tpu.memory_space<hbm>>) dst(%dma_wait3A_83 : memref<16xi32, #tpu.memory_space<vmem>>)
        tpu.yield
      }) : () -> ()
      %run_scoped3A_54 = arith.constant 0 : i32
      "tpu.region"() ({
        %run_scoped3A_69 = tpu.sem_alloc : memref<!tpu.dma_semaphore, #tpu.memory_space<semaphore_mem>>
        %dma_start3A_70 = arith.constant 0 : i32
        %dma_start3A_71 = tpu.memref_slice %arg8[%dma_start3A_70] : memref<64xi32, #tpu.memory_space<vmem>> -> memref<16xi32, #tpu.memory_space<vmem>>
        %dma_start3A_72 = tpu.memref_slice %arg3[%run_scoped3A_54, %multiple_of3A_53] : memref<2x10240xi32, #tpu.memory_space<hbm>> -> memref<1x16xi32, #tpu.memory_space<hbm>>
        %dma_start3A_73 = tpu.memref_squeeze %dma_start3A_72 : memref<1x16xi32, #tpu.memory_space<hbm>> -> memref<16xi32, #tpu.memory_space<hbm>>
        %dma_start3A_74 = arith.constant 0 : i32
        %dma_start3A_75 = tpu.memref_slice %arg8[%dma_start3A_74] : memref<64xi32, #tpu.memory_space<vmem>> -> memref<16xi32, #tpu.memory_space<vmem>>
        %dma_start3A_76 = tpu.memref_slice %arg3[%run_scoped3A_54, %multiple_of3A_53] : memref<2x10240xi32, #tpu.memory_space<hbm>> -> memref<1x16xi32, #tpu.memory_space<hbm>>
        %dma_start3A_77 = tpu.memref_squeeze %dma_start3A_76 : memref<1x16xi32, #tpu.memory_space<hbm>> -> memref<16xi32, #tpu.memory_space<hbm>>
        tpu.enqueue_dma source(%dma_start3A_77 : memref<16xi32, #tpu.memory_space<hbm>>) target(%dma_start3A_75 : memref<16xi32, #tpu.memory_space<vmem>>) target_semaphore(%run_scoped3A_69 : memref<!tpu.dma_semaphore, #tpu.memory_space<semaphore_mem>>)
        %dma_wait3A_78 = arith.constant 0 : i32
        %dma_wait3A_79 = tpu.memref_slice %arg8[%dma_wait3A_78] : memref<64xi32, #tpu.memory_space<vmem>> -> memref<16xi32, #tpu.memory_space<vmem>>
        %dma_wait3A_80 = tpu.memref_slice %arg3[%run_scoped3A_54, %multiple_of3A_53] : memref<2x10240xi32, #tpu.memory_space<hbm>> -> memref<1x16xi32, #tpu.memory_space<hbm>>
        %dma_wait3A_81 = tpu.memref_squeeze %dma_wait3A_80 : memref<1x16xi32, #tpu.memory_space<hbm>> -> memref<16xi32, #tpu.memory_space<hbm>>
        %dma_wait3A_82 = arith.constant 0 : i32
        %dma_wait3A_83 = tpu.memref_slice %arg8[%dma_wait3A_82] : memref<64xi32, #tpu.memory_space<vmem>> -> memref<16xi32, #tpu.memory_space<vmem>>
        %dma_wait3A_84 = tpu.memref_slice %arg3[%run_scoped3A_54, %multiple_of3A_53] : memref<2x10240xi32, #tpu.memory_space<hbm>> -> memref<1x16xi32, #tpu.memory_space<hbm>>
        %dma_wait3A_85 = tpu.memref_squeeze %dma_wait3A_84 : memref<1x16xi32, #tpu.memory_space<hbm>> -> memref<16xi32, #tpu.memory_space<hbm>>
        tpu.wait_dma2 semaphore(%run_scoped3A_69 : memref<!tpu.dma_semaphore, #tpu.memory_space<semaphore_mem>>) src(%dma_wait3A_85 : memref<16xi32, #tpu.memory_space<hbm>>) dst(%dma_wait3A_83 : memref<16xi32, #tpu.memory_space<vmem>>)
        tpu.yield
      }) : () -> ()
      "tpu.region"() ({
        %run_scoped3A_69 = tpu.sem_alloc : memref<!tpu.dma_semaphore, #tpu.memory_space<semaphore_mem>>
        %dma_start3A_70 = arith.constant 0 : i32
        %dma_start3A_71 = arith.constant 0 : i32
        %dma_start3A_72 = tpu.memref_slice %arg9[%dma_start3A_70, %dma_start3A_71] : memref<64x128xf32, #tpu.memory_space<vmem>> -> memref<16x128xf32, #tpu.memory_space<vmem>>
        %dma_start3A_73 = arith.constant 0 : i32
        %dma_start3A_74 = tpu.memref_slice %arg2[%multiple_of3A_53, %dma_start3A_73] : memref<10000x128xf32, #tpu.memory_space<hbm>> -> memref<16x128xf32, #tpu.memory_space<hbm>>
        %dma_start3A_75 = arith.constant 0 : i32
        %dma_start3A_76 = arith.constant 0 : i32
        %dma_start3A_77 = tpu.memref_slice %arg9[%dma_start3A_75, %dma_start3A_76] : memref<64x128xf32, #tpu.memory_space<vmem>> -> memref<16x128xf32, #tpu.memory_space<vmem>>
        %dma_start3A_78 = arith.constant 0 : i32
        %dma_start3A_79 = tpu.memref_slice %arg2[%multiple_of3A_53, %dma_start3A_78] : memref<10000x128xf32, #tpu.memory_space<hbm>> -> memref<16x128xf32, #tpu.memory_space<hbm>>
        tpu.enqueue_dma source(%dma_start3A_79 : memref<16x128xf32, #tpu.memory_space<hbm>>) target(%dma_start3A_77 : memref<16x128xf32, #tpu.memory_space<vmem>>) target_semaphore(%run_scoped3A_69 : memref<!tpu.dma_semaphore, #tpu.memory_space<semaphore_mem>>)
        %dma_wait3A_80 = arith.constant 0 : i32
        %dma_wait3A_81 = arith.constant 0 : i32
        %dma_wait3A_82 = tpu.memref_slice %arg9[%dma_wait3A_80, %dma_wait3A_81] : memref<64x128xf32, #tpu.memory_space<vmem>> -> memref<16x128xf32, #tpu.memory_space<vmem>>
        %dma_wait3A_83 = arith.constant 0 : i32
        %dma_wait3A_84 = tpu.memref_slice %arg2[%multiple_of3A_53, %dma_wait3A_83] : memref<10000x128xf32, #tpu.memory_space<hbm>> -> memref<16x128xf32, #tpu.memory_space<hbm>>
        %dma_wait3A_85 = arith.constant 0 : i32
        %dma_wait3A_86 = arith.constant 0 : i32
        %dma_wait3A_87 = tpu.memref_slice %arg9[%dma_wait3A_85, %dma_wait3A_86] : memref<64x128xf32, #tpu.memory_space<vmem>> -> memref<16x128xf32, #tpu.memory_space<vmem>>
        %dma_wait3A_88 = arith.constant 0 : i32
        %dma_wait3A_89 = tpu.memref_slice %arg2[%multiple_of3A_53, %dma_wait3A_88] : memref<10000x128xf32, #tpu.memory_space<hbm>> -> memref<16x128xf32, #tpu.memory_space<hbm>>
        tpu.wait_dma2 semaphore(%run_scoped3A_69 : memref<!tpu.dma_semaphore, #tpu.memory_space<semaphore_mem>>) src(%dma_wait3A_89 : memref<16x128xf32, #tpu.memory_space<hbm>>) dst(%dma_wait3A_87 : memref<16x128xf32, #tpu.memory_space<vmem>>)
        tpu.yield
      }) : () -> ()
      %dma_start3A = arith.constant 0 : i32
      %dma_start3A_55 = arith.constant 0 : i32
      %dma_start3A_56 = tpu.memref_slice %arg4[%dma_start3A, %dma_start3A_55] : memref<512x128xf32, #tpu.memory_space<hbm>> -> memref<512x128xf32, #tpu.memory_space<hbm>>
      tpu.enqueue_indirect_dma source(%dma_start3A_56 : memref<512x128xf32, #tpu.memory_space<hbm>>) target(%arg10 : memref<64x128xf32, #tpu.memory_space<vmem>>) offsets(%arg7 : memref<64xi32, #tpu.memory_space<vmem>>) semaphore(%arg12 : memref<!tpu.dma_semaphore, #tpu.memory_space<semaphore_mem>>)
      %dma_start3A_57 = arith.constant 0 : i32
      %dma_start3A_58 = arith.constant 0 : i32
      %dma_start3A_59 = tpu.memref_slice %arg5[%dma_start3A_57, %dma_start3A_58] : memref<512x128xf32, #tpu.memory_space<hbm>> -> memref<512x128xf32, #tpu.memory_space<hbm>>
      tpu.enqueue_indirect_dma source(%dma_start3A_59 : memref<512x128xf32, #tpu.memory_space<hbm>>) target(%arg11 : memref<64x128xf32, #tpu.memory_space<vmem>>) offsets(%arg8 : memref<64xi32, #tpu.memory_space<vmem>>) semaphore(%arg12 : memref<!tpu.dma_semaphore, #tpu.memory_space<semaphore_mem>>)
      %dma_wait3A = arith.constant 0 : i32
      %dma_wait3A_60 = arith.constant 0 : i32
      %dma_wait3A_61 = tpu.memref_slice %arg4[%dma_wait3A, %dma_wait3A_60] : memref<512x128xf32, #tpu.memory_space<hbm>> -> memref<512x128xf32, #tpu.memory_space<hbm>>
      tpu.wait_indirect_dma semaphore(%arg12 : memref<!tpu.dma_semaphore, #tpu.memory_space<semaphore_mem>>) src(%dma_wait3A_61 : memref<512x128xf32, #tpu.memory_space<hbm>>) dst(%arg10 : memref<64x128xf32, #tpu.memory_space<vmem>>)
      %dma_wait3A_62 = arith.constant 0 : i32
      %dma_wait3A_63 = arith.constant 0 : i32
      %dma_wait3A_64 = tpu.memref_slice %arg5[%dma_wait3A_62, %dma_wait3A_63] : memref<512x128xf32, #tpu.memory_space<hbm>> -> memref<512x128xf32, #tpu.memory_space<hbm>>
      tpu.wait_indirect_dma semaphore(%arg12 : memref<!tpu.dma_semaphore, #tpu.memory_space<semaphore_mem>>) src(%dma_wait3A_64 : memref<512x128xf32, #tpu.memory_space<hbm>>) dst(%arg11 : memref<64x128xf32, #tpu.memory_space<vmem>>)
      %scan3A = arith.constant 0 : i32
      %scan3A_65 = arith.constant 16 : i32
      %scan3A_66 = arith.addi %scan3A, %scan3A_65 : i32
      %scan3A_67 = arith.constant 1 : i32
      scf.for %scan3A_69 = %scan3A to %scan3A_66 step %scan3A_67  : i32 {
        %mul3A_70 = arith.constant 1 : i32
        %mul3A_71 = arith.muli %scan3A_69, %mul3A_70 : i32
        %add3A_72 = arith.constant 0 : i32
        %add3A_73 = arith.addi %add3A_72, %mul3A_71 : i32
        %get3A = arith.index_cast %add3A_73 : i32 to index
        %get3A_74 = arith.constant 0 : index
        %get3A_75 = tpu.vector_load %arg9[%get3A, %get3A_74] {strides = array<i32>} : memref<64x128xf32, #tpu.memory_space<vmem>>, vector<1x16xf32>,
        %get3A_76 = vector.shape_cast %get3A_75 : vector<1x16xf32> to vector<16xf32>
        %get3A_77 = arith.index_cast %add3A_73 : i32 to index
        %get3A_78 = arith.constant 0 : index
        %get3A_79 = tpu.vector_load %arg10[%get3A_77, %get3A_78] {strides = array<i32>} : memref<64x128xf32, #tpu.memory_space<vmem>>, vector<1x16xf32>,
        %get3A_80 = vector.shape_cast %get3A_79 : vector<1x16xf32> to vector<16xf32>
        %add3A_81 = arith.addf %get3A_76, %get3A_80 : vector<16xf32>
        %get3A_82 = arith.index_cast %add3A_73 : i32 to index
        %get3A_83 = arith.constant 0 : index
        %get3A_84 = tpu.vector_load %arg11[%get3A_82, %get3A_83] {strides = array<i32>} : memref<64x128xf32, #tpu.memory_space<vmem>>, vector<1x16xf32>,
        %get3A_85 = vector.shape_cast %get3A_84 : vector<1x16xf32> to vector<16xf32>
        %add3A_86 = arith.addf %add3A_81, %get3A_85 : vector<16xf32>
        %swap3A_87 = arith.index_cast %add3A_73 : i32 to index
        %swap3A_88 = arith.constant 0 : index
        %swap3A_89 = tpu.vector_load %arg9[%swap3A_87, %swap3A_88] {strides = array<i32>} : memref<64x128xf32, #tpu.memory_space<vmem>>, vector<1x16xf32>,
        %swap3A_90 = vector.shape_cast %swap3A_89 : vector<1x16xf32> to vector<16xf32>
        %swap3A_91 = vector.shape_cast %add3A_86 : vector<16xf32> to vector<1x16xf32>
        tpu.vector_store %arg9[%swap3A_87, %swap3A_88], %swap3A_91 {strides = array<i32>} : memref<64x128xf32, #tpu.memory_space<vmem>>, vector<1x16xf32>,
        %get3A_92 = arith.index_cast %add3A_73 : i32 to index
        %get3A_93 = arith.constant 16 : index
        %get3A_94 = tpu.vector_load %arg9[%get3A_92, %get3A_93] {strides = array<i32>} : memref<64x128xf32, #tpu.memory_space<vmem>>, vector<1x16xf32>,
        %get3A_95 = vector.shape_cast %get3A_94 : vector<1x16xf32> to vector<16xf32>
        %get3A_96 = arith.index_cast %add3A_73 : i32 to index
        %get3A_97 = arith.constant 16 : index
        %get3A_98 = tpu.vector_load %arg10[%get3A_96, %get3A_97] {strides = array<i32>} : memref<64x128xf32, #tpu.memory_space<vmem>>, vector<1x16xf32>,
        %get3A_99 = vector.shape_cast %get3A_98 : vector<1x16xf32> to vector<16xf32>
        %add3A_100 = arith.addf %get3A_95, %get3A_99 : vector<16xf32>
        %get3A_101 = arith.index_cast %add3A_73 : i32 to index
        %get3A_102 = arith.constant 16 : index
        %get3A_103 = tpu.vector_load %arg11[%get3A_101, %get3A_102] {strides = array<i32>} : memref<64x128xf32, #tpu.memory_space<vmem>>, vector<1x16xf32>,
        %get3A_104 = vector.shape_cast %get3A_103 : vector<1x16xf32> to vector<16xf32>
        %add3A_105 = arith.addf %add3A_100, %get3A_104 : vector<16xf32>
        %swap3A_106 = arith.index_cast %add3A_73 : i32 to index
        %swap3A_107 = arith.constant 16 : index
        %swap3A_108 = tpu.vector_load %arg9[%swap3A_106, %swap3A_107] {strides = array<i32>} : memref<64x128xf32, #tpu.memory_space<vmem>>, vector<1x16xf32>,
        %swap3A_109 = vector.shape_cast %swap3A_108 : vector<1x16xf32> to vector<16xf32>
        %swap3A_110 = vector.shape_cast %add3A_105 : vector<16xf32> to vector<1x16xf32>
        tpu.vector_store %arg9[%swap3A_106, %swap3A_107], %swap3A_110 {strides = array<i32>} : memref<64x128xf32, #tpu.memory_space<vmem>>, vector<1x16xf32>,
        %get3A_111 = arith.index_cast %add3A_73 : i32 to index
        %get3A_112 = arith.constant 32 : index
        %get3A_113 = tpu.vector_load %arg9[%get3A_111, %get3A_112] {strides = array<i32>} : memref<64x128xf32, #tpu.memory_space<vmem>>, vector<1x16xf32>,
        %get3A_114 = vector.shape_cast %get3A_113 : vector<1x16xf32> to vector<16xf32>
        %get3A_115 = arith.index_cast %add3A_73 : i32 to index
        %get3A_116 = arith.constant 32 : index
        %get3A_117 = tpu.vector_load %arg10[%get3A_115, %get3A_116] {strides = array<i32>} : memref<64x128xf32, #tpu.memory_space<vmem>>, vector<1x16xf32>,
        %get3A_118 = vector.shape_cast %get3A_117 : vector<1x16xf32> to vector<16xf32>
        %add3A_119 = arith.addf %get3A_114, %get3A_118 : vector<16xf32>
        %get3A_120 = arith.index_cast %add3A_73 : i32 to index
        %get3A_121 = arith.constant 32 : index
        %get3A_122 = tpu.vector_load %arg11[%get3A_120, %get3A_121] {strides = array<i32>} : memref<64x128xf32, #tpu.memory_space<vmem>>, vector<1x16xf32>,
        %get3A_123 = vector.shape_cast %get3A_122 : vector<1x16xf32> to vector<16xf32>
        %add3A_124 = arith.addf %add3A_119, %get3A_123 : vector<16xf32>
        %swap3A_125 = arith.index_cast %add3A_73 : i32 to index
        %swap3A_126 = arith.constant 32 : index
        %swap3A_127 = tpu.vector_load %arg9[%swap3A_125, %swap3A_126] {strides = array<i32>} : memref<64x128xf32, #tpu.memory_space<vmem>>, vector<1x16xf32>,
        %swap3A_128 = vector.shape_cast %swap3A_127 : vector<1x16xf32> to vector<16xf32>
        %swap3A_129 = vector.shape_cast %add3A_124 : vector<16xf32> to vector<1x16xf32>
        tpu.vector_store %arg9[%swap3A_125, %swap3A_126], %swap3A_129 {strides = array<i32>} : memref<64x128xf32, #tpu.memory_space<vmem>>, vector<1x16xf32>,
        %get3A_130 = arith.index_cast %add3A_73 : i32 to index
        %get3A_131 = arith.constant 48 : index
        %get3A_132 = tpu.vector_load %arg9[%get3A_130, %get3A_131] {strides = array<i32>} : memref<64x128xf32, #tpu.memory_space<vmem>>, vector<1x16xf32>,
        %get3A_133 = vector.shape_cast %get3A_132 : vector<1x16xf32> to vector<16xf32>
        %get3A_134 = arith.index_cast %add3A_73 : i32 to index
        %get3A_135 = arith.constant 48 : index
        %get3A_136 = tpu.vector_load %arg10[%get3A_134, %get3A_135] {strides = array<i32>} : memref<64x128xf32, #tpu.memory_space<vmem>>, vector<1x16xf32>,
        %get3A_137 = vector.shape_cast %get3A_136 : vector<1x16xf32> to vector<16xf32>
        %add3A_138 = arith.addf %get3A_133, %get3A_137 : vector<16xf32>
        %get3A_139 = arith.index_cast %add3A_73 : i32 to index
        %get3A_140 = arith.constant 48 : index
        %get3A_141 = tpu.vector_load %arg11[%get3A_139, %get3A_140] {strides = array<i32>} : memref<64x128xf32, #tpu.memory_space<vmem>>, vector<1x16xf32>,
        %get3A_142 = vector.shape_cast %get3A_141 : vector<1x16xf32> to vector<16xf32>
        %add3A_143 = arith.addf %add3A_138, %get3A_142 : vector<16xf32>
        %swap3A_144 = arith.index_cast %add3A_73 : i32 to index
        %swap3A_145 = arith.constant 48 : index
        %swap3A_146 = tpu.vector_load %arg9[%swap3A_144, %swap3A_145] {strides = array<i32>} : memref<64x128xf32, #tpu.memory_space<vmem>>, vector<1x16xf32>,
        %swap3A_147 = vector.shape_cast %swap3A_146 : vector<1x16xf32> to vector<16xf32>
        %swap3A_148 = vector.shape_cast %add3A_143 : vector<16xf32> to vector<1x16xf32>
        tpu.vector_store %arg9[%swap3A_144, %swap3A_145], %swap3A_148 {strides = array<i32>} : memref<64x128xf32, #tpu.memory_space<vmem>>, vector<1x16xf32>,
        %get3A_149 = arith.index_cast %add3A_73 : i32 to index
        %get3A_150 = arith.constant 64 : index
        %get3A_151 = tpu.vector_load %arg9[%get3A_149, %get3A_150] {strides = array<i32>} : memref<64x128xf32, #tpu.memory_space<vmem>>, vector<1x16xf32>,
        %get3A_152 = vector.shape_cast %get3A_151 : vector<1x16xf32> to vector<16xf32>
        %get3A_153 = arith.index_cast %add3A_73 : i32 to index
        %get3A_154 = arith.constant 64 : index
        %get3A_155 = tpu.vector_load %arg10[%get3A_153, %get3A_154] {strides = array<i32>} : memref<64x128xf32, #tpu.memory_space<vmem>>, vector<1x16xf32>,
        %get3A_156 = vector.shape_cast %get3A_155 : vector<1x16xf32> to vector<16xf32>
        %add3A_157 = arith.addf %get3A_152, %get3A_156 : vector<16xf32>
        %get3A_158 = arith.index_cast %add3A_73 : i32 to index
        %get3A_159 = arith.constant 64 : index
        %get3A_160 = tpu.vector_load %arg11[%get3A_158, %get3A_159] {strides = array<i32>} : memref<64x128xf32, #tpu.memory_space<vmem>>, vector<1x16xf32>,
        %get3A_161 = vector.shape_cast %get3A_160 : vector<1x16xf32> to vector<16xf32>
        %add3A_162 = arith.addf %add3A_157, %get3A_161 : vector<16xf32>
        %swap3A_163 = arith.index_cast %add3A_73 : i32 to index
        %swap3A_164 = arith.constant 64 : index
        %swap3A_165 = tpu.vector_load %arg9[%swap3A_163, %swap3A_164] {strides = array<i32>} : memref<64x128xf32, #tpu.memory_space<vmem>>, vector<1x16xf32>,
        %swap3A_166 = vector.shape_cast %swap3A_165 : vector<1x16xf32> to vector<16xf32>
        %swap3A_167 = vector.shape_cast %add3A_162 : vector<16xf32> to vector<1x16xf32>
        tpu.vector_store %arg9[%swap3A_163, %swap3A_164], %swap3A_167 {strides = array<i32>} : memref<64x128xf32, #tpu.memory_space<vmem>>, vector<1x16xf32>,
        %get3A_168 = arith.index_cast %add3A_73 : i32 to index
        %get3A_169 = arith.constant 80 : index
        %get3A_170 = tpu.vector_load %arg9[%get3A_168, %get3A_169] {strides = array<i32>} : memref<64x128xf32, #tpu.memory_space<vmem>>, vector<1x16xf32>,
        %get3A_171 = vector.shape_cast %get3A_170 : vector<1x16xf32> to vector<16xf32>
        %get3A_172 = arith.index_cast %add3A_73 : i32 to index
        %get3A_173 = arith.constant 80 : index
        %get3A_174 = tpu.vector_load %arg10[%get3A_172, %get3A_173] {strides = array<i32>} : memref<64x128xf32, #tpu.memory_space<vmem>>, vector<1x16xf32>,
        %get3A_175 = vector.shape_cast %get3A_174 : vector<1x16xf32> to vector<16xf32>
        %add3A_176 = arith.addf %get3A_171, %get3A_175 : vector<16xf32>
        %get3A_177 = arith.index_cast %add3A_73 : i32 to index
        %get3A_178 = arith.constant 80 : index
        %get3A_179 = tpu.vector_load %arg11[%get3A_177, %get3A_178] {strides = array<i32>} : memref<64x128xf32, #tpu.memory_space<vmem>>, vector<1x16xf32>,
        %get3A_180 = vector.shape_cast %get3A_179 : vector<1x16xf32> to vector<16xf32>
        %add3A_181 = arith.addf %add3A_176, %get3A_180 : vector<16xf32>
        %swap3A_182 = arith.index_cast %add3A_73 : i32 to index
        %swap3A_183 = arith.constant 80 : index
        %swap3A_184 = tpu.vector_load %arg9[%swap3A_182, %swap3A_183] {strides = array<i32>} : memref<64x128xf32, #tpu.memory_space<vmem>>, vector<1x16xf32>,
        %swap3A_185 = vector.shape_cast %swap3A_184 : vector<1x16xf32> to vector<16xf32>
        %swap3A_186 = vector.shape_cast %add3A_181 : vector<16xf32> to vector<1x16xf32>
        tpu.vector_store %arg9[%swap3A_182, %swap3A_183], %swap3A_186 {strides = array<i32>} : memref<64x128xf32, #tpu.memory_space<vmem>>, vector<1x16xf32>,
        %get3A_187 = arith.index_cast %add3A_73 : i32 to index
        %get3A_188 = arith.constant 96 : index
        %get3A_189 = tpu.vector_load %arg9[%get3A_187, %get3A_188] {strides = array<i32>} : memref<64x128xf32, #tpu.memory_space<vmem>>, vector<1x16xf32>,
        %get3A_190 = vector.shape_cast %get3A_189 : vector<1x16xf32> to vector<16xf32>
        %get3A_191 = arith.index_cast %add3A_73 : i32 to index
        %get3A_192 = arith.constant 96 : index
        %get3A_193 = tpu.vector_load %arg10[%get3A_191, %get3A_192] {strides = array<i32>} : memref<64x128xf32, #tpu.memory_space<vmem>>, vector<1x16xf32>,
        %get3A_194 = vector.shape_cast %get3A_193 : vector<1x16xf32> to vector<16xf32>
        %add3A_195 = arith.addf %get3A_190, %get3A_194 : vector<16xf32>
        %get3A_196 = arith.index_cast %add3A_73 : i32 to index
        %get3A_197 = arith.constant 96 : index
        %get3A_198 = tpu.vector_load %arg11[%get3A_196, %get3A_197] {strides = array<i32>} : memref<64x128xf32, #tpu.memory_space<vmem>>, vector<1x16xf32>,
        %get3A_199 = vector.shape_cast %get3A_198 : vector<1x16xf32> to vector<16xf32>
        %add3A_200 = arith.addf %add3A_195, %get3A_199 : vector<16xf32>
        %swap3A_201 = arith.index_cast %add3A_73 : i32 to index
        %swap3A_202 = arith.constant 96 : index
        %swap3A_203 = tpu.vector_load %arg9[%swap3A_201, %swap3A_202] {strides = array<i32>} : memref<64x128xf32, #tpu.memory_space<vmem>>, vector<1x16xf32>,
        %swap3A_204 = vector.shape_cast %swap3A_203 : vector<1x16xf32> to vector<16xf32>
        %swap3A_205 = vector.shape_cast %add3A_200 : vector<16xf32> to vector<1x16xf32>
        tpu.vector_store %arg9[%swap3A_201, %swap3A_202], %swap3A_205 {strides = array<i32>} : memref<64x128xf32, #tpu.memory_space<vmem>>, vector<1x16xf32>,
        %get3A_206 = arith.index_cast %add3A_73 : i32 to index
        %get3A_207 = arith.constant 112 : index
        %get3A_208 = tpu.vector_load %arg9[%get3A_206, %get3A_207] {strides = array<i32>} : memref<64x128xf32, #tpu.memory_space<vmem>>, vector<1x16xf32>,
        %get3A_209 = vector.shape_cast %get3A_208 : vector<1x16xf32> to vector<16xf32>
        %get3A_210 = arith.index_cast %add3A_73 : i32 to index
        %get3A_211 = arith.constant 112 : index
        %get3A_212 = tpu.vector_load %arg10[%get3A_210, %get3A_211] {strides = array<i32>} : memref<64x128xf32, #tpu.memory_space<vmem>>, vector<1x16xf32>,
        %get3A_213 = vector.shape_cast %get3A_212 : vector<1x16xf32> to vector<16xf32>
        %add3A_214 = arith.addf %get3A_209, %get3A_213 : vector<16xf32>
        %get3A_215 = arith.index_cast %add3A_73 : i32 to index
        %get3A_216 = arith.constant 112 : index
        %get3A_217 = tpu.vector_load %arg11[%get3A_215, %get3A_216] {strides = array<i32>} : memref<64x128xf32, #tpu.memory_space<vmem>>, vector<1x16xf32>,
        %get3A_218 = vector.shape_cast %get3A_217 : vector<1x16xf32> to vector<16xf32>
        %add3A_219 = arith.addf %add3A_214, %get3A_218 : vector<16xf32>
        %swap3A_220 = arith.index_cast %add3A_73 : i32 to index
        %swap3A_221 = arith.constant 112 : index
        %swap3A_222 = tpu.vector_load %arg9[%swap3A_220, %swap3A_221] {strides = array<i32>} : memref<64x128xf32, #tpu.memory_space<vmem>>, vector<1x16xf32>,
        %swap3A_223 = vector.shape_cast %swap3A_222 : vector<1x16xf32> to vector<16xf32>
        %swap3A_224 = vector.shape_cast %add3A_219 : vector<16xf32> to vector<1x16xf32>
        tpu.vector_store %arg9[%swap3A_220, %swap3A_221], %swap3A_224 {strides = array<i32>} : memref<64x128xf32, #tpu.memory_space<vmem>>, vector<1x16xf32>,
      }
      %scan3A_68 = arith.constant 16 : i32
      "tpu.region"() ({
        %run_scoped3A_69 = tpu.sem_alloc : memref<!tpu.dma_semaphore, #tpu.memory_space<semaphore_mem>>
        %dma_start3A_70 = arith.constant 0 : i32
        %dma_start3A_71 = arith.constant 0 : i32
        %dma_start3A_72 = tpu.memref_slice %arg9[%dma_start3A_70, %dma_start3A_71] : memref<64x128xf32, #tpu.memory_space<vmem>> -> memref<16x128xf32, #tpu.memory_space<vmem>>
        %dma_start3A_73 = arith.constant 0 : i32
        %dma_start3A_74 = tpu.memref_slice %arg6[%multiple_of3A_53, %dma_start3A_73] : memref<10000x128xf32, #tpu.memory_space<hbm>> -> memref<16x128xf32, #tpu.memory_space<hbm>>
        %dma_start3A_75 = arith.constant 0 : i32
        %dma_start3A_76 = tpu.memref_slice %arg6[%multiple_of3A_53, %dma_start3A_75] : memref<10000x128xf32, #tpu.memory_space<hbm>> -> memref<16x128xf32, #tpu.memory_space<hbm>>
        %dma_start3A_77 = arith.constant 0 : i32
        %dma_start3A_78 = arith.constant 0 : i32
        %dma_start3A_79 = tpu.memref_slice %arg9[%dma_start3A_77, %dma_start3A_78] : memref<64x128xf32, #tpu.memory_space<vmem>> -> memref<16x128xf32, #tpu.memory_space<vmem>>
        tpu.enqueue_dma source(%dma_start3A_79 : memref<16x128xf32, #tpu.memory_space<vmem>>) target(%dma_start3A_76 : memref<16x128xf32, #tpu.memory_space<hbm>>) target_semaphore(%run_scoped3A_69 : memref<!tpu.dma_semaphore, #tpu.memory_space<semaphore_mem>>)
        %dma_wait3A_80 = arith.constant 0 : i32
        %dma_wait3A_81 = arith.constant 0 : i32
        %dma_wait3A_82 = tpu.memref_slice %arg9[%dma_wait3A_80, %dma_wait3A_81] : memref<64x128xf32, #tpu.memory_space<vmem>> -> memref<16x128xf32, #tpu.memory_space<vmem>>
        %dma_wait3A_83 = arith.constant 0 : i32
        %dma_wait3A_84 = tpu.memref_slice %arg6[%multiple_of3A_53, %dma_wait3A_83] : memref<10000x128xf32, #tpu.memory_space<hbm>> -> memref<16x128xf32, #tpu.memory_space<hbm>>
        %dma_wait3A_85 = arith.constant 0 : i32
        %dma_wait3A_86 = tpu.memref_slice %arg6[%multiple_of3A_53, %dma_wait3A_85] : memref<10000x128xf32, #tpu.memory_space<hbm>> -> memref<16x128xf32, #tpu.memory_space<hbm>>
        %dma_wait3A_87 = arith.constant 0 : i32
        %dma_wait3A_88 = arith.constant 0 : i32
        %dma_wait3A_89 = tpu.memref_slice %arg9[%dma_wait3A_87, %dma_wait3A_88] : memref<64x128xf32, #tpu.memory_space<vmem>> -> memref<16x128xf32, #tpu.memory_space<vmem>>
        tpu.wait_dma2 semaphore(%run_scoped3A_69 : memref<!tpu.dma_semaphore, #tpu.memory_space<semaphore_mem>>) src(%dma_wait3A_89 : memref<16x128xf32, #tpu.memory_space<vmem>>) dst(%dma_wait3A_86 : memref<16x128xf32, #tpu.memory_space<hbm>>)
        tpu.yield
      }) : () -> ()
    } else {
    }
    return
  }
}

</mosaic_0001>

<sc_bundles>
// kernel: kernel.4.cloned.1.call-start
scs
__scs_entry_jumppad:
0x0: {  	(pc) =	sbr.rel $0x88, $3  }
0x1: {  	(tag) =	ssettag $0x0;
	lr =	simm.s32 $0x1  }
0x2: {  	[smem:$0x3F9D] =	sst lr;
	_ =	strace $0xD0000000  }
0x3: {  	_ = 	snop  }
0x4: {  	_ = 	snop  }
0x5: {  	_ = 	snop  }
0x6: {  	_ = 	snop  }
0x7: {  	_ = 	snop  }
__scs_overlays_trampoline_lowered:
0x8: {  	[smem:$0x3FAC] =	sst s0  }
0x9: {  	[smem:$0x3FAD] =	sst s1  }
0xa: {  	[smem:$0x3FAE] =	sst s2  }
0xb: {  	[smem:$0x3FAF] =	sst s3  }
0xc: {  	[smem:$0x3FB0] =	sst s4  }
0xd: {  	[smem:$0x3FB1] =	sst s5  }
0xe: {  	[smem:$0x3FB2] =	sst s6  }
0xf: {  	[smem:$0x3FB3] =	sst s7  }
0x10: {  	[smem:$0x3FB4] =	sst s8  }
0x11: {  	[smem:$0x3FB5] =	sst s9;
	s0 =	simm.s32 @!p0 $0x0  }
0x12: {  	s1 =	sld [smem:$0x3F9B];
	s0 =	simm.s32 @p0 $0x1  }
0x13: {  	[smem:$0x3FB6] =	sst s0;
	s0 =	simm.s32 @!p1 $0x0  }
0x14: {  	s2 =	sld [smem:$0x3F9A];
	s0 =	simm.s32 @p1 $0x1  }
0x15: {  	[smem:$0x3FB7] =	sst s0;
	s0 =	simm.s32 @!p2 $0x0  }
0x16: {  	s3 =	sld [smem:$0x3FDB];
	s0 =	simm.s32 @p2 $0x1  }
0x17: {  	s4 =	simm.s32 $0x1BF5;
	[smem:$0x3FB9] =	sst s0  }
0x18: {  	s0 =	sld [smem:$0x3F9C];
	_ =	swait.ge [sflag:s4], $0x0  }
0x19: {  	s7 =	sld [smem:$0x3F9D]  }
0x1a: {  	s8 =	sadd.s32 $0xFFFFE003, lr  }
0x1b: {  	s9 =	sadd.s32 $0xFFFFFEF7, lr;
	s5 =	simm.s32 $0xFFFFFFFF;
	p2 =	slt.u32 s8, $0xFFFFF086  }
0x1c: {  	p1 =	slt.u32 s9, $0xF7A;
	s5 =	simm.s32 @!p2 $0x0  }
0x1d: {  	s5 =	simm.s32 @p1 $0x1;
	p0 =	seq.s32 s7, s2  }
0x1e: {  	s7 =	smul.u32 @!p0 $0xF7A, s2;
	p2 =	seq.s32 @!p0 s5, $0x0  }
0x1f: {  	s9 =	smul.u32 $0xF7A, s1;
	s8 =	simm.s32 @!p0 $0x1BF5;
	p2 =	por !p2, p0  }
0x20: {  	[sflag:s8] =	ssyncset.s32 @!p0 $0xFFFFF086;
	s6 =	sadd.s32 @!p0 s3, s7;
	s7 =	simm.s32 @!p0 $0x108  }
0x21: {  	s3 =	sadd.s32 s3, s9;
	s6 =	sadd.s32 @!p0 $0x88, s6;
	s7 =	simm.s32 @p2 $0x1082  }
0x22: {  	[simem:s7], [sflag:s8] =	dma.local @!p0 [hbm:s6], $0xF7A  }
0x23: {  	s9 =	sor.u32 $0xD0000000, s2;
	s6 =	simm.s32 $0x108;
	_ =	swait.ge @!p0 [sflag:s8], $0x0  }
0x24: {  	s3 =	sadd.s32 $0x88, s3;
	s6 =	simm.s32 @!p1 $0x1082;
	[sflag:s4] =	ssyncset.s32 $0xFFFFF086  }
0x25: {  	[simem:s6], [sflag:s4] =	dma.local [hbm:s3], $0xF7A  }
0x26: {  	[smem:$0x3F9D] =	sst s1;
	(tag) =	ssettag s2;
	_ =	strace s9  }
0x27: {  	s1 =	sld [smem:$0x3FAD]  }
0x28: {  	s2 =	sld [smem:$0x3FAE]  }
0x29: {  	s4 =	sld [smem:$0x3FB0]  }
0x2a: {  	p0 =	seq.s32 s5, $0x0;
	s5 =	sld [smem:$0x3FB1]  }
0x2b: {  	s6 =	sld [smem:$0x3FB2]  }
0x2c: {  	s7 =	sld [smem:$0x3FB3]  }
0x2d: {  	s3 =	simm.s32 $0x108;
	s8 =	sld [smem:$0x3FB4]  }
0x2e: {  	s3 =	simm.s32 @!p0 $0x1082;
	s9 =	sld [smem:$0x3FB5]  }
0x2f: {  	lr =	sadd.s32 s0, s3;
	s0 =	sld [smem:$0x3FAC]  }
0x30: {  	s3 =	sld [smem:$0x3FAF]  }
0x31: {  	[smem:$0x3FB8] =	sst s10  }
0x32: {  	s10 =	sld [smem:$0x3FB6];
	_ =	sdelay $0x3  }
0x33: {  	p0 =	seq.s32 s10, $0x1;
	s10 =	sld [smem:$0x3FB8];
	_ =	sdelay $0x3  }
0x34: {  	[smem:$0x3FB8] =	sst s10  }
0x35: {  	s10 =	sld [smem:$0x3FB7];
	_ =	sdelay $0x3  }
0x36: {  	p1 =	seq.s32 s10, $0x1;
	s10 =	sld [smem:$0x3FB8];
	_ =	sdelay $0x3  }
0x37: {  	[smem:$0x3FB8] =	sst s10  }
0x38: {  	s10 =	sld [smem:$0x3FB9]  }
0x39: {  	_ = 	snop;
	(pc) =	sbr.ind lr, $3  }
0x3a: {  	_ = 	snop  }
0x3b: {  	_ = 	snop  }
0x3c: {  	p2 =	seq.s32 s10, $0x1;
	s10 =	sld [smem:$0x3FB8]  }
0x3d: {  	_ =	shalt  }
0x3e: {  	_ =	shalt  }
0x3f: {  	_ =	shalt  }
0x40: {  	_ =	shalt  }
0x41: {  	_ =	shalt  }
0x42: {  	_ =	shalt  }
0x43: {  	_ =	shalt  }
0x44: {  	_ =	shalt  }
0x45: {  	_ =	shalt  }
0x46: {  	_ =	shalt  }
0x47: {  	_ =	shalt  }
0x48: {  	_ =	shalt  }
0x49: {  	_ =	shalt  }
0x4a: {  	_ =	shalt  }
0x4b: {  	_ =	shalt  }
0x4c: {  	_ =	shalt  }
0x4d: {  	_ =	shalt  }
0x4e: {  	_ =	shalt  }
0x4f: {  	_ =	shalt  }
0x50: {  	_ =	shalt  }
0x51: {  	_ =	shalt  }
0x52: {  	_ =	shalt  }
0x53: {  	_ =	shalt  }
0x54: {  	_ =	shalt  }
0x55: {  	_ =	shalt  }
0x56: {  	_ =	shalt  }
0x57: {  	_ =	shalt  }
0x58: {  	_ =	shalt  }
0x59: {  	_ =	shalt  }
0x5a: {  	_ =	shalt  }
0x5b: {  	_ =	shalt  }
0x5c: {  	_ =	shalt  }
0x5d: {  	_ =	shalt  }
0x5e: {  	_ =	shalt  }
0x5f: {  	_ =	shalt  }
0x60: {  	_ =	shalt  }
0x61: {  	_ =	shalt  }
0x62: {  	_ =	shalt  }
0x63: {  	_ =	shalt  }
0x64: {  	_ =	shalt  }
0x65: {  	_ =	shalt  }
0x66: {  	_ =	shalt  }
0x67: {  	_ =	shalt  }
0x68: {  	_ =	shalt  }
0x69: {  	_ =	shalt  }
0x6a: {  	_ =	shalt  }
0x6b: {  	_ =	shalt  }
0x6c: {  	_ =	shalt  }
0x6d: {  	_ =	shalt  }
0x6e: {  	_ =	shalt  }
0x6f: {  	_ =	shalt  }
0x70: {  	_ =	shalt  }
0x71: {  	_ =	shalt  }
0x72: {  	_ =	shalt  }
0x73: {  	_ =	shalt  }
0x74: {  	_ =	shalt  }
0x75: {  	_ =	shalt  }
0x76: {  	_ =	shalt  }
0x77: {  	_ =	shalt  }
0x78: {  	_ =	shalt  }
0x79: {  	_ =	shalt  }
0x7a: {  	_ =	shalt  }
0x7b: {  	_ =	shalt  }
0x7c: {  	_ =	shalt  }
0x7d: {  	_ =	shalt  }
0x7e: {  	_ =	shalt  }
0x7f: {  	_ =	shalt  }
0x80: {  	_ =	shalt  }
0x81: {  	_ =	shalt  }
0x82: {  	_ =	shalt  }
0x83: {  	_ =	shalt  }
0x84: {  	_ =	shalt  }
0x85: {  	_ =	shalt  }
0x86: {  	_ =	shalt  }
0x87: {  	_ =	shalt  }
.Lfunc_end0:
.L_simem_size_0:
called_computation_lowered:
.L_overlay_start_0:
0x88: {  	s2 =	sld [smem:$0x3FD9]  }
0x89: {  	s3 =	sld [smem:$0x3FFE];
	_ =	sdelay $0x1  }
0x8a: {  	s1 =	srdreg.scid  }
0x8b: {  	s0 =	sand.u32 $0x1, s1  }
0x8c: {  	s17 =	sshll.u32 s0, $0xA;
	s2 =	sadd.s32 s3, s2  }
0x8d: {  	s2 =	sadd.s32 s2, s17  }
0x8e: {  	[smem:$0x3FC4] =	sst s2  }
0x8f: {  	_ = 	snop  }
0x90: {  	s2 =	sld [smem:$0x3FD0];
	(tm) =	ssettm $0x1  }
0x91: {  	s18 =	sld [smem:$0x3FFB];
	_ =	sdelay $0x3  }
0x92: {  	_ =	strace s18  }
0x93: {  	s3 =	sld [smem:$0x3FFC];
	_ =	sdelay $0x3  }
0x94: {  	_ =	strace s3  }
0x95: {  	s3 =	sld [smem:$0x3FFD];
	_ =	sdelay $0x3  }
0x96: {  	_ =	strace s3  }
0x97: {  	_ =	strace $0x8FFFFFFF  }
0x98: {  	s19 =	sld [smem:$0x3FDB];
	_ =	sdelay $0x1  }
0x99: {  	s4 =	simm.s32 $_scs_section_size  }
0x9a: {  	s5 =	simm.s32 $_size__tile_overlayer_lowered;
	s6 =	simm.s32 $_tile_overlayer_lowered  }
0x9b: {  	s22 =	simm.s32 $0x1BFF;
	s21 =	sshll.u32 s6, $0x1;
	s3 =	sadd.s32 s4, s19  }
0x9c: {  	s7 =	simm.s32 $0x0;
	s20 =	sshll.u32 s5, $0x1;
	s5 =	sadd.s32 s21, s3  }
0x9d: {  	[timem:s7], [sflag:s22] =	dma.local [hbm:s5], s20  }
0x9e: {  	_ =	swait.ge [sflag:s22], s20  }
0x9f: {  	s4 =	ssub.s32 $0x0, s20;
	[sflag:s22] =	ssyncset.done $0x0  }
0xa0: {  	[sflag:s22] =	ssyncadd.s32 s4;
	_ =	sdelay $0x1  }
0xa1: {  	s23 =	simm.s32 $0x1B8B  }
0xa2: {  	_ =	swait.ge [sflag:s23], $0x1  }
0xa3: {  	[sflag:s23] =	ssyncset.done $0x0  }
0xa4: {  	s25 =	simm.s32 $0x1B8E;
	s24 =	sld [smem:$0x3FFE];
	[sflag:s23] =	ssyncadd.s32 $0xFFFFFFFF  }
0xa5: {  	s26 =	simm.s32 $execute0_lowered;
	[smem:$0x3FD2] =	sst s25  }
0xa6: {  	s5 =	sshll.u32 s26, $0x1;
	_ =	strace $0x80000046;
	[dreg:$0x1] =	wrdreg $0xFFFFFFFF  }
0xa7: {  	s28 =	simm.s32 $_size_execute0_lowered;
	s3 =	sadd.s32 s3, s5;
	[dreg:$0x0] =	wrdreg $0x0  }
0xa8: {  	s5 =	sshll.u32 s28, $0x1;
	[dreg:$0x2] =	wrdreg s3  }
0xa9: {  	[dreg:$0x3] =	wrdreg s5  }
0xaa: {  	[dreg:$0x4] =	wrdreg $0xC0  }
0xab: {  	_ =	task [dreg:s7], $0x5FFFF  }
0xac: {  	[dreg:$0x1] =	wrdreg $0xFFFFFFFF  }
0xad: {  	[dreg:$0x0] =	wrdreg $0x60  }
0xae: {  	[dreg:$0x2] =	wrdreg s2  }
0xaf: {  	[dreg:$0x3] =	wrdreg s24  }
0xb0: {  	[dreg:$0x4] =	wrdreg $0x51800  }
0xb1: {  	[dreg:$0x5] =	wrdreg $0x9  }
0xb2: {  	_ =	task.clear_ibuf [dreg:s7], $0x6FFFF;
	_ =	strace $0x90000046  }
0xb3: {  	s29 =	simm.s32 $0x9;
	_ =	strace $0x80000048  }
0xb4: {  	_ =	swait.ge [sflag:s29], $0x1  }
0xb5: {  	[sflag:s29] =	ssyncadd.s32 $0xFFFFFFFF  }
0xb6: {  	_ =	strace $0x90000048  }
0xb7: {  	_ =	sfence  }
0xb8: {  	s30 =	sld [smem:$0x0];
	_ =	sdelay $0x2  }
0xb9: {  	s31 =	sshll.u32 s1, $0xD;
	s1 =	sshrl.u32 s1, $0x2  }
0xba: {  	s3 =	sand.u32 $0x4000, s31;
	s1 =	sadd.s32 s1, s30  }
0xbb: {  	s0 =	sor.u32 s3, s0;
	s1 =	sshll.u32 s1, $0x11  }
0xbc: {  	s0 =	sor.u32 s1, s0  }
0xbd: {  	s0 =	sadd.s32 $0x8F2B, s0  }
0xbe: {  	[sflag:s0] =	ssyncadd.remote.s32 $0x1  }
0xbf: {  	_ =	sfence.sel $0xFFFF  }
0xc0: {  	[dreg:$0x0] =	wrdreg $0xFFFFFFFF;
	(pc) =	sbr.abs _section_cstart, $3  }
0xc1: {  	[dreg:$0x1] =	wrdreg $0xFFFFFFFF  }
0xc2: {  	_ =	task.clear_ibuf [dreg:s7], $0x2FFFF;
	_ =	strace $0x9FFFFFFF  }
0xc3: {  	(tm) =	ssettm $0x7FFFFFFF  }
tec
execute0_lowered:
.L_overlay_start_1:
0x0: {  	(tag) =	ssettag $0x1  }
0x1: {  	s5 =	rddreg [dreg:$0x0];
	s0 =	stileid.u32  }
0x2: {  	s1 =	srdreg.scid;
	s7 =	smul.u32 $0x280, s0  }
0x3: {  	s4 =	rddreg [dreg:$0x1];
	s6 =	sand.u32 $0x1, s1;
	s10 =	smul.u32 $0x4E80, s0  }
0x4: {  	s2 =	rddreg [dreg:$0x2];
	s3 =	simm.s32 $0x0;
	s8 =	smul.u32 $0x2800, s6  }
0x5: {  	s12 =	simm.s32 $0x0;
	[smem:$0x7FF] =	sst s3;
	s9 =	smul.u32 $0x4E800, s6  }
0x6: {  	s1 =	rddreg [dreg:$0x3];
	_ =	strace $0x80000047;
	s6 =	ssub.s32 $0x2, s6  }
0x7: {  	s11 =	sshrl.u32 s6, $0x1;
	s8 =	sadd.s32 s7, s8;
	s9 =	sadd.s32 s10, s9  }
0x8: {  	s30 =	ssub.s32 s6, s11;
	s10 =	simm.s32 $0x80;
	s11 =	simm.s32 $0x4E80  }
0x9: {  	s8 =	sshrl.u32 s8, $0x3;
	s31 =	sshrl.u32 s9, $0x3;
	s9 =	simm.s32 $0x1  }
0xa: {  	s8 =	sadd.s32 s8, s4;
	s4 =	sadd.s32 s7, s2;
	s5 =	sadd.s32 s5, s31  }
0xb: {  	v0 =	vimm.s32 $0x1;
	v1 =	vimm.s32 $0x0;
	s7 =	smax.u32 s30, $0x1;
	s6 =	sadd.s32 $0x800, s8;
	s8 =	simm.s32 $0x4F00  }
.LBB2_1:
0xc: {  	[tilespmem:$0x4E80] =	vst v0  }
0xd: {  	[tilespmem:$0x4E90] =	vst v0  }
0xe: {  	[tilespmem:$0x4EA0] =	vst v0  }
0xf: {  	[tilespmem:$0x4EB0] =	vst v0  }
0x10: {  	[tilespmem:$0x4EC0] =	vst v0  }
0x11: {  	[tilespmem:$0x4ED0] =	vst v0  }
0x12: {  	[tilespmem:$0x4EE0] =	vst v0  }
0x13: {  	[tilespmem:$0x4EF0] =	vst v0  }
0x14: {  	[tilespmem:$0x4F00] =	vst v1  }
0x15: {  	[tilespmem:$0x4F10] =	vst v1  }
0x16: {  	[tilespmem:$0x4F20] =	vst v1  }
0x17: {  	[tilespmem:$0x4F30] =	vst v1  }
0x18: {  	[tilespmem:$0x4F40] =	vst v1  }
0x19: {  	[tilespmem:$0x4F50] =	vst v1  }
0x1a: {  	[tilespmem:$0x4F60] =	vst v1  }
0x1b: {  	[tilespmem:$0x4F70] =	vst v1  }
0x1c: {  	[tilespmem:$0x4F80] =	vst v1  }
0x1d: {  	[tilespmem:$0x4F90] =	vst v1  }
0x1e: {  	[tilespmem:$0x4FA0] =	vst v1  }
0x1f: {  	[tilespmem:$0x4FB0] =	vst v1  }
0x20: {  	[tilespmem:$0x4FC0] =	vst v1  }
0x21: {  	[tilespmem:$0x4FD0] =	vst v1  }
0x22: {  	[tilespmem:$0x4FE0] =	vst v1  }
0x23: {  	[tilespmem:$0x4FF0] =	vst v1  }
0x24: {  	[tilespmem:$0x5000] =	vst v1  }
0x25: {  	[tilespmem:$0x5010] =	vst v1  }
0x26: {  	[tilespmem:$0x5020] =	vst v1  }
0x27: {  	[tilespmem:$0x5030] =	vst v1  }
0x28: {  	[tilespmem:$0x5040] =	vst v1  }
0x29: {  	[tilespmem:$0x5050] =	vst v1  }
0x2a: {  	[tilespmem:$0x5060] =	vst v1  }
0x2b: {  	[tilespmem:$0x5070] =	vst v1  }
0x2c: {  	[tilespmem:$0x5080] =	vst v1  }
0x2d: {  	[tilespmem:$0x5090] =	vst v1  }
0x2e: {  	[tilespmem:$0x50A0] =	vst v1  }
0x2f: {  	[tilespmem:$0x50B0] =	vst v1  }
0x30: {  	[tilespmem:$0x50C0] =	vst v1  }
0x31: {  	[tilespmem:$0x50D0] =	vst v1  }
0x32: {  	[tilespmem:$0x50E0] =	vst v1  }
0x33: {  	[tilespmem:$0x50F0] =	vst v1  }
0x34: {  	[tilespmem:$0x5100] =	vst v1  }
0x35: {  	[tilespmem:$0x5110] =	vst v1  }
0x36: {  	[tilespmem:$0x5120] =	vst v1  }
0x37: {  	[tilespmem:$0x5130] =	vst v1  }
0x38: {  	[tilespmem:$0x5140] =	vst v1  }
0x39: {  	[tilespmem:$0x5150] =	vst v1  }
0x3a: {  	[tilespmem:$0x5160] =	vst v1  }
0x3b: {  	[tilespmem:$0x5170] =	vst v1  }
0x3c: {  	[spmem:s4] =	stream.linear.scatter [tilespmem:s8], [sflag:$0x1], $0x280, $0x38;
	[tilespmem:$0x5400] =	vst v63  }
0x3d: {  	_ =	swait.ge [sflag:s9], $0x280  }
0x3e: {  	[sflag:s9] =	ssyncset.done $0x0  }
0x3f: {  	[sflag:s9] =	ssyncadd.s32 $0xFFFFFD80  }
0x40: {  	[bflag:$0x0] =	sbarrier.arrive $0xFFFF  }
0x41: {  	[tilespmem:s3], [sflag:$0x1] =	stream.linear.gather [hbm4b:s5+s3], $0x4E80, $0x38;
	[tilespmem:$0x5400] =	vst v63  }
0x42: {  	_ =	swait.ge [sflag:s9], $0x4E80  }
0x43: {  	[sflag:s9] =	ssyncset.done $0x0  }
0x44: {  	s13 =	simm.s32 $0x0;
	[sflag:s9] =	ssyncadd.s32 $0xFFFFB180  }
0x45: {  	[spmem:s2] =	stream.indirect.scatter.add.s32 [tilespmem:s11], [sflag:$0x1], $0x1, s13, s10, $0xb8;
	[tilespmem:$0x5400] =	vst v63  }
0x46: {  	_ =	swait.ge [sflag:s9], $0x80  }
0x47: {  	s13 =	simm.s32 $0x200;
	[sflag:s9] =	ssyncset.done $0x0  }
.LBB2_2:
0x48: {  	s14 =	sshra.s32 s13, $0x2;
	[sflag:s9] =	ssyncadd.s32 $0xFFFFFF80;
	p0 =	sne.s32 s13, $0x13800  }
0x49: {  	[spmem:s2] =	stream.indirect.scatter.add.s32 [tilespmem:s11], [sflag:$0x1], $0x1, s14, s10, $0xb8;
	[tilespmem:$0x5400] =	vst v63  }
.Ltmp0:
0x4a: {  	_ = 	snop;
	(pc) =	sbr.rel @p0 .LBB2_2-.Ltmp0, $4  }
0x4b: {  	_ = 	snop  }
0x4c: {  	s13 =	sadd.s32 $0x200, s13  }
0x4d: {  	_ =	swait.ge [sflag:s9], $0x80  }
0x4e: {  	[sflag:s9] =	ssyncset.done $0x0  }
0x4f: {  	[sflag:s9] =	ssyncadd.s32 $0xFFFFFF80  }
0x50: {  	[bflag:$0x0] =	sbarrier.arrive $0xFFFF  }
0x51: {  	[tilespmem:s8], [sflag:$0x1] =	stream.linear.gather [spmem:s4], $0x280, $0x38;
	[tilespmem:$0x5400] =	vst v63  }
0x52: {  	_ =	swait.ge [sflag:s9], $0x280  }
0x53: {  	[sflag:s9] =	ssyncset.done $0x0  }
0x54: {  	[sflag:s9] =	ssyncadd.s32 $0xFFFFFD80  }
0x55: {  	v2 =	vld [tilespmem:$0x4F00]  }
0x56: {  	v3 =	vld [tilespmem:$0x4F10]  }
0x57: {  	v4 =	vld [tilespmem:$0x4F20]  }
0x58: {  	v5 =	vld [tilespmem:$0x4F30]  }
0x59: {  	v6 =	vld [tilespmem:$0x4F40]  }
0x5a: {  	v7 =	vld [tilespmem:$0x4F50];
	vm0 =	vlt.s32 v2, $0x1FF  }
0x5b: {  	v8 =	vld [tilespmem:$0x4F60];
	vm13 =	vlt.s32 v3, $0x1FF;
	v2 =	vnsel vm0, $0x1FF, v2  }
0x5c: {  	vm14 =	vlt.s32 v4, $0x1FF;
	[tilespmem:$0x4F00] =	vst v2;
	v2 =	vnsel vm13, $0x1FF, v3;
	v3 =	vld [tilespmem:$0x4F70]  }
0x5d: {  	v37 =	vld [tilespmem:$0x4F80];
	vm15 =	vlt.s32 v5, $0x1FF;
	[tilespmem:$0x4F10] =	vst v2;
	v2 =	vnsel vm14, $0x1FF, v4  }
0x5e: {  	v38 =	vld [tilespmem:$0x4F90];
	vm4 =	vlt.s32 v6, $0x1FF;
	[tilespmem:$0x4F20] =	vst v2;
	v2 =	vnsel vm15, $0x1FF, v5  }
0x5f: {  	v39 =	vld [tilespmem:$0x4FA0];
	vm5 =	vlt.s32 v7, $0x1FF;
	[tilespmem:$0x4F30] =	vst v2;
	v2 =	vnsel vm4, $0x1FF, v6  }
0x60: {  	v40 =	vld [tilespmem:$0x4FB0];
	vm6 =	vlt.s32 v8, $0x1FF;
	[tilespmem:$0x4F40] =	vst v2;
	v2 =	vnsel vm5, $0x1FF, v7  }
0x61: {  	v41 =	vld [tilespmem:$0x4FC0];
	[tilespmem:$0x4F50] =	vst v2;
	v2 =	vnsel vm6, $0x1FF, v8;
	vm7 =	vlt.s32 v3, $0x1FF  }
0x62: {  	vm8 =	vlt.s32 v37, $0x1FF;
	[tilespmem:$0x4F60] =	vst v2;
	v2 =	vnsel vm7, $0x1FF, v3;
	v3 =	vld [tilespmem:$0x4FD0]  }
0x63: {  	v42 =	vld [tilespmem:$0x4FE0];
	vm9 =	vlt.s32 v38, $0x1FF;
	[tilespmem:$0x4F70] =	vst v2;
	v2 =	vnsel vm8, $0x1FF, v37  }
0x64: {  	v43 =	vld [tilespmem:$0x4FF0];
	vm10 =	vlt.s32 v39, $0x1FF;
	[tilespmem:$0x4F80] =	vst v2;
	v2 =	vnsel vm9, $0x1FF, v38  }
0x65: {  	v44 =	vld [tilespmem:$0x5000];
	vm11 =	vlt.s32 v40, $0x1FF;
	[tilespmem:$0x4F90] =	vst v2;
	v2 =	vnsel vm10, $0x1FF, v39  }
0x66: {  	v45 =	vld [tilespmem:$0x5010];
	vm12 =	vlt.s32 v41, $0x1FF;
	[tilespmem:$0x4FA0] =	vst v2;
	v2 =	vnsel vm11, $0x1FF, v40  }
0x67: {  	v46 =	vld [tilespmem:$0x5020];
	[tilespmem:$0x4FB0] =	vst v2;
	v2 =	vnsel vm12, $0x1FF, v41;
	vm13 =	vlt.s32 v3, $0x1FF  }
0x68: {  	vm14 =	vlt.s32 v42, $0x1FF;
	[tilespmem:$0x4FC0] =	vst v2;
	v2 =	vnsel vm13, $0x1FF, v3;
	v3 =	vld [tilespmem:$0x5030]  }
0x69: {  	v47 =	vld [tilespmem:$0x5040];
	vm15 =	vlt.s32 v43, $0x1FF;
	[tilespmem:$0x4FD0] =	vst v2;
	v2 =	vnsel vm14, $0x1FF, v42  }
0x6a: {  	v48 =	vld [tilespmem:$0x5050];
	vm4 =	vlt.s32 v44, $0x1FF;
	[tilespmem:$0x4FE0] =	vst v2;
	v2 =	vnsel vm15, $0x1FF, v43  }
0x6b: {  	v49 =	vld [tilespmem:$0x5060];
	vm5 =	vlt.s32 v45, $0x1FF;
	[tilespmem:$0x4FF0] =	vst v2;
	v2 =	vnsel vm4, $0x1FF, v44  }
0x6c: {  	v50 =	vld [tilespmem:$0x5070];
	vm6 =	vlt.s32 v46, $0x1FF;
	[tilespmem:$0x5000] =	vst v2;
	v2 =	vnsel vm5, $0x1FF, v45  }
0x6d: {  	v51 =	vld [tilespmem:$0x5080];
	[tilespmem:$0x5010] =	vst v2;
	v2 =	vnsel vm6, $0x1FF, v46;
	vm7 =	vlt.s32 v3, $0x1FF  }
0x6e: {  	vm8 =	vlt.s32 v47, $0x1FF;
	[tilespmem:$0x5020] =	vst v2;
	v2 =	vnsel vm7, $0x1FF, v3;
	v3 =	vld [tilespmem:$0x5090]  }
0x6f: {  	v52 =	vld [tilespmem:$0x50A0];
	vm9 =	vlt.s32 v48, $0x1FF;
	[tilespmem:$0x5030] =	vst v2;
	v2 =	vnsel vm8, $0x1FF, v47  }
0x70: {  	v53 =	vld [tilespmem:$0x50B0];
	vm10 =	vlt.s32 v49, $0x1FF;
	[tilespmem:$0x5040] =	vst v2;
	v2 =	vnsel vm9, $0x1FF, v48  }
0x71: {  	v54 =	vld [tilespmem:$0x50C0];
	vm11 =	vlt.s32 v50, $0x1FF;
	[tilespmem:$0x5050] =	vst v2;
	v2 =	vnsel vm10, $0x1FF, v49  }
0x72: {  	v55 =	vld [tilespmem:$0x50D0];
	vm12 =	vlt.s32 v51, $0x1FF;
	[tilespmem:$0x5060] =	vst v2;
	v2 =	vnsel vm11, $0x1FF, v50  }
0x73: {  	v56 =	vld [tilespmem:$0x50E0];
	[tilespmem:$0x5070] =	vst v2;
	v2 =	vnsel vm12, $0x1FF, v51;
	vm13 =	vlt.s32 v3, $0x1FF  }
0x74: {  	vm14 =	vlt.s32 v52, $0x1FF;
	[tilespmem:$0x5080] =	vst v2;
	v2 =	vnsel vm13, $0x1FF, v3;
	v3 =	vld [tilespmem:$0x50F0]  }
0x75: {  	v57 =	vld [tilespmem:$0x5100];
	vm15 =	vlt.s32 v53, $0x1FF;
	[tilespmem:$0x5090] =	vst v2;
	v2 =	vnsel vm14, $0x1FF, v52  }
0x76: {  	v58 =	vld [tilespmem:$0x5110];
	vm4 =	vlt.s32 v54, $0x1FF;
	[tilespmem:$0x50A0] =	vst v2;
	v2 =	vnsel vm15, $0x1FF, v53  }
0x77: {  	v59 =	vld [tilespmem:$0x5120];
	vm5 =	vlt.s32 v55, $0x1FF;
	[tilespmem:$0x50B0] =	vst v2;
	v2 =	vnsel vm4, $0x1FF, v54  }
0x78: {  	v60 =	vld [tilespmem:$0x5130];
	vm6 =	vlt.s32 v56, $0x1FF;
	[tilespmem:$0x50C0] =	vst v2;
	v2 =	vnsel vm5, $0x1FF, v55  }
0x79: {  	v61 =	vld [tilespmem:$0x5140];
	[tilespmem:$0x50D0] =	vst v2;
	v2 =	vnsel vm6, $0x1FF, v56;
	vm7 =	vlt.s32 v3, $0x1FF  }
0x7a: {  	vm8 =	vlt.s32 v57, $0x1FF;
	[tilespmem:$0x50E0] =	vst v2;
	v2 =	vnsel vm7, $0x1FF, v3;
	v3 =	vld [tilespmem:$0x5150]  }
0x7b: {  	v62 =	vld [tilespmem:$0x5160];
	vm9 =	vlt.s32 v58, $0x1FF;
	[tilespmem:$0x50F0] =	vst v2;
	v2 =	vnsel vm8, $0x1FF, v57  }
0x7c: {  	v63 =	vld [tilespmem:$0x5170];
	vm10 =	vlt.s32 v59, $0x1FF;
	[tilespmem:$0x5100] =	vst v2;
	v2 =	vnsel vm9, $0x1FF, v58  }
0x7d: {  	vm11 =	vlt.s32 v60, $0x1FF;
	[tilespmem:$0x5110] =	vst v2;
	v2 =	vnsel vm10, $0x1FF, v59  }
0x7e: {  	vm12 =	vlt.s32 v61, $0x1FF;
	[tilespmem:$0x5120] =	vst v2;
	v2 =	vnsel vm11, $0x1FF, v60  }
0x7f: {  	[tilespmem:$0x5130] =	vst v2;
	v2 =	vnsel vm12, $0x1FF, v61;
	vm13 =	vlt.s32 v3, $0x1FF  }
0x80: {  	vm14 =	vlt.s32 v62, $0x1FF;
	[tilespmem:$0x5140] =	vst v2;
	v2 =	vnsel vm13, $0x1FF, v3  }
0x81: {  	s12 =	sadd.s32 $0x1, s12;
	vm15 =	vlt.s32 v63, $0x1FF;
	[tilespmem:$0x5150] =	vst v2;
	v2 =	vnsel vm14, $0x1FF, v62  }
0x82: {  	p0 =	sne.s32 s12, s7;
	[tilespmem:$0x5160] =	vst v2;
	v2 =	vnsel vm15, $0x1FF, v63  }
.Ltmp1:
0x83: {  	[tilespmem:$0x5170] =	vst v2;
	(pc) =	sbr.rel @p0 .LBB2_1-.Ltmp1, $4  }
0x84: {  	[hbm4b:s6+s3] =	stream.linear.scatter [tilespmem:s8], [sflag:$0x1], $0x280, $0x38;
	[tilespmem:$0x5400] =	vst v63  }
0x85: {  	_ =	swait.ge [sflag:s9], $0x280  }
0x86: {  	[sflag:s9] =	ssyncset.done $0x0  }
0x87: {  	[sflag:s9] =	ssyncadd.s32 $0xFFFFFD80  }
0x88: {  	_ =	sfence.sel $0x180000  }
0x89: {  	[bflag:$0x0] =	sbarrier.arrive $0xFFFF  }
0x8a: {  	p0 =	sne.s32 s0, $0x0;
	_ =	strace $0x90000047  }
0x8b: {  	s0 =	sadd.s32 @!p0 $0x100000, s1;
	[bflag:$0x2] =	sbarrier.arrive $0xFFFF  }
0x8c: {  	[sflag:s0] =	ssyncadd.tile.s32 @!p0 $0x1;
	_ =	shalt  }
.Lfunc_end2:
_tile_overlayer_lowered:
.L_overlay_start_2:
0x8d: {  	(tag) =	ssettag $0x2  }
0x8e: {  	s0 =	rddreg [dreg:$0x0];
	s2 =	stileid.u32  }
0x8f: {  	s1 =	rddreg [dreg:$0x1];
	p0 =	sne.s32 s2, $0x0  }
0x90: {  	s3 =	rddreg [dreg:$0x2];
	[bflag:$0x3] =	sbarrier.arrive $0xFFFF;
	s2 =	simm.s32 @!p0 $0x1C01  }
0x91: {  	[timem:s3], [sflag:s2] =	dma.local @!p0 [hbm:s0], s1  }
0x92: {  	s0 =	simm.s32 @!p0 $0x1  }
0x93: {  	_ =	swait.ge @!p0 [sflag:s0], s1  }
0x94: {  	s1 =	ssub.s32 @!p0 $0x0, s1;
	[sflag:s0] =	ssyncset.done @!p0 $0x0  }
0x95: {  	[sflag:s0] =	ssyncadd.s32 @!p0 s1  }
0x96: {  	[bflag:$0x3] =	sbarrier.arrive $0xFFFF  }
0x97: {  	_ =	shalt  }

// kernel: kernel.7.cloned.1.call-start
scs
__scs_entry_jumppad:
0x0: {  	(pc) =	sbr.rel $0x88, $3  }
0x1: {  	(tag) =	ssettag $0x0;
	lr =	simm.s32 $0x1  }
0x2: {  	[smem:$0x3F9D] =	sst lr;
	_ =	strace $0xD0000000  }
0x3: {  	_ = 	snop  }
0x4: {  	_ = 	snop  }
0x5: {  	_ = 	snop  }
0x6: {  	_ = 	snop  }
0x7: {  	_ = 	snop  }
__scs_overlays_trampoline_lowered:
0x8: {  	[smem:$0x3FAC] =	sst s0  }
0x9: {  	[smem:$0x3FAD] =	sst s1  }
0xa: {  	[smem:$0x3FAE] =	sst s2  }
0xb: {  	[smem:$0x3FAF] =	sst s3  }
0xc: {  	[smem:$0x3FB0] =	sst s4  }
0xd: {  	[smem:$0x3FB1] =	sst s5  }
0xe: {  	[smem:$0x3FB2] =	sst s6  }
0xf: {  	[smem:$0x3FB3] =	sst s7  }
0x10: {  	[smem:$0x3FB4] =	sst s8  }
0x11: {  	[smem:$0x3FB5] =	sst s9;
	s0 =	simm.s32 @!p0 $0x0  }
0x12: {  	s1 =	sld [smem:$0x3F9B];
	s0 =	simm.s32 @p0 $0x1  }
0x13: {  	[smem:$0x3FB6] =	sst s0;
	s0 =	simm.s32 @!p1 $0x0  }
0x14: {  	s2 =	sld [smem:$0x3F9A];
	s0 =	simm.s32 @p1 $0x1  }
0x15: {  	[smem:$0x3FB7] =	sst s0;
	s0 =	simm.s32 @!p2 $0x0  }
0x16: {  	s3 =	sld [smem:$0x3FDB];
	s0 =	simm.s32 @p2 $0x1  }
0x17: {  	s4 =	simm.s32 $0x1BF5;
	[smem:$0x3FB9] =	sst s0  }
0x18: {  	s0 =	sld [smem:$0x3F9C];
	_ =	swait.ge [sflag:s4], $0x0  }
0x19: {  	s7 =	sld [smem:$0x3F9D]  }
0x1a: {  	s8 =	sadd.s32 $0xFFFFE003, lr  }
0x1b: {  	s9 =	sadd.s32 $0xFFFFFEF7, lr;
	s5 =	simm.s32 $0xFFFFFFFF;
	p2 =	slt.u32 s8, $0xFFFFF086  }
0x1c: {  	p1 =	slt.u32 s9, $0xF7A;
	s5 =	simm.s32 @!p2 $0x0  }
0x1d: {  	s5 =	simm.s32 @p1 $0x1;
	p0 =	seq.s32 s7, s2  }
0x1e: {  	s7 =	smul.u32 @!p0 $0xF7A, s2;
	p2 =	seq.s32 @!p0 s5, $0x0  }
0x1f: {  	s9 =	smul.u32 $0xF7A, s1;
	s8 =	simm.s32 @!p0 $0x1BF5;
	p2 =	por !p2, p0  }
0x20: {  	[sflag:s8] =	ssyncset.s32 @!p0 $0xFFFFF086;
	s6 =	sadd.s32 @!p0 s3, s7;
	s7 =	simm.s32 @!p0 $0x108  }
0x21: {  	s3 =	sadd.s32 s3, s9;
	s6 =	sadd.s32 @!p0 $0x88, s6;
	s7 =	simm.s32 @p2 $0x1082  }
0x22: {  	[simem:s7], [sflag:s8] =	dma.local @!p0 [hbm:s6], $0xF7A  }
0x23: {  	s9 =	sor.u32 $0xD0000000, s2;
	s6 =	simm.s32 $0x108;
	_ =	swait.ge @!p0 [sflag:s8], $0x0  }
0x24: {  	s3 =	sadd.s32 $0x88, s3;
	s6 =	simm.s32 @!p1 $0x1082;
	[sflag:s4] =	ssyncset.s32 $0xFFFFF086  }
0x25: {  	[simem:s6], [sflag:s4] =	dma.local [hbm:s3], $0xF7A  }
0x26: {  	[smem:$0x3F9D] =	sst s1;
	(tag) =	ssettag s2;
	_ =	strace s9  }
0x27: {  	s1 =	sld [smem:$0x3FAD]  }
0x28: {  	s2 =	sld [smem:$0x3FAE]  }
0x29: {  	s4 =	sld [smem:$0x3FB0]  }
0x2a: {  	p0 =	seq.s32 s5, $0x0;
	s5 =	sld [smem:$0x3FB1]  }
0x2b: {  	s6 =	sld [smem:$0x3FB2]  }
0x2c: {  	s7 =	sld [smem:$0x3FB3]  }
0x2d: {  	s3 =	simm.s32 $0x108;
	s8 =	sld [smem:$0x3FB4]  }
0x2e: {  	s3 =	simm.s32 @!p0 $0x1082;
	s9 =	sld [smem:$0x3FB5]  }
0x2f: {  	lr =	sadd.s32 s0, s3;
	s0 =	sld [smem:$0x3FAC]  }
0x30: {  	s3 =	sld [smem:$0x3FAF]  }
0x31: {  	[smem:$0x3FB8] =	sst s10  }
0x32: {  	s10 =	sld [smem:$0x3FB6];
	_ =	sdelay $0x3  }
0x33: {  	p0 =	seq.s32 s10, $0x1;
	s10 =	sld [smem:$0x3FB8];
	_ =	sdelay $0x3  }
0x34: {  	[smem:$0x3FB8] =	sst s10  }
0x35: {  	s10 =	sld [smem:$0x3FB7];
	_ =	sdelay $0x3  }
0x36: {  	p1 =	seq.s32 s10, $0x1;
	s10 =	sld [smem:$0x3FB8];
	_ =	sdelay $0x3  }
0x37: {  	[smem:$0x3FB8] =	sst s10  }
0x38: {  	s10 =	sld [smem:$0x3FB9]  }
0x39: {  	_ = 	snop;
	(pc) =	sbr.ind lr, $3  }
0x3a: {  	_ = 	snop  }
0x3b: {  	_ = 	snop  }
0x3c: {  	p2 =	seq.s32 s10, $0x1;
	s10 =	sld [smem:$0x3FB8]  }
0x3d: {  	_ =	shalt  }
0x3e: {  	_ =	shalt  }
0x3f: {  	_ =	shalt  }
0x40: {  	_ =	shalt  }
0x41: {  	_ =	shalt  }
0x42: {  	_ =	shalt  }
0x43: {  	_ =	shalt  }
0x44: {  	_ =	shalt  }
0x45: {  	_ =	shalt  }
0x46: {  	_ =	shalt  }
0x47: {  	_ =	shalt  }
0x48: {  	_ =	shalt  }
0x49: {  	_ =	shalt  }
0x4a: {  	_ =	shalt  }
0x4b: {  	_ =	shalt  }
0x4c: {  	_ =	shalt  }
0x4d: {  	_ =	shalt  }
0x4e: {  	_ =	shalt  }
0x4f: {  	_ =	shalt  }
0x50: {  	_ =	shalt  }
0x51: {  	_ =	shalt  }
0x52: {  	_ =	shalt  }
0x53: {  	_ =	shalt  }
0x54: {  	_ =	shalt  }
0x55: {  	_ =	shalt  }
0x56: {  	_ =	shalt  }
0x57: {  	_ =	shalt  }
0x58: {  	_ =	shalt  }
0x59: {  	_ =	shalt  }
0x5a: {  	_ =	shalt  }
0x5b: {  	_ =	shalt  }
0x5c: {  	_ =	shalt  }
0x5d: {  	_ =	shalt  }
0x5e: {  	_ =	shalt  }
0x5f: {  	_ =	shalt  }
0x60: {  	_ =	shalt  }
0x61: {  	_ =	shalt  }
0x62: {  	_ =	shalt  }
0x63: {  	_ =	shalt  }
0x64: {  	_ =	shalt  }
0x65: {  	_ =	shalt  }
0x66: {  	_ =	shalt  }
0x67: {  	_ =	shalt  }
0x68: {  	_ =	shalt  }
0x69: {  	_ =	shalt  }
0x6a: {  	_ =	shalt  }
0x6b: {  	_ =	shalt  }
0x6c: {  	_ =	shalt  }
0x6d: {  	_ =	shalt  }
0x6e: {  	_ =	shalt  }
0x6f: {  	_ =	shalt  }
0x70: {  	_ =	shalt  }
0x71: {  	_ =	shalt  }
0x72: {  	_ =	shalt  }
0x73: {  	_ =	shalt  }
0x74: {  	_ =	shalt  }
0x75: {  	_ =	shalt  }
0x76: {  	_ =	shalt  }
0x77: {  	_ =	shalt  }
0x78: {  	_ =	shalt  }
0x79: {  	_ =	shalt  }
0x7a: {  	_ =	shalt  }
0x7b: {  	_ =	shalt  }
0x7c: {  	_ =	shalt  }
0x7d: {  	_ =	shalt  }
0x7e: {  	_ =	shalt  }
0x7f: {  	_ =	shalt  }
0x80: {  	_ =	shalt  }
0x81: {  	_ =	shalt  }
0x82: {  	_ =	shalt  }
0x83: {  	_ =	shalt  }
0x84: {  	_ =	shalt  }
0x85: {  	_ =	shalt  }
0x86: {  	_ =	shalt  }
0x87: {  	_ =	shalt  }
.Lfunc_end0:
.L_simem_size_0:
called_computation.1_lowered:
.L_overlay_start_0:
0x88: {  	s2 =	sld [smem:$0x3FD9]  }
0x89: {  	s3 =	sld [smem:$0x3FFE];
	_ =	sdelay $0x1  }
0x8a: {  	s1 =	srdreg.scid  }
0x8b: {  	s0 =	sand.u32 $0x1, s1  }
0x8c: {  	s17 =	sshll.u32 s0, $0xA;
	s2 =	sadd.s32 s3, s2  }
0x8d: {  	s2 =	sadd.s32 s2, s17  }
0x8e: {  	[smem:$0x3FC4] =	sst s2  }
0x8f: {  	_ = 	snop  }
0x90: {  	s2 =	sld [smem:$0x3FC9]  }
0x91: {  	s18 =	sld [smem:$0x3FC7]  }
0x92: {  	s4 =	sld [smem:$0x3FC6]  }
0x93: {  	s5 =	sld [smem:$0x3FD0];
	(tm) =	ssettm $0x1  }
0x94: {  	s6 =	sld [smem:$0x3FFB];
	_ =	sdelay $0x3  }
0x95: {  	_ =	strace s6  }
0x96: {  	s6 =	sld [smem:$0x3FFC];
	_ =	sdelay $0x3  }
0x97: {  	_ =	strace s6  }
0x98: {  	s6 =	sld [smem:$0x3FFD];
	_ =	sdelay $0x3  }
0x99: {  	_ =	strace s6  }
0x9a: {  	_ =	strace $0x8FFFFFFF  }
0x9b: {  	s19 =	sld [smem:$0x3FDB];
	_ =	sdelay $0x1  }
0x9c: {  	s7 =	simm.s32 $_scs_section_size  }
0x9d: {  	s8 =	simm.s32 $_size__tile_overlayer_lowered;
	s9 =	simm.s32 $_tile_overlayer_lowered  }
0x9e: {  	s22 =	simm.s32 $0x1BFF;
	s21 =	sshll.u32 s9, $0x1;
	s6 =	sadd.s32 s7, s19  }
0x9f: {  	s10 =	simm.s32 $0x0;
	s20 =	sshll.u32 s8, $0x1;
	s8 =	sadd.s32 s21, s6  }
0xa0: {  	[timem:s10], [sflag:s22] =	dma.local [hbm:s8], s20  }
0xa1: {  	_ =	swait.ge [sflag:s22], s20  }
0xa2: {  	s7 =	ssub.s32 $0x0, s20;
	[sflag:s22] =	ssyncset.done $0x0  }
0xa3: {  	[sflag:s22] =	ssyncadd.s32 s7;
	_ =	sdelay $0x1  }
0xa4: {  	s23 =	simm.s32 $0x1B8B  }
0xa5: {  	_ =	swait.ge [sflag:s23], $0x1  }
0xa6: {  	[sflag:s23] =	ssyncset.done $0x0  }
0xa7: {  	s25 =	simm.s32 $0x1B8E;
	s24 =	sld [smem:$0x3FFE];
	[sflag:s23] =	ssyncadd.s32 $0xFFFFFFFF  }
0xa8: {  	s26 =	simm.s32 $execute0_lowered;
	[smem:$0x3FD2] =	sst s25  }
0xa9: {  	s8 =	sshll.u32 s26, $0x1;
	_ =	strace $0x80000049;
	[dreg:$0x1] =	wrdreg $0xFFFFFFFF  }
0xaa: {  	s28 =	simm.s32 $_size_execute0_lowered;
	s6 =	sadd.s32 s6, s8;
	[dreg:$0x0] =	wrdreg $0x0  }
0xab: {  	s8 =	sshll.u32 s28, $0x1;
	[dreg:$0x2] =	wrdreg s6  }
0xac: {  	[dreg:$0x3] =	wrdreg s8  }
0xad: {  	[dreg:$0x4] =	wrdreg $0xC0  }
0xae: {  	_ =	task [dreg:s10], $0x5FFFF  }
0xaf: {  	[dreg:$0x1] =	wrdreg $0xFFFFFFFF  }
0xb0: {  	[dreg:$0x0] =	wrdreg $0x60  }
0xb1: {  	[dreg:$0x2] =	wrdreg s2  }
0xb2: {  	[dreg:$0x3] =	wrdreg s24  }
0xb3: {  	[dreg:$0x4] =	wrdreg s18  }
0xb4: {  	[dreg:$0x5] =	wrdreg s4  }
0xb5: {  	[dreg:$0x6] =	wrdreg s5  }
0xb6: {  	[dreg:$0x7] =	wrdreg $0x9  }
0xb7: {  	_ =	task.clear_ibuf [dreg:s10], $0x8FFFF;
	_ =	strace $0x90000049  }
0xb8: {  	s29 =	simm.s32 $0x9;
	_ =	strace $0x8000004B  }
0xb9: {  	_ =	swait.ge [sflag:s29], $0x1  }
0xba: {  	[sflag:s29] =	ssyncadd.s32 $0xFFFFFFFF  }
0xbb: {  	_ =	strace $0x9000004B  }
0xbc: {  	_ =	sfence  }
0xbd: {  	s30 =	sld [smem:$0x0];
	_ =	sdelay $0x2  }
0xbe: {  	s31 =	sshll.u32 s1, $0xD;
	s1 =	sshrl.u32 s1, $0x2  }
0xbf: {  	s3 =	sand.u32 $0x4000, s31;
	s1 =	sadd.s32 s1, s30  }
0xc0: {  	s0 =	sor.u32 s3, s0;
	s1 =	sshll.u32 s1, $0x11  }
0xc1: {  	s0 =	sor.u32 s1, s0  }
0xc2: {  	s0 =	sadd.s32 $0x8F2B, s0  }
0xc3: {  	[sflag:s0] =	ssyncadd.remote.s32 $0x1  }
0xc4: {  	_ =	sfence.sel $0xFFFF  }
0xc5: {  	[dreg:$0x0] =	wrdreg $0xFFFFFFFF;
	(pc) =	sbr.abs _section_cstart, $3  }
0xc6: {  	[dreg:$0x1] =	wrdreg $0xFFFFFFFF  }
0xc7: {  	_ =	task.clear_ibuf [dreg:s10], $0x2FFFF;
	_ =	strace $0x9FFFFFFF  }
0xc8: {  	(tm) =	ssettm $0x7FFFFFFF  }
0xc9: {  	_ =	shalt  }
tec
execute0_lowered:
.L_overlay_start_1:
0x0: {  	(tag) =	ssettag $0x1  }
0x1: {  	s1 =	rddreg [dreg:$0x0]  }
0x2: {  	s10 =	rddreg [dreg:$0x1]  }
0x3: {  	s2 =	rddreg [dreg:$0x2]  }
0x4: {  	s3 =	rddreg [dreg:$0x3]  }
0x5: {  	s4 =	rddreg [dreg:$0x4]  }
0x6: {  	s5 =	srdreg.scid;
	s0 =	rddreg [dreg:$0x5]  }
0x7: {  	s6 =	simm.s32 $0x0;
	s14 =	simm.s32 $0x2;
	s15 =	simm.s32 $0x40  }
0x8: {  	s16 =	simm.s32 $0x80;
	s17 =	simm.s32 $0x2080;
	s18 =	simm.s32 $0x4080  }
0x9: {  	s19 =	simm.s32 $0x1;
	s8 =	sand.u32 $0x1, s5;
	[smem:$0x7FF] =	sst s6  }
0xa: {  	s5 =	stileid.u32;
	s7 =	sadd.s32 $0x800, s10;
	s9 =	ssub.s32 $0x2, s8  }
.Ltmp0:
0xb: {  	_ =	strace $0x8000004A;
	s12 =	sshll.u32 s5, $0x1;
	(pc) =	sbr.rel .LBB2_1-.Ltmp0, $4  }
0xc: {  	s11 =	sshrl.u32 s9, $0x1;
	s20 =	sor.u32 s8, s12;
	s12 =	sadd.s32 $0x27000, s4  }
0xd: {  	s13 =	ssub.s32 s9, s11;
	s8 =	smul.u32 $0x140, s20;
	s9 =	sadd.s32 $0x11E0, s10  }
0xe: {  	s10 =	sadd.s32 $0xCE0, s10;
	s11 =	sadd.s32 $0x27000, s1;
	p0 =	seq.s32 s20, $0x1F  }
0xf: {  	v0 =	vimm.s32 $0x0;
	p1 =	sne.s32 s20, $0x1F;
	s20 =	simm.s32 $0x0;
	s13 =	smax.u32 s13, $0x1  }
.LBB2_9:
0x10: {  	s20 =	sadd.s32 $0x1, s20  }
0x11: {  	p2 =	sne.s32 s20, s13  }
.Ltmp1:
0x12: {  	_ = 	snop;
	(pc) =	sbr.rel @!p2 .LBB2_10-.Ltmp1, $1  }
0x13: {  	_ =	sdelay $0x3  }
.LBB2_1:
0x14: {  	[tilespmem:$0x0] =	vst v0  }
0x15: {  	[tilespmem:$0x40] =	vst v0  }
0x16: {  	[tilespmem:$0x10] =	vst v0  }
0x17: {  	[tilespmem:$0x50] =	vst v0  }
0x18: {  	[tilespmem:$0x20] =	vst v0  }
0x19: {  	[tilespmem:$0x60] =	vst v0  }
0x1a: {  	[tilespmem:$0x30] =	vst v0  }
0x1b: {  	[tilespmem:$0x70] =	vst v0;
	s21 =	simm.s32 $0x0  }
.LBB2_2:
0x1c: {  	s22 =	sshll.u32 s21, $0x6  }
0x1d: {  	s22 =	sadd.s32 s8, s22  }
0x1e: {  	s23 =	sshrl.u32 s22, $0x3  }
0x1f: {  	s23 =	sadd.s32 s7, s23  }
0x20: {  	s25 =	simm.s32 $0x0;
	s24 =	sadd.s32 $0x500, s23  }
0x21: {  	[tilespmem:s25], [sflag:$0x2] =	stream.linear.gather [hbm4b:s24+s25], $0x40, $0x38;
	[tilespmem:$0x6080] =	vst v63  }
0x22: {  	_ =	swait.ge [sflag:s14], $0x40  }
0x23: {  	[sflag:s14] =	ssyncset.done $0x0  }
0x24: {  	[sflag:s14] =	ssyncadd.s32 $0xFFFFFFC0  }
0x25: {  	[tilespmem:s15], [sflag:$0x2] =	stream.linear.gather [hbm4b:s23+s25], $0x40, $0x38;
	[tilespmem:$0x6080] =	vst v63  }
0x26: {  	_ =	swait.ge [sflag:s14], $0x40  }
0x27: {  	s22 =	sshll.u32 s22, $0x4;
	[sflag:s14] =	ssyncset.done $0x0  }
0x28: {  	s31 =	sadd.s32 s1, s22;
	[sflag:s14] =	ssyncadd.s32 $0xFFFFFFC0  }
0x29: {  	[tilespmem:s16], [sflag:$0x2] =	stream.linear.gather [hbm4b:s31+s25], $0x2000, $0x38;
	[tilespmem:$0x6080] =	vst v63  }
0x2a: {  	_ =	swait.ge [sflag:s14], $0x2000  }
0x2b: {  	[sflag:s14] =	ssyncset.done $0x0  }
0x2c: {  	[sflag:s14] =	ssyncadd.s32 $0xFFFFE000  }
0x2d: {  	[tilespmem:s17], [sflag:$0x1] =	stream.indirect.gather [hbm4b:s2+s15], $0x80, s25, s15, $0xb8;
	[tilespmem:$0x6080] =	vst v63  }
0x2e: {  	_ = 	snop  }
0x2f: {  	[tilespmem:s18], [sflag:$0x1] =	stream.indirect.gather [hbm4b:s3+s15], $0x80, s15, s15, $0xb8;
	[tilespmem:$0x6080] =	vst v63  }
0x30: {  	_ =	swait.ge [sflag:s19], $0x2000  }
0x31: {  	[sflag:s19] =	ssyncset.done $0x0  }
0x32: {  	[sflag:s19] =	ssyncadd.s32 $0xFFFFE000  }
0x33: {  	_ =	swait.ge [sflag:s19], $0x2000  }
0x34: {  	[sflag:s19] =	ssyncset.done $0x0  }
0x35: {  	s23 =	simm.s32 $0x0;
	[sflag:s19] =	ssyncadd.s32 $0xFFFFE000  }
0x36: {  	v6 =	vld [tilespmem:s23+$0x4080]  }
0x37: {  	v5 =	vld [tilespmem:s23+$0x4090]  }
0x38: {  	v4 =	vld [tilespmem:s23+$0x40A0]  }
0x39: {  	v3 =	vld [tilespmem:s23+$0x40B0]  }
0x3a: {  	v2 =	vld [tilespmem:s23+$0x40C0]  }
0x3b: {  	v1 =	vld [tilespmem:s23+$0x40D0]  }
0x3c: {  	v13 =	vld [tilespmem:s23+$0x2080]  }
0x3d: {  	v18 =	vld [tilespmem:s23+$0x2090]  }
0x3e: {  	v12 =	vld [tilespmem:s23+$0x20A0]  }
0x3f: {  	v11 =	vld [tilespmem:s23+$0x20B0]  }
0x40: {  	v10 =	vld [tilespmem:s23+$0x20C0]  }
0x41: {  	v9 =	vld [tilespmem:s23+$0x20D0]  }
0x42: {  	v8 =	vld [tilespmem:s23+$0x20E0]  }
0x43: {  	v7 =	vld [tilespmem:s23+$0x20F0]  }
0x44: {  	v19 =	vld [tilespmem:s23+$0x80]  }
0x45: {  	v20 =	vld [tilespmem:s23+$0x90]  }
0x46: {  	v17 =	vld [tilespmem:s23+$0xA0]  }
0x47: {  	v16 =	vld [tilespmem:s23+$0xB0]  }
0x48: {  	v15 =	vld [tilespmem:s23+$0xC0]  }
0x49: {  	v14 =	vld [tilespmem:s23+$0xD0];
	v19 =	vadd.f32 v13, v19  }
0x4a: {  	s24 =	simm.s32 $0x200;
	v18 =	vadd.f32 v18, v20;
	v13 =	vld [tilespmem:s23+$0xE0]  }
.LBB2_3:
0x4b: {  	p2 =	sne.s32 s24, $0x7E00;
	v6 =	vadd.f32 v6, v19;
	v12 =	vadd.f32 v12, v17;
	v17 =	vld [tilespmem:s23+$0xF0]  }
0x4c: {  	v5 =	vadd.f32 v5, v18;
	v11 =	vadd.f32 v11, v16;
	v16 =	vld [tilespmem:s23+$0x40E0]  }
0x4d: {  	s25 =	sshra.s32 s24, $0x2;
	[tilespmem:s23+$0x80] =	vst v6;
	v4 =	vadd.f32 v4, v12;
	v10 =	vadd.f32 v10, v15;
	v12 =	vld [tilespmem:s23+$0x40F0]  }
0x4e: {  	v6 =	vld [tilespmem:s25+$0x4080];
	[tilespmem:s23+$0x90] =	vst v5;
	v3 =	vadd.f32 v3, v11;
	v9 =	vadd.f32 v9, v14  }
0x4f: {  	v5 =	vld [tilespmem:s25+$0x4090];
	[tilespmem:s23+$0xA0] =	vst v4;
	v2 =	vadd.f32 v2, v10;
	v8 =	vadd.f32 v8, v13  }
0x50: {  	v4 =	vld [tilespmem:s25+$0x40A0];
	[tilespmem:s23+$0xB0] =	vst v3;
	v1 =	vadd.f32 v1, v9;
	v7 =	vadd.f32 v7, v17  }
0x51: {  	v3 =	vld [tilespmem:s25+$0x40B0];
	[tilespmem:s23+$0xC0] =	vst v2;
	v8 =	vadd.f32 v16, v8  }
0x52: {  	v2 =	vld [tilespmem:s25+$0x40C0];
	[tilespmem:s23+$0xD0] =	vst v1;
	v7 =	vadd.f32 v12, v7  }
0x53: {  	v1 =	vld [tilespmem:s25+$0x40D0];
	[tilespmem:s23+$0xE0] =	vst v8  }
0x54: {  	v13 =	vld [tilespmem:s25+$0x2080];
	[tilespmem:s23+$0xF0] =	vst v7;
	s23 =	smov.u32 s25  }
0x55: {  	v18 =	vld [tilespmem:s23+$0x2090]  }
0x56: {  	v12 =	vld [tilespmem:s23+$0x20A0]  }
0x57: {  	v11 =	vld [tilespmem:s23+$0x20B0]  }
0x58: {  	v10 =	vld [tilespmem:s23+$0x20C0]  }
0x59: {  	v9 =	vld [tilespmem:s23+$0x20D0]  }
0x5a: {  	v8 =	vld [tilespmem:s23+$0x20E0]  }
0x5b: {  	v7 =	vld [tilespmem:s23+$0x20F0]  }
0x5c: {  	v14 =	vld [tilespmem:s23+$0x80]  }
0x5d: {  	v20 =	vld [tilespmem:s23+$0x90]  }
.Ltmp2:
0x5e: {  	v17 =	vld [tilespmem:s23+$0xA0];
	(pc) =	sbr.rel @p2 .LBB2_3-.Ltmp2, $4  }
0x5f: {  	v16 =	vld [tilespmem:s23+$0xB0]  }
0x60: {  	v15 =	vld [tilespmem:s23+$0xC0]  }
0x61: {  	v19 =	vadd.f32 v13, v14;
	v14 =	vld [tilespmem:s23+$0xD0]  }
0x62: {  	s24 =	sadd.s32 $0x200, s24;
	v18 =	vadd.f32 v18, v20;
	v13 =	vld [tilespmem:s23+$0xE0]  }
0x63: {  	v6 =	vadd.f32 v6, v19;
	v58 =	vld [tilespmem:s23+$0xF0];
	v12 =	vadd.f32 v12, v17  }
0x64: {  	v59 =	vld [tilespmem:s23+$0x40E0];
	v5 =	vadd.f32 v5, v18;
	v11 =	vadd.f32 v11, v16  }
0x65: {  	v61 =	vld [tilespmem:s23+$0x40F0];
	[tilespmem:s23+$0x80] =	vst v6;
	v4 =	vadd.f32 v4, v12;
	v60 =	vadd.f32 v10, v15  }
0x66: {  	[tilespmem:s23+$0x90] =	vst v5;
	v3 =	vadd.f32 v3, v11;
	v62 =	vadd.f32 v9, v14  }
0x67: {  	[tilespmem:s23+$0xA0] =	vst v4;
	v2 =	vadd.f32 v2, v60;
	v63 =	vadd.f32 v8, v13  }
0x68: {  	[tilespmem:s23+$0xB0] =	vst v3;
	v1 =	vadd.f32 v1, v62;
	v3 =	vadd.f32 v7, v58  }
0x69: {  	[tilespmem:s23+$0xC0] =	vst v2;
	v2 =	vadd.f32 v59, v63  }
0x6a: {  	p2 =	slt.u32 @!p0 s21, $0x4;
	[tilespmem:s23+$0xD0] =	vst v1;
	v1 =	vadd.f32 v61, v3  }
0x6b: {  	p2 =	por p0, !p2;
	[tilespmem:s23+$0xE0] =	vst v2  }
.Ltmp3:
0x6c: {  	s22 =	sadd.s32 s4, s22;
	[tilespmem:s23+$0xF0] =	vst v1;
	(pc) =	sbr.rel @!p2 .LBB2_2-.Ltmp3, $4  }
0x6d: {  	[hbm4b:s22+s6] =	stream.linear.scatter [tilespmem:s16], [sflag:$0x2], $0x2000, $0x38;
	[tilespmem:$0x6080] =	vst v63  }
0x6e: {  	_ =	swait.ge [sflag:s14], $0x2000  }
0x6f: {  	[sflag:s14] =	ssyncset.done $0x0  }
0x70: {  	s21 =	sadd.s32 $0x1, s21;
	[sflag:s14] =	ssyncadd.s32 $0xFFFFE000  }
.Ltmp4:
0x71: {  	(pc) =	sbr.rel @p1 .LBB2_9-.Ltmp4, $1  }
0x72: {  	_ =	sdelay $0x3  }
0x73: {  	s21 =	simm.s32 $0x0  }
0x74: {  	[tilespmem:s21], [sflag:$0x2] =	stream.linear.gather [hbm4b:s9+s21], $0x10, $0x38;
	[tilespmem:$0x6080] =	vst v63  }
0x75: {  	_ =	swait.ge [sflag:s14], $0x10  }
0x76: {  	[sflag:s14] =	ssyncset.done $0x0  }
0x77: {  	[sflag:s14] =	ssyncadd.s32 $0xFFFFFFF0  }
0x78: {  	[tilespmem:s15], [sflag:$0x2] =	stream.linear.gather [hbm4b:s10+s21], $0x10, $0x38;
	[tilespmem:$0x6080] =	vst v63  }
0x79: {  	_ =	swait.ge [sflag:s14], $0x10  }
0x7a: {  	[sflag:s14] =	ssyncset.done $0x0  }
0x7b: {  	[sflag:s14] =	ssyncadd.s32 $0xFFFFFFF0  }
0x7c: {  	[tilespmem:s16], [sflag:$0x2] =	stream.linear.gather [hbm4b:s11+s21], $0x800, $0x38;
	[tilespmem:$0x6080] =	vst v63  }
0x7d: {  	_ =	swait.ge [sflag:s14], $0x800  }
0x7e: {  	[sflag:s14] =	ssyncset.done $0x0  }
0x7f: {  	[sflag:s14] =	ssyncadd.s32 $0xFFFFF800  }
0x80: {  	[tilespmem:s17], [sflag:$0x1] =	stream.indirect.gather [hbm4b:s2+s15], $0x80, s21, s15, $0xb8;
	[tilespmem:$0x6080] =	vst v63  }
0x81: {  	_ = 	snop  }
0x82: {  	[tilespmem:s18], [sflag:$0x1] =	stream.indirect.gather [hbm4b:s3+s15], $0x80, s15, s15, $0xb8;
	[tilespmem:$0x6080] =	vst v63  }
0x83: {  	_ =	swait.ge [sflag:s19], $0x2000  }
0x84: {  	[sflag:s19] =	ssyncset.done $0x0  }
0x85: {  	[sflag:s19] =	ssyncadd.s32 $0xFFFFE000  }
0x86: {  	_ =	swait.ge [sflag:s19], $0x2000  }
0x87: {  	[sflag:s19] =	ssyncset.done $0x0  }
0x88: {  	s21 =	simm.s32 $0x0;
	[sflag:s19] =	ssyncadd.s32 $0xFFFFE000  }
0x89: {  	v6 =	vld [tilespmem:s21+$0x4080]  }
0x8a: {  	v5 =	vld [tilespmem:s21+$0x4090]  }
0x8b: {  	v4 =	vld [tilespmem:s21+$0x40A0]  }
0x8c: {  	v3 =	vld [tilespmem:s21+$0x40B0]  }
0x8d: {  	v2 =	vld [tilespmem:s21+$0x40C0]  }
0x8e: {  	v1 =	vld [tilespmem:s21+$0x40D0]  }
0x8f: {  	v13 =	vld [tilespmem:s21+$0x2080]  }
0x90: {  	v18 =	vld [tilespmem:s21+$0x2090]  }
0x91: {  	v12 =	vld [tilespmem:s21+$0x20A0]  }
0x92: {  	v11 =	vld [tilespmem:s21+$0x20B0]  }
0x93: {  	v10 =	vld [tilespmem:s21+$0x20C0]  }
0x94: {  	v9 =	vld [tilespmem:s21+$0x20D0]  }
0x95: {  	v8 =	vld [tilespmem:s21+$0x20E0]  }
0x96: {  	v7 =	vld [tilespmem:s21+$0x20F0]  }
0x97: {  	v19 =	vld [tilespmem:s21+$0x80]  }
0x98: {  	v20 =	vld [tilespmem:s21+$0x90]  }
0x99: {  	v17 =	vld [tilespmem:s21+$0xA0]  }
0x9a: {  	v16 =	vld [tilespmem:s21+$0xB0]  }
0x9b: {  	v15 =	vld [tilespmem:s21+$0xC0]  }
0x9c: {  	v14 =	vld [tilespmem:s21+$0xD0];
	v19 =	vadd.f32 v13, v19  }
0x9d: {  	s22 =	simm.s32 $0x200;
	v18 =	vadd.f32 v18, v20;
	v13 =	vld [tilespmem:s21+$0xE0]  }
.LBB2_7:
0x9e: {  	p2 =	sne.s32 s22, $0x1E00;
	v6 =	vadd.f32 v6, v19;
	v12 =	vadd.f32 v12, v17;
	v17 =	vld [tilespmem:s21+$0xF0]  }
0x9f: {  	v5 =	vadd.f32 v5, v18;
	v11 =	vadd.f32 v11, v16;
	v16 =	vld [tilespmem:s21+$0x40E0]  }
0xa0: {  	s23 =	sshra.s32 s22, $0x2;
	[tilespmem:s21+$0x80] =	vst v6;
	v4 =	vadd.f32 v4, v12;
	v10 =	vadd.f32 v10, v15;
	v12 =	vld [tilespmem:s21+$0x40F0]  }
0xa1: {  	v6 =	vld [tilespmem:s23+$0x4080];
	[tilespmem:s21+$0x90] =	vst v5;
	v3 =	vadd.f32 v3, v11;
	v9 =	vadd.f32 v9, v14  }
0xa2: {  	v5 =	vld [tilespmem:s23+$0x4090];
	[tilespmem:s21+$0xA0] =	vst v4;
	v2 =	vadd.f32 v2, v10;
	v8 =	vadd.f32 v8, v13  }
0xa3: {  	v4 =	vld [tilespmem:s23+$0x40A0];
	[tilespmem:s21+$0xB0] =	vst v3;
	v1 =	vadd.f32 v1, v9;
	v7 =	vadd.f32 v7, v17  }
0xa4: {  	v3 =	vld [tilespmem:s23+$0x40B0];
	[tilespmem:s21+$0xC0] =	vst v2;
	v8 =	vadd.f32 v16, v8  }
0xa5: {  	v2 =	vld [tilespmem:s23+$0x40C0];
	[tilespmem:s21+$0xD0] =	vst v1;
	v7 =	vadd.f32 v12, v7  }
0xa6: {  	v1 =	vld [tilespmem:s23+$0x40D0];
	[tilespmem:s21+$0xE0] =	vst v8  }
0xa7: {  	v13 =	vld [tilespmem:s23+$0x2080];
	[tilespmem:s21+$0xF0] =	vst v7;
	s21 =	smov.u32 s23  }
0xa8: {  	v18 =	vld [tilespmem:s21+$0x2090]  }
0xa9: {  	v12 =	vld [tilespmem:s21+$0x20A0]  }
0xaa: {  	v11 =	vld [tilespmem:s21+$0x20B0]  }
0xab: {  	v10 =	vld [tilespmem:s21+$0x20C0]  }
0xac: {  	v9 =	vld [tilespmem:s21+$0x20D0]  }
0xad: {  	v8 =	vld [tilespmem:s21+$0x20E0]  }
0xae: {  	v7 =	vld [tilespmem:s21+$0x20F0]  }
0xaf: {  	v14 =	vld [tilespmem:s21+$0x80]  }
0xb0: {  	v20 =	vld [tilespmem:s21+$0x90]  }
.Ltmp5:
0xb1: {  	v17 =	vld [tilespmem:s21+$0xA0];
	(pc) =	sbr.rel @p2 .LBB2_7-.Ltmp5, $4  }
0xb2: {  	v16 =	vld [tilespmem:s21+$0xB0]  }
0xb3: {  	v15 =	vld [tilespmem:s21+$0xC0]  }
0xb4: {  	v19 =	vadd.f32 v13, v14;
	v14 =	vld [tilespmem:s21+$0xD0]  }
0xb5: {  	s22 =	sadd.s32 $0x200, s22;
	v18 =	vadd.f32 v18, v20;
	v13 =	vld [tilespmem:s21+$0xE0]  }
0xb6: {  	v6 =	vadd.f32 v6, v19;
	v58 =	vld [tilespmem:s21+$0xF0];
	v12 =	vadd.f32 v12, v17  }
0xb7: {  	v59 =	vld [tilespmem:s21+$0x40E0];
	v5 =	vadd.f32 v5, v18;
	v11 =	vadd.f32 v11, v16  }
0xb8: {  	v61 =	vld [tilespmem:s21+$0x40F0];
	[tilespmem:s21+$0x80] =	vst v6;
	v4 =	vadd.f32 v4, v12;
	v60 =	vadd.f32 v10, v15  }
0xb9: {  	[tilespmem:s21+$0x90] =	vst v5;
	v3 =	vadd.f32 v3, v11;
	v62 =	vadd.f32 v9, v14  }
0xba: {  	[tilespmem:s21+$0xA0] =	vst v4;
	v2 =	vadd.f32 v2, v60;
	v63 =	vadd.f32 v8, v13  }
0xbb: {  	[tilespmem:s21+$0xB0] =	vst v3;
	v1 =	vadd.f32 v1, v62;
	v3 =	vadd.f32 v7, v58  }
0xbc: {  	[tilespmem:s21+$0xC0] =	vst v2;
	v2 =	vadd.f32 v59, v63  }
0xbd: {  	[tilespmem:s21+$0xD0] =	vst v1;
	v1 =	vadd.f32 v61, v3  }
0xbe: {  	[tilespmem:s21+$0xE0] =	vst v2  }
.Ltmp6:
0xbf: {  	[tilespmem:s21+$0xF0] =	vst v1;
	(pc) =	sbr.rel .LBB2_9-.Ltmp6, $4  }
0xc0: {  	[hbm4b:s12+s6] =	stream.linear.scatter [tilespmem:s16], [sflag:$0x2], $0x800, $0x38;
	[tilespmem:$0x6080] =	vst v63  }
0xc1: {  	_ =	swait.ge [sflag:s14], $0x800  }
0xc2: {  	[sflag:s14] =	ssyncset.done $0x0  }
0xc3: {  	[sflag:s14] =	ssyncadd.s32 $0xFFFFF800  }
.LBB2_10:
0xc4: {  	_ =	sfence.sel $0x180000  }
0xc5: {  	[bflag:$0x0] =	sbarrier.arrive $0xFFFF  }
0xc6: {  	p0 =	sne.s32 s5, $0x0;
	_ =	strace $0x9000004A  }
0xc7: {  	s0 =	sadd.s32 @!p0 $0x100000, s0;
	[bflag:$0x2] =	sbarrier.arrive $0xFFFF  }
0xc8: {  	[sflag:s0] =	ssyncadd.tile.s32 @!p0 $0x1;
	_ =	shalt  }
.Lfunc_end2:
_tile_overlayer_lowered:
.L_overlay_start_2:
0xc9: {  	(tag) =	ssettag $0x2  }
0xca: {  	s0 =	rddreg [dreg:$0x0];
	s2 =	stileid.u32  }
0xcb: {  	s1 =	rddreg [dreg:$0x1];
	p0 =	sne.s32 s2, $0x0  }
0xcc: {  	s3 =	rddreg [dreg:$0x2];
	[bflag:$0x3] =	sbarrier.arrive $0xFFFF;
	s2 =	simm.s32 @!p0 $0x1C02  }
0xcd: {  	[timem:s3], [sflag:s2] =	dma.local @!p0 [hbm:s0], s1  }
0xce: {  	s0 =	simm.s32 @!p0 $0x2  }
0xcf: {  	_ =	swait.ge @!p0 [sflag:s0], s1  }
0xd0: {  	s1 =	ssub.s32 @!p0 $0x0, s1;
	[sflag:s0] =	ssyncset.done @!p0 $0x0  }
0xd1: {  	[sflag:s0] =	ssyncadd.s32 @!p0 s1  }
0xd2: {  	[bflag:$0x3] =	sbarrier.arrive $0xFFFF  }
0xd3: {  	_ =	shalt  }

</sc_bundles>
